<compile_context>
chip_gen: v7x
topology: tpu7x:2x2x1
jax: 0.10.2.dev20260603
libtpu: 0.0.44.dev20260713+nightly
codegen_flags: <defaults>
</compile_context>

<pallas_src>
import functools

import jax
import jax.numpy as jnp
from jax import lax
from jax.experimental import pallas as pl
from jax.experimental.pallas import tpu as pltpu
from jax.experimental.pallas import tpu_sc as plsc

N_NODES = 10000
N_EDGES = 320000
D_IN = 128
D_H = 256
N_GRAPHS = 64
EPS = 1e-5

NROWS = 10240
ROWS_PER_TILE = NROWS // 16
TRASH = 10008
CK = 128
AGG_CHUNKS = 160
AGG_PH = 40
E_PAD = 16 * AGG_CHUNKS * CK
DEG_CHUNKS = 80

_HIGH = lax.Precision.HIGHEST


def _dot(a, b):
    return jnp.dot(a, b, preferred_element_type=jnp.float32)



BLK = 1000
GRID = N_NODES // BLK


def _dinv_block(degp_b):
    deg = degp_b[0, :, 0:1] + degp_b[1, :, 0:1] + 1.0
    return lax.rsqrt(deg)


def _tc_a_body(x_ref, w1_ref, degp_ref, hs_ref):
    dinv = _dinv_block(degp_ref[...])
    hs = _dot(x_ref[...], w1_ref[...]) * dinv
    hs_ref[0] = hs[:, :128]
    hs_ref[1] = hs[:, 128:]


def _q_block(agg_ref, hs_ref, dinv, p):
    return dinv * (agg_ref[p] + hs_ref[p])


def _stats_body(agg_ref, hs_ref, degp_ref, sum_ref, sq_ref):
    i = pl.program_id(0)
    dinv = _dinv_block(degp_ref[...])
    q0 = _q_block(agg_ref, hs_ref, dinv, 0)
    q1 = _q_block(agg_ref, hs_ref, dinv, 1)
    s = jnp.concatenate([jnp.sum(q0, axis=0, keepdims=True),
                         jnp.sum(q1, axis=0, keepdims=True)], axis=0)
    sq = jnp.concatenate([jnp.sum(q0 * q0, axis=0, keepdims=True),
                          jnp.sum(q1 * q1, axis=0, keepdims=True)], axis=0)

    @pl.when(i == 0)
    def _():
        sum_ref[...] = s
        sq_ref[...] = sq

    @pl.when(i != 0)
    def _():
        sum_ref[...] += s
        sq_ref[...] += sq


def _bn_relu(q, sum_ref, sq_ref, g_ref, bt_ref, p):
    sl = slice(p * 128, (p + 1) * 128)
    m = sum_ref[p:p + 1, :] * (1.0 / N_NODES)
    v = sq_ref[p:p + 1, :] * (1.0 / N_NODES) - m * m
    hn = (q - m) * lax.rsqrt(v + EPS) * g_ref[0, sl] + bt_ref[0, sl]
    return jnp.maximum(hn, 0.0)


def _tc_b_body(agg_ref, hs_ref, degp_ref, sum_ref, sq_ref,
               g_ref, bt_ref, w_ref, hsn_ref):
    dinv = _dinv_block(degp_ref[...])
    h0 = _bn_relu(_q_block(agg_ref, hs_ref, dinv, 0),
                  sum_ref, sq_ref, g_ref, bt_ref, 0)
    h1 = _bn_relu(_q_block(agg_ref, hs_ref, dinv, 1),
                  sum_ref, sq_ref, g_ref, bt_ref, 1)
    hs = (_dot(h0, w_ref[:128, :]) + _dot(h1, w_ref[128:, :])) * dinv
    hsn_ref[0] = hs[:, :128]
    hsn_ref[1] = hs[:, 128:]


def _tc_c_body(agg_ref, hs_ref, degp_ref, sum_ref, sq_ref,
               g_ref, bt_ref, batch_ref, ps0_ref, ps1_ref, cnt_ref):
    i = pl.program_id(0)
    dinv = _dinv_block(degp_ref[...])
    h0 = _bn_relu(_q_block(agg_ref, hs_ref, dinv, 0),
                  sum_ref, sq_ref, g_ref, bt_ref, 0)
    h1 = _bn_relu(_q_block(agg_ref, hs_ref, dinv, 1),
                  sum_ref, sq_ref, g_ref, bt_ref, 1)
    ids = lax.broadcasted_iota(jnp.int32, (N_GRAPHS, BLK), 0)
    pt = jnp.where(ids == batch_ref[0], 1.0, 0.0)
    s0 = _dot(pt, h0)
    s1 = _dot(pt, h1)
    cnt = jnp.sum(pt, axis=1, keepdims=True)

    @pl.when(i == 0)
    def _():
        ps0_ref[...] = s0
        ps1_ref[...] = s1
        cnt_ref[...] = cnt

    @pl.when(i != 0)
    def _():
        ps0_ref[...] += s0
        ps1_ref[...] += s1
        cnt_ref[...] += cnt


def _tc_c2_body(ps0_ref, ps1_ref, cnt_ref, wc_ref, bc_ref, out_ref):
    cnt = jnp.maximum(cnt_ref[...], 1.0)
    p0 = ps0_ref[...] / cnt
    p1 = ps1_ref[...] / cnt
    out_ref[...] = _dot(p0, wc_ref[:128, :]) + _dot(p1, wc_ref[128:, :]) \
        + bc_ref[...]


def _tc_a2_body(x_ref, degp_ref, xs_ref):
    xs_ref[...] = x_ref[...] * _dinv_block(degp_ref[...])


def _stats1_body(aggp_ref, xs_ref, degp_ref, w1_ref, pre_ref, sum_ref, sq_ref):
    i = pl.program_id(0)
    dinv = _dinv_block(degp_ref[...])
    q = dinv * (aggp_ref[0] + aggp_ref[1] + xs_ref[...])
    pre = _dot(q, w1_ref[...])
    pre_ref[0] = pre[:, :128]
    pre_ref[1] = pre[:, 128:]
    s = jnp.concatenate([jnp.sum(pre[:, :128], axis=0, keepdims=True),
                         jnp.sum(pre[:, 128:], axis=0, keepdims=True)], axis=0)
    p2 = pre * pre
    sq = jnp.concatenate([jnp.sum(p2[:, :128], axis=0, keepdims=True),
                          jnp.sum(p2[:, 128:], axis=0, keepdims=True)], axis=0)

    @pl.when(i == 0)
    def _():
        sum_ref[...] = s
        sq_ref[...] = sq

    @pl.when(i != 0)
    def _():
        sum_ref[...] += s
        sq_ref[...] += sq


def _apply1_body(pre_ref, degp_ref, sum_ref, sq_ref, g_ref, bt_ref, w_ref,
                 hsn_ref):
    dinv = _dinv_block(degp_ref[...])
    h0 = _bn_relu(pre_ref[0], sum_ref, sq_ref, g_ref, bt_ref, 0)
    h1 = _bn_relu(pre_ref[1], sum_ref, sq_ref, g_ref, bt_ref, 1)
    hs = (_dot(h0, w_ref[:128, :]) + _dot(h1, w_ref[128:, :])) * dinv
    hsn_ref[0] = hs[:, :128]
    hsn_ref[1] = hs[:, 128:]


def _row_spec(last):
    return pl.BlockSpec((BLK, last), lambda i: (i, 0))


_AGG_SPEC = pl.BlockSpec((2, BLK, 128), lambda i: (0, i, 0))
_DEGP_SPEC = pl.BlockSpec((2, BLK, 128), lambda i: (0, i, 0))


def _const_spec(shape):
    nd = len(shape)
    return pl.BlockSpec(shape, lambda i: (0,) * nd)


_HS_SPEC = pl.BlockSpec((2, BLK, 128), lambda i: (0, i, 0))
_HS_SHAPE = jax.ShapeDtypeStruct((2, N_NODES, 128), jnp.float32)


def _tc_a(x, w1, degp):
    return pl.pallas_call(
        _tc_a_body,
        grid=(GRID,),
        in_specs=[_row_spec(128), _const_spec((128, 256)), _DEGP_SPEC],
        out_specs=_HS_SPEC,
        out_shape=_HS_SHAPE,
    )(x, w1, degp)


def _tc_a2(x, degp):
    return pl.pallas_call(
        _tc_a2_body,
        grid=(GRID,),
        in_specs=[_row_spec(128), _DEGP_SPEC],
        out_specs=_row_spec(128),
        out_shape=jax.ShapeDtypeStruct((N_NODES, 128), jnp.float32),
    )(x, degp)


def _tc_b1(aggp, xs, degp, w1, g, bt, w2):
    pre, s, sq = pl.pallas_call(
        _stats1_body,
        grid=(GRID,),
        in_specs=[_AGG_SPEC, _row_spec(128), _DEGP_SPEC,
                  _const_spec((128, 256))],
        out_specs=(_HS_SPEC, _const_spec((2, 128)), _const_spec((2, 128))),
        out_shape=(_HS_SHAPE,
                   jax.ShapeDtypeStruct((2, 128), jnp.float32),
                   jax.ShapeDtypeStruct((2, 128), jnp.float32)),
    )(aggp, xs, degp, w1)
    return pl.pallas_call(
        _apply1_body,
        grid=(GRID,),
        in_specs=[_HS_SPEC, _DEGP_SPEC,
                  _const_spec((2, 128)), _const_spec((2, 128)),
                  _const_spec((1, 256)), _const_spec((1, 256)),
                  _const_spec((256, 256))],
        out_specs=_HS_SPEC,
        out_shape=_HS_SHAPE,
    )(pre, degp, s, sq, g, bt, w2)


def _tc_stats(agg, hs, degp):
    return pl.pallas_call(
        _stats_body,
        grid=(GRID,),
        in_specs=[_AGG_SPEC, _HS_SPEC, _DEGP_SPEC],
        out_specs=(_const_spec((2, 128)), _const_spec((2, 128))),
        out_shape=(jax.ShapeDtypeStruct((2, 128), jnp.float32),
                   jax.ShapeDtypeStruct((2, 128), jnp.float32)),
    )(agg, hs, degp)


def _tc_b(agg, hs, degp, g, bt, w):
    s, sq = _tc_stats(agg, hs, degp)
    return pl.pallas_call(
        _tc_b_body,
        grid=(GRID,),
        in_specs=[_AGG_SPEC, _HS_SPEC, _DEGP_SPEC,
                  _const_spec((2, 128)), _const_spec((2, 128)),
                  _const_spec((1, 256)), _const_spec((1, 256)),
                  _const_spec((256, 256))],
        out_specs=_HS_SPEC,
        out_shape=_HS_SHAPE,
    )(agg, hs, degp, s, sq, g, bt, w)


def _tc_c(agg, hs, degp, g, bt, batch2d, wc, bc):
    s, sq = _tc_stats(agg, hs, degp)
    ps0, ps1, cnt = pl.pallas_call(
        _tc_c_body,
        grid=(GRID,),
        in_specs=[_AGG_SPEC, _HS_SPEC, _DEGP_SPEC,
                  _const_spec((2, 128)), _const_spec((2, 128)),
                  _const_spec((1, 256)), _const_spec((1, 256)),
                  pl.BlockSpec((1, 1, BLK), lambda i: (i, 0, 0))],
        out_specs=(_const_spec((N_GRAPHS, 128)), _const_spec((N_GRAPHS, 128)),
                   _const_spec((N_GRAPHS, 1))),
        out_shape=(jax.ShapeDtypeStruct((N_GRAPHS, 128), jnp.float32),
                   jax.ShapeDtypeStruct((N_GRAPHS, 128), jnp.float32),
                   jax.ShapeDtypeStruct((N_GRAPHS, 1), jnp.float32)),
    )(agg, hs, degp, s, sq, g, bt, batch2d)
    return pl.pallas_call(
        _tc_c2_body,
        out_shape=jax.ShapeDtypeStruct((N_GRAPHS, 2), jnp.float32),
    )(ps0, ps1, cnt, wc, bc)



@functools.cache
def _sc_kernels():
    mesh = plsc.VectorSubcoreMesh(core_axis_name="c", subcore_axis_name="s",
                                  num_cores=2, num_subcores=16)

    @functools.partial(
        pl.kernel,
        out_type=jax.ShapeDtypeStruct((2, NROWS, 128), jnp.float32),
        mesh=mesh,
        scratch_types=[
            pltpu.VMEM((DEG_CHUNKS, CK), jnp.int32),
            pltpu.VMEM((CK, 128), jnp.float32),
            pltpu.VMEM_SHARED((NROWS, 128), jnp.float32),
            pltpu.SemaphoreType.DMA,
            pltpu.SemaphoreType.DMA,
        ],
    )
    def _deg_kernel(dstp_hbm, ones_hbm, zeros_hbm, out_hbm,
                    didx, ones_v, acc, sema, semb):
        c = lax.axis_index("c")
        s = lax.axis_index("s")
        pltpu.sync_copy(zeros_hbm,
                        acc.at[pl.ds(s * ROWS_PER_TILE, ROWS_PER_TILE)])
        pltpu.sync_copy(ones_hbm, ones_v)
        w = s * 2 + c
        pltpu.sync_copy(dstp_hbm.at[w], didx)
        plsc.subcore_barrier()

        def scat_start(i, sem):
            pltpu.async_copy(ones_v, acc.at[didx.at[i]], sem, add=True)

        def scat_wait(i, sem):
            pltpu.make_async_copy(ones_v, acc.at[didx.at[i]], sem).wait()

        scat_start(0, sema)

        def body(j, carry):
            i = j * 2
            scat_start(i + 1, semb)
            scat_wait(i, sema)

            @pl.when(j + 1 < DEG_CHUNKS // 2)
            def _():
                scat_start(i + 2, sema)

            scat_wait(i + 1, semb)
            return carry

        lax.fori_loop(0, DEG_CHUNKS // 2, body, 0)
        plsc.subcore_barrier()
        sl = pl.ds(s * ROWS_PER_TILE, ROWS_PER_TILE)
        pltpu.sync_copy(acc.at[sl], out_hbm.at[c, sl])

    @functools.partial(
        pl.kernel,
        out_type=jax.ShapeDtypeStruct((2, NROWS, 128), jnp.float32),
        mesh=mesh,
        scratch_types=[
            pltpu.VMEM((AGG_PH, CK), jnp.int32),
            pltpu.VMEM((AGG_PH, CK), jnp.int32),
            pltpu.VMEM((CK, 128), jnp.float32),
            pltpu.VMEM((CK, 128), jnp.float32),
            pltpu.VMEM_SHARED((NROWS, 128), jnp.float32),
            pltpu.SemaphoreType.DMA,
            pltpu.SemaphoreType.DMA,
        ],
    )
    def _agg_kernel(hs_hbm, srcp_hbm, dstp_hbm, zeros_hbm, out_hbm,
                    sidx, didx, bufa, bufb, acc, sema, semb):
        c = lax.axis_index("c")
        s = lax.axis_index("s")
        pltpu.sync_copy(zeros_hbm,
                        acc.at[pl.ds(s * ROWS_PER_TILE, ROWS_PER_TILE)])
        plsc.subcore_barrier()

        def g(i, buf, sem):
            return pltpu.make_async_copy(hs_hbm.at[c].at[sidx.at[i]], buf, sem)

        def scat(i, buf):
            pltpu.sync_copy(buf, acc.at[didx.at[i]], add=True)

        def phase(p, carry):
            pltpu.sync_copy(srcp_hbm.at[s, pl.ds(p * AGG_PH, AGG_PH)], sidx)
            pltpu.sync_copy(dstp_hbm.at[s, pl.ds(p * AGG_PH, AGG_PH)], didx)
            g(0, bufa, sema).start()

            def body(j, carry2):
                i = j * 2
                g(i, bufa, sema).wait()
                g(i + 1, bufb, semb).start()
                scat(i, bufa)
                g(i + 1, bufb, semb).wait()

                @pl.when(j + 1 < AGG_PH // 2)
                def _():
                    g(i + 2, bufa, sema).start()

                scat(i + 1, bufb)
                return carry2

            lax.fori_loop(0, AGG_PH // 2, body, 0)
            return carry

        lax.fori_loop(0, AGG_CHUNKS // AGG_PH, phase, 0)
        plsc.subcore_barrier()
        sl = pl.ds(s * ROWS_PER_TILE, ROWS_PER_TILE)
        pltpu.sync_copy(acc.at[sl], out_hbm.at[c, sl])

    @functools.partial(
        pl.kernel,
        out_type=jax.ShapeDtypeStruct((2, NROWS, 128), jnp.float32),
        mesh=mesh,
        scratch_types=[
            pltpu.VMEM((AGG_PH, CK), jnp.int32),
            pltpu.VMEM((AGG_PH, CK), jnp.int32),
            pltpu.VMEM((CK, 128), jnp.float32),
            pltpu.VMEM((CK, 128), jnp.float32),
            pltpu.VMEM_SHARED((NROWS, 128), jnp.float32),
            pltpu.SemaphoreType.DMA,
            pltpu.SemaphoreType.DMA,
        ],
    )
    def _agg1_kernel(xs_hbm, srcp_hbm, dstp_hbm, zeros_hbm, out_hbm,
                     sidx, didx, bufa, bufb, acc, sema, semb):
        c = lax.axis_index("c")
        s = lax.axis_index("s")
        w = s * 2 + c
        pltpu.sync_copy(zeros_hbm,
                        acc.at[pl.ds(s * ROWS_PER_TILE, ROWS_PER_TILE)])
        plsc.subcore_barrier()

        def g(i, buf, sem):
            return pltpu.make_async_copy(xs_hbm.at[sidx.at[i]], buf, sem)

        def scat(i, buf):
            pltpu.sync_copy(buf, acc.at[didx.at[i]], add=True)

        def phase(p, carry):
            pltpu.sync_copy(srcp_hbm.at[w, pl.ds(p * AGG_PH, AGG_PH)], sidx)
            pltpu.sync_copy(dstp_hbm.at[w, pl.ds(p * AGG_PH, AGG_PH)], didx)
            g(0, bufa, sema).start()

            def body(j, carry2):
                i = j * 2
                g(i, bufa, sema).wait()
                g(i + 1, bufb, semb).start()
                scat(i, bufa)
                g(i + 1, bufb, semb).wait()

                @pl.when(j + 1 < AGG_PH // 2)
                def _():
                    g(i + 2, bufa, sema).start()

                scat(i + 1, bufb)
                return carry2

            lax.fori_loop(0, AGG_PH // 2, body, 0)
            return carry

        lax.fori_loop(0, DEG_CHUNKS // AGG_PH, phase, 0)
        plsc.subcore_barrier()
        sl = pl.ds(s * ROWS_PER_TILE, ROWS_PER_TILE)
        pltpu.sync_copy(acc.at[sl], out_hbm.at[c, sl])

    return _deg_kernel, _agg_kernel, _agg1_kernel



def kernel(x, edge_index, batch, W1, b1, g1, bt1, W2, b2, g2, bt2,
           W3, b3, g3, bt3, Wc, bc):
    src = edge_index[0]
    dst = edge_index[1]
    pad = E_PAD - N_EDGES
    srcp = jnp.concatenate([src, jnp.zeros((pad,), src.dtype)])
    dstp = jnp.concatenate([dst, jnp.full((pad,), TRASH, dst.dtype)])
    srcp3 = srcp.reshape(16, AGG_CHUNKS, CK)
    dstp3 = dstp.reshape(16, AGG_CHUNKS, CK)
    srcp3d = srcp.reshape(32, DEG_CHUNKS, CK)
    dstp3d = dstp.reshape(32, DEG_CHUNKS, CK)
    zeros_t = jnp.zeros((ROWS_PER_TILE, 128), jnp.float32)
    ones_t = jnp.ones((CK, 128), jnp.float32)

    del b1, b2, b3

    _deg_kernel, _agg_kernel, _agg1_kernel = _sc_kernels()
    degp = _deg_kernel(dstp3d, ones_t, zeros_t)
    hs = _tc_a(x, W1, degp)

    g1r, bt1r = g1.reshape(1, -1), bt1.reshape(1, -1)
    g2r, bt2r = g2.reshape(1, -1), bt2.reshape(1, -1)
    g3r, bt3r = g3.reshape(1, -1), bt3.reshape(1, -1)

    agg = _agg_kernel(hs, srcp3, dstp3, zeros_t)
    hs = _tc_b(agg, hs, degp, g1r, bt1r, W2)
    agg = _agg_kernel(hs, srcp3, dstp3, zeros_t)
    hs = _tc_b(agg, hs, degp, g2r, bt2r, W3)
    agg = _agg_kernel(hs, srcp3, dstp3, zeros_t)
    return _tc_c(agg, hs, degp, g3r, bt3r,
                 batch.reshape(GRID, 1, BLK), Wc, bc.reshape(1, -1))

# --- scband reference (transcript-rebuilt; emitter-appended) ---
"""Pipeline reference for scband-gcn-13993003450904 (READ-ONLY COPY).

The authoritative reference and input builder live on the scoring server;
editing this copy changes nothing except your own understanding.
"""

import jax, jax.numpy as jnp
import numpy as np

N_NODES = 10000
N_EDGES = 320000
D_IN = 128
D_H = 256
N_CLASSES = 2
N_GRAPHS = 64
EPS = 1e-5


def gcn_conv(x, edge_index, W, b):
    n = x.shape[0]
    src = edge_index[0]
    dst = edge_index[1]
    loop = jnp.arange(n, dtype=edge_index.dtype)
    src = jnp.concatenate([src, loop])
    dst = jnp.concatenate([dst, loop])
    deg = jnp.zeros((n,), dtype=x.dtype).at[dst].add(1.0)
    dinv = jnp.where(deg > 0, deg ** -0.5, 0.0)
    norm = dinv[src] * dinv[dst]
    h = x @ W
    msg = h[src] * norm[:, None]
    out = jax.ops.segment_sum(msg, dst, num_segments=n)
    return out + b


def batch_norm(x, gamma, beta):
    m = jnp.mean(x, axis=0)
    v = jnp.var(x, axis=0)
    return (x - m) / jnp.sqrt(v + EPS) * gamma + beta


def setup_inputs(seed: int = 0) -> dict:
    key = jax.random.key(seed)
    ks = jax.random.split(key, 16)
    x = jax.random.normal(ks[0], (N_NODES, D_IN), dtype=jnp.float32)
    edge_index = jax.random.randint(ks[1], (2, N_EDGES), 0, N_NODES, dtype=jnp.int64 if jax.config.jax_enable_x64 else jnp.int32).astype(jnp.int32)
    batch = jnp.sort(jax.random.randint(ks[2], (N_NODES,), 0, N_GRAPHS)).astype(jnp.int32)
    def lin(k, fan_in, shape):
        return jax.random.normal(k, shape, dtype=jnp.float32) * (1.0 / np.sqrt(fan_in))
    inp = {
        'x': x, 'edge_index': edge_index, 'batch': batch,
        'W1': lin(ks[3], D_IN, (D_IN, D_H)), 'b1': jnp.zeros((D_H,), jnp.float32),
        'g1': jnp.ones((D_H,), jnp.float32), 'bt1': jnp.zeros((D_H,), jnp.float32),
        'W2': lin(ks[4], D_H, (D_H, D_H)), 'b2': jnp.zeros((D_H,), jnp.float32),
        'g2': jnp.ones((D_H,), jnp.float32), 'bt2': jnp.zeros((D_H,), jnp.float32),
        'W3': lin(ks[5], D_H, (D_H, D_H)), 'b3': jnp.zeros((D_H,), jnp.float32),
        'g3': jnp.ones((D_H,), jnp.float32), 'bt3': jnp.zeros((D_H,), jnp.float32),
        'Wc': lin(ks[6], D_H, (D_H, N_CLASSES)), 'bc': jnp.zeros((N_CLASSES,), jnp.float32),
    }
    return inp


def reference(x, edge_index, batch, W1, b1, g1, bt1, W2, b2, g2, bt2, W3, b3, g3, bt3, Wc, bc):
    h = x
    layers = [(W1, b1, g1, bt1), (W2, b2, g2, bt2), (W3, b3, g3, bt3)]
    for (W, b, g, bt) in layers:
        h = gcn_conv(h, edge_index, W, b)
        h = batch_norm(h, g, bt)
        h = jax.nn.relu(h)
        # dropout is identity in deterministic reference (eval semantics)
    sums = jax.ops.segment_sum(h, batch, num_segments=N_GRAPHS)
    counts = jax.ops.segment_sum(jnp.ones((h.shape[0],), h.dtype), batch, num_segments=N_GRAPHS)
    pooled = sums / jnp.clip(counts, 1.0, None)[:, None]
    return pooled @ Wc + bc

if __name__ == "__main__":
    import jax
    _d = setup_inputs()
    print(jax.jit(kernel)(*tuple(_d.values())))

</pallas_src>

<mosaic_0001>
#map = affine_map<(d0, d1) -> (0, 0, 0)>
#map1 = affine_map<(d0, d1) -> (0, 0)>
module attributes {stable_mosaic.version = 14 : i64} {
  func.func @_agg_kernel(%arg0: i32, %arg1: i32, %arg2: memref<2x10000x128xf32, #tpu.memory_space<hbm>>, %arg3: memref<16x160x128xi32, #tpu.memory_space<hbm>>, %arg4: memref<16x160x128xi32, #tpu.memory_space<hbm>>, %arg5: memref<640x128xf32, #tpu.memory_space<hbm>>, %arg6: memref<2x10240x128xf32, #tpu.memory_space<hbm>>, %arg7: memref<40x128xi32, #tpu.memory_space<vmem>>, %arg8: memref<40x128xi32, #tpu.memory_space<vmem>>, %arg9: memref<128x128xf32, #tpu.memory_space<vmem>>, %arg10: memref<128x128xf32, #tpu.memory_space<vmem>>, %arg11: memref<10240x128xf32, #tpu.memory_space<vmem_shared>>, %arg12: memref<!tpu.dma_semaphore, #tpu.memory_space<semaphore_mem>>, %arg13: memref<!tpu.dma_semaphore, #tpu.memory_space<semaphore_mem>>) attributes {dimension_semantics = [#tpu.dimension_semantics<core_parallel>, #tpu.dimension_semantics<subcore_parallel>], iteration_bounds = array<i64: 2, 16>, scalar_prefetch = 0 : i64, scratch_operands = 7 : i64, tpu.core_type = #tpu.core_type<sc_vector_subcore>, window_params = [{transform_indices = #map}, {transform_indices = #map}, {transform_indices = #map}, {transform_indices = #map1}, {transform_indices = #map}]} {
    %mul3A = arith.constant 640 : i32
    %mul3A_0 = arith.muli %arg1, %mul3A : i32
    "tpu.region"() ({
      %run_scoped3A = tpu.sem_alloc : memref<!tpu.dma_semaphore, #tpu.memory_space<semaphore_mem>>
      %dma_start3A = arith.constant 0 : i32
      %dma_start3A_9 = tpu.memref_slice %arg11[%mul3A_0, %dma_start3A] : memref<10240x128xf32, #tpu.memory_space<vmem_shared>> -> memref<640x128xf32, #tpu.memory_space<vmem_shared>>
      tpu.enqueue_dma source(%arg5 : memref<640x128xf32, #tpu.memory_space<hbm>>) target(%dma_start3A_9 : memref<640x128xf32, #tpu.memory_space<vmem_shared>>) target_semaphore(%run_scoped3A : memref<!tpu.dma_semaphore, #tpu.memory_space<semaphore_mem>>)
      %dma_wait3A = arith.constant 0 : i32
      %dma_wait3A_10 = tpu.memref_slice %arg11[%mul3A_0, %dma_wait3A] : memref<10240x128xf32, #tpu.memory_space<vmem_shared>> -> memref<640x128xf32, #tpu.memory_space<vmem_shared>>
      tpu.wait_dma2 semaphore(%run_scoped3A : memref<!tpu.dma_semaphore, #tpu.memory_space<semaphore_mem>>) src(%arg5 : memref<640x128xf32, #tpu.memory_space<hbm>>) dst(%dma_wait3A_10 : memref<640x128xf32, #tpu.memory_space<vmem_shared>>)
      tpu.yield
    }) : () -> ()
    %barrier3A = arith.constant 0 : index
    tpu.barrier barrier_id(%barrier3A)
    %scan3A = arith.constant 0 : i32
    %scan3A_1 = arith.constant 0 : i32
    %scan3A_2 = arith.constant 4 : i32
    %scan3A_3 = arith.addi %scan3A_1, %scan3A_2 : i32
    %scan3A_4 = arith.constant 1 : i32
    scf.for %scan3A_9 = %scan3A_1 to %scan3A_3 step %scan3A_4  : i32 {
      %mul3A_10 = arith.constant 40 : i32
      %mul3A_11 = arith.muli %scan3A_9, %mul3A_10 : i32
      "tpu.region"() ({
        %run_scoped3A = tpu.sem_alloc : memref<!tpu.dma_semaphore, #tpu.memory_space<semaphore_mem>>
        %dma_start3A_30 = arith.constant 0 : i32
        %dma_start3A_31 = tpu.memref_slice %arg3[%arg1, %mul3A_11, %dma_start3A_30] : memref<16x160x128xi32, #tpu.memory_space<hbm>> -> memref<1x40x128xi32, #tpu.memory_space<hbm>>
        %dma_start3A_32 = tpu.memref_squeeze %dma_start3A_31 : memref<1x40x128xi32, #tpu.memory_space<hbm>> -> memref<40x128xi32, #tpu.memory_space<hbm>>
        %dma_start3A_33 = arith.constant 0 : i32
        %dma_start3A_34 = tpu.memref_slice %arg3[%arg1, %mul3A_11, %dma_start3A_33] : memref<16x160x128xi32, #tpu.memory_space<hbm>> -> memref<1x40x128xi32, #tpu.memory_space<hbm>>
        %dma_start3A_35 = tpu.memref_squeeze %dma_start3A_34 : memref<1x40x128xi32, #tpu.memory_space<hbm>> -> memref<40x128xi32, #tpu.memory_space<hbm>>
        tpu.enqueue_dma source(%dma_start3A_35 : memref<40x128xi32, #tpu.memory_space<hbm>>) target(%arg7 : memref<40x128xi32, #tpu.memory_space<vmem>>) target_semaphore(%run_scoped3A : memref<!tpu.dma_semaphore, #tpu.memory_space<semaphore_mem>>)
        %dma_wait3A = arith.constant 0 : i32
        %dma_wait3A_36 = tpu.memref_slice %arg3[%arg1, %mul3A_11, %dma_wait3A] : memref<16x160x128xi32, #tpu.memory_space<hbm>> -> memref<1x40x128xi32, #tpu.memory_space<hbm>>
        %dma_wait3A_37 = tpu.memref_squeeze %dma_wait3A_36 : memref<1x40x128xi32, #tpu.memory_space<hbm>> -> memref<40x128xi32, #tpu.memory_space<hbm>>
        %dma_wait3A_38 = arith.constant 0 : i32
        %dma_wait3A_39 = tpu.memref_slice %arg3[%arg1, %mul3A_11, %dma_wait3A_38] : memref<16x160x128xi32, #tpu.memory_space<hbm>> -> memref<1x40x128xi32, #tpu.memory_space<hbm>>
        %dma_wait3A_40 = tpu.memref_squeeze %dma_wait3A_39 : memref<1x40x128xi32, #tpu.memory_space<hbm>> -> memref<40x128xi32, #tpu.memory_space<hbm>>
        tpu.wait_dma2 semaphore(%run_scoped3A : memref<!tpu.dma_semaphore, #tpu.memory_space<semaphore_mem>>) src(%dma_wait3A_40 : memref<40x128xi32, #tpu.memory_space<hbm>>) dst(%arg7 : memref<40x128xi32, #tpu.memory_space<vmem>>)
        tpu.yield
      }) : () -> ()
      %mul3A_12 = arith.constant 40 : i32
      %mul3A_13 = arith.muli %scan3A_9, %mul3A_12 : i32
      "tpu.region"() ({
        %run_scoped3A = tpu.sem_alloc : memref<!tpu.dma_semaphore, #tpu.memory_space<semaphore_mem>>
        %dma_start3A_30 = arith.constant 0 : i32
        %dma_start3A_31 = tpu.memref_slice %arg4[%arg1, %mul3A_13, %dma_start3A_30] : memref<16x160x128xi32, #tpu.memory_space<hbm>> -> memref<1x40x128xi32, #tpu.memory_space<hbm>>
        %dma_start3A_32 = tpu.memref_squeeze %dma_start3A_31 : memref<1x40x128xi32, #tpu.memory_space<hbm>> -> memref<40x128xi32, #tpu.memory_space<hbm>>
        %dma_start3A_33 = arith.constant 0 : i32
        %dma_start3A_34 = tpu.memref_slice %arg4[%arg1, %mul3A_13, %dma_start3A_33] : memref<16x160x128xi32, #tpu.memory_space<hbm>> -> memref<1x40x128xi32, #tpu.memory_space<hbm>>
        %dma_start3A_35 = tpu.memref_squeeze %dma_start3A_34 : memref<1x40x128xi32, #tpu.memory_space<hbm>> -> memref<40x128xi32, #tpu.memory_space<hbm>>
        tpu.enqueue_dma source(%dma_start3A_35 : memref<40x128xi32, #tpu.memory_space<hbm>>) target(%arg8 : memref<40x128xi32, #tpu.memory_space<vmem>>) target_semaphore(%run_scoped3A : memref<!tpu.dma_semaphore, #tpu.memory_space<semaphore_mem>>)
        %dma_wait3A = arith.constant 0 : i32
        %dma_wait3A_36 = tpu.memref_slice %arg4[%arg1, %mul3A_13, %dma_wait3A] : memref<16x160x128xi32, #tpu.memory_space<hbm>> -> memref<1x40x128xi32, #tpu.memory_space<hbm>>
        %dma_wait3A_37 = tpu.memref_squeeze %dma_wait3A_36 : memref<1x40x128xi32, #tpu.memory_space<hbm>> -> memref<40x128xi32, #tpu.memory_space<hbm>>
        %dma_wait3A_38 = arith.constant 0 : i32
        %dma_wait3A_39 = tpu.memref_slice %arg4[%arg1, %mul3A_13, %dma_wait3A_38] : memref<16x160x128xi32, #tpu.memory_space<hbm>> -> memref<1x40x128xi32, #tpu.memory_space<hbm>>
        %dma_wait3A_40 = tpu.memref_squeeze %dma_wait3A_39 : memref<1x40x128xi32, #tpu.memory_space<hbm>> -> memref<40x128xi32, #tpu.memory_space<hbm>>
        tpu.wait_dma2 semaphore(%run_scoped3A : memref<!tpu.dma_semaphore, #tpu.memory_space<semaphore_mem>>) src(%dma_wait3A_40 : memref<40x128xi32, #tpu.memory_space<hbm>>) dst(%arg8 : memref<40x128xi32, #tpu.memory_space<vmem>>)
        tpu.yield
      }) : () -> ()
      %dma_start3A = arith.constant 0 : i32
      %dma_start3A_14 = arith.constant 0 : i32
      %dma_start3A_15 = tpu.memref_slice %arg7[%dma_start3A, %dma_start3A_14] : memref<40x128xi32, #tpu.memory_space<vmem>> -> memref<1x128xi32, #tpu.memory_space<vmem>>
      %dma_start3A_16 = tpu.memref_squeeze %dma_start3A_15 : memref<1x128xi32, #tpu.memory_space<vmem>> -> memref<128xi32, #tpu.memory_space<vmem>>
      %dma_start3A_17 = arith.constant 0 : i32
      %dma_start3A_18 = arith.constant 0 : i32
      %dma_start3A_19 = tpu.memref_slice %arg2[%arg0, %dma_start3A_17, %dma_start3A_18] : memref<2x10000x128xf32, #tpu.memory_space<hbm>> -> memref<1x10000x128xf32, #tpu.memory_space<hbm>>
      %dma_start3A_20 = tpu.memref_squeeze %dma_start3A_19 : memref<1x10000x128xf32, #tpu.memory_space<hbm>> -> memref<10000x128xf32, #tpu.memory_space<hbm>>
      %dma_start3A_21 = arith.constant 0 : i32
      %dma_start3A_22 = arith.constant 0 : i32
      %dma_start3A_23 = tpu.memref_slice %dma_start3A_20[%dma_start3A_21, %dma_start3A_22] : memref<10000x128xf32, #tpu.memory_space<hbm>> -> memref<10000x128xf32, #tpu.memory_space<hbm>>
      tpu.enqueue_indirect_dma source(%dma_start3A_23 : memref<10000x128xf32, #tpu.memory_space<hbm>>) target(%arg9 : memref<128x128xf32, #tpu.memory_space<vmem>>) offsets(%dma_start3A_16 : memref<128xi32, #tpu.memory_space<vmem>>) semaphore(%arg12 : memref<!tpu.dma_semaphore, #tpu.memory_space<semaphore_mem>>)
      %scan3A_24 = arith.constant 0 : i32
      %scan3A_25 = arith.constant 0 : i32
      %scan3A_26 = arith.constant 20 : i32
      %scan3A_27 = arith.addi %scan3A_25, %scan3A_26 : i32
      %scan3A_28 = arith.constant 1 : i32
      scf.for %scan3A_30 = %scan3A_25 to %scan3A_27 step %scan3A_28  : i32 {
        %mul3A_31 = arith.constant 2 : i32
        %mul3A_32 = arith.muli %scan3A_30, %mul3A_31 : i32
        %dma_wait3A = arith.constant 0 : i32
        %dma_wait3A_33 = tpu.memref_slice %arg7[%mul3A_32, %dma_wait3A] : memref<40x128xi32, #tpu.memory_space<vmem>> -> memref<1x128xi32, #tpu.memory_space<vmem>>
        %dma_wait3A_34 = tpu.memref_squeeze %dma_wait3A_33 : memref<1x128xi32, #tpu.memory_space<vmem>> -> memref<128xi32, #tpu.memory_space<vmem>>
        %dma_wait3A_35 = arith.constant 0 : i32
        %dma_wait3A_36 = arith.constant 0 : i32
        %dma_wait3A_37 = tpu.memref_slice %arg2[%arg0, %dma_wait3A_35, %dma_wait3A_36] : memref<2x10000x128xf32, #tpu.memory_space<hbm>> -> memref<1x10000x128xf32, #tpu.memory_space<hbm>>
        %dma_wait3A_38 = tpu.memref_squeeze %dma_wait3A_37 : memref<1x10000x128xf32, #tpu.memory_space<hbm>> -> memref<10000x128xf32, #tpu.memory_space<hbm>>
        %dma_wait3A_39 = arith.constant 0 : i32
        %dma_wait3A_40 = arith.constant 0 : i32
        %dma_wait3A_41 = tpu.memref_slice %dma_wait3A_38[%dma_wait3A_39, %dma_wait3A_40] : memref<10000x128xf32, #tpu.memory_space<hbm>> -> memref<10000x128xf32, #tpu.memory_space<hbm>>
        tpu.wait_indirect_dma semaphore(%arg12 : memref<!tpu.dma_semaphore, #tpu.memory_space<semaphore_mem>>) src(%dma_wait3A_41 : memref<10000x128xf32, #tpu.memory_space<hbm>>) dst(%arg9 : memref<128x128xf32, #tpu.memory_space<vmem>>)
        %add3A = arith.constant 1 : i32
        %add3A_42 = arith.addi %mul3A_32, %add3A : i32
        %dma_start3A_43 = arith.constant 0 : i32
        %dma_start3A_44 = tpu.memref_slice %arg7[%add3A_42, %dma_start3A_43] : memref<40x128xi32, #tpu.memory_space<vmem>> -> memref<1x128xi32, #tpu.memory_space<vmem>>
        %dma_start3A_45 = tpu.memref_squeeze %dma_start3A_44 : memref<1x128xi32, #tpu.memory_space<vmem>> -> memref<128xi32, #tpu.memory_space<vmem>>
        %dma_start3A_46 = arith.constant 0 : i32
        %dma_start3A_47 = arith.constant 0 : i32
        %dma_start3A_48 = tpu.memref_slice %arg2[%arg0, %dma_start3A_46, %dma_start3A_47] : memref<2x10000x128xf32, #tpu.memory_space<hbm>> -> memref<1x10000x128xf32, #tpu.memory_space<hbm>>
        %dma_start3A_49 = tpu.memref_squeeze %dma_start3A_48 : memref<1x10000x128xf32, #tpu.memory_space<hbm>> -> memref<10000x128xf32, #tpu.memory_space<hbm>>
        %dma_start3A_50 = arith.constant 0 : i32
        %dma_start3A_51 = arith.constant 0 : i32
        %dma_start3A_52 = tpu.memref_slice %dma_start3A_49[%dma_start3A_50, %dma_start3A_51] : memref<10000x128xf32, #tpu.memory_space<hbm>> -> memref<10000x128xf32, #tpu.memory_space<hbm>>
        tpu.enqueue_indirect_dma source(%dma_start3A_52 : memref<10000x128xf32, #tpu.memory_space<hbm>>) target(%arg10 : memref<128x128xf32, #tpu.memory_space<vmem>>) offsets(%dma_start3A_45 : memref<128xi32, #tpu.memory_space<vmem>>) semaphore(%arg13 : memref<!tpu.dma_semaphore, #tpu.memory_space<semaphore_mem>>)
        "tpu.region"() ({
          %run_scoped3A = tpu.sem_alloc : memref<!tpu.dma_semaphore, #tpu.memory_space<semaphore_mem>>
          %dma_start3A_71 = arith.constant 0 : i32
          %dma_start3A_72 = tpu.memref_slice %arg8[%mul3A_32, %dma_start3A_71] : memref<40x128xi32, #tpu.memory_space<vmem>> -> memref<1x128xi32, #tpu.memory_space<vmem>>
          %dma_start3A_73 = tpu.memref_squeeze %dma_start3A_72 : memref<1x128xi32, #tpu.memory_space<vmem>> -> memref<128xi32, #tpu.memory_space<vmem>>
          %dma_start3A_74 = arith.constant 0 : i32
          %dma_start3A_75 = arith.constant 0 : i32
          %dma_start3A_76 = tpu.memref_slice %arg11[%dma_start3A_74, %dma_start3A_75] : memref<10240x128xf32, #tpu.memory_space<vmem_shared>> -> memref<10240x128xf32, #tpu.memory_space<vmem_shared>>
          tpu.enqueue_indirect_dma source(%arg9 : memref<128x128xf32, #tpu.memory_space<vmem>>) target(%dma_start3A_76 : memref<10240x128xf32, #tpu.memory_space<vmem_shared>>) offsets(%dma_start3A_73 : memref<128xi32, #tpu.memory_space<vmem>>) semaphore(%run_scoped3A : memref<!tpu.dma_semaphore, #tpu.memory_space<semaphore_mem>>) {add = true}
          %dma_wait3A_77 = arith.constant 0 : i32
          %dma_wait3A_78 = tpu.memref_slice %arg8[%mul3A_32, %dma_wait3A_77] : memref<40x128xi32, #tpu.memory_space<vmem>> -> memref<1x128xi32, #tpu.memory_space<vmem>>
          %dma_wait3A_79 = tpu.memref_squeeze %dma_wait3A_78 : memref<1x128xi32, #tpu.memory_space<vmem>> -> memref<128xi32, #tpu.memory_space<vmem>>
          %dma_wait3A_80 = arith.constant 0 : i32
          %dma_wait3A_81 = arith.constant 0 : i32
          %dma_wait3A_82 = tpu.memref_slice %arg11[%dma_wait3A_80, %dma_wait3A_81] : memref<10240x128xf32, #tpu.memory_space<vmem_shared>> -> memref<10240x128xf32, #tpu.memory_space<vmem_shared>>
          tpu.wait_indirect_dma semaphore(%run_scoped3A : memref<!tpu.dma_semaphore, #tpu.memory_space<semaphore_mem>>) src(%arg9 : memref<128x128xf32, #tpu.memory_space<vmem>>) dst(%dma_wait3A_82 : memref<10240x128xf32, #tpu.memory_space<vmem_shared>>)
          tpu.yield
        }) : () -> ()
        %add3A_53 = arith.constant 1 : i32
        %add3A_54 = arith.addi %mul3A_32, %add3A_53 : i32
        %dma_wait3A_55 = arith.constant 0 : i32
        %dma_wait3A_56 = tpu.memref_slice %arg7[%add3A_54, %dma_wait3A_55] : memref<40x128xi32, #tpu.memory_space<vmem>> -> memref<1x128xi32, #tpu.memory_space<vmem>>
        %dma_wait3A_57 = tpu.memref_squeeze %dma_wait3A_56 : memref<1x128xi32, #tpu.memory_space<vmem>> -> memref<128xi32, #tpu.memory_space<vmem>>
        %dma_wait3A_58 = arith.constant 0 : i32
        %dma_wait3A_59 = arith.constant 0 : i32
        %dma_wait3A_60 = tpu.memref_slice %arg2[%arg0, %dma_wait3A_58, %dma_wait3A_59] : memref<2x10000x128xf32, #tpu.memory_space<hbm>> -> memref<1x10000x128xf32, #tpu.memory_space<hbm>>
        %dma_wait3A_61 = tpu.memref_squeeze %dma_wait3A_60 : memref<1x10000x128xf32, #tpu.memory_space<hbm>> -> memref<10000x128xf32, #tpu.memory_space<hbm>>
        %dma_wait3A_62 = arith.constant 0 : i32
        %dma_wait3A_63 = arith.constant 0 : i32
        %dma_wait3A_64 = tpu.memref_slice %dma_wait3A_61[%dma_wait3A_62, %dma_wait3A_63] : memref<10000x128xf32, #tpu.memory_space<hbm>> -> memref<10000x128xf32, #tpu.memory_space<hbm>>
        tpu.wait_indirect_dma semaphore(%arg13 : memref<!tpu.dma_semaphore, #tpu.memory_space<semaphore_mem>>) src(%dma_wait3A_64 : memref<10000x128xf32, #tpu.memory_space<hbm>>) dst(%arg10 : memref<128x128xf32, #tpu.memory_space<vmem>>)
        %add3A_65 = arith.constant 1 : i32
        %add3A_66 = arith.addi %scan3A_30, %add3A_65 : i32
        %lt3A = arith.constant 20 : i32
        %lt3A_67 = arith.cmpi slt, %add3A_66, %lt3A : i32
        %convert_element_type3A = arith.extui %lt3A_67 : i1 to i32
        %cond3A = arith.constant 0 : i32
        %cond3A_68 = arith.cmpi ne, %convert_element_type3A, %cond3A : i32
        scf.if %cond3A_68 {
          %add3A_71 = arith.constant 2 : i32
          %add3A_72 = arith.addi %mul3A_32, %add3A_71 : i32
          %dma_start3A_73 = arith.constant 0 : i32
          %dma_start3A_74 = tpu.memref_slice %arg7[%add3A_72, %dma_start3A_73] : memref<40x128xi32, #tpu.memory_space<vmem>> -> memref<1x128xi32, #tpu.memory_space<vmem>>
          %dma_start3A_75 = tpu.memref_squeeze %dma_start3A_74 : memref<1x128xi32, #tpu.memory_space<vmem>> -> memref<128xi32, #tpu.memory_space<vmem>>
          %dma_start3A_76 = arith.constant 0 : i32
          %dma_start3A_77 = arith.constant 0 : i32
          %dma_start3A_78 = tpu.memref_slice %arg2[%arg0, %dma_start3A_76, %dma_start3A_77] : memref<2x10000x128xf32, #tpu.memory_space<hbm>> -> memref<1x10000x128xf32, #tpu.memory_space<hbm>>
          %dma_start3A_79 = tpu.memref_squeeze %dma_start3A_78 : memref<1x10000x128xf32, #tpu.memory_space<hbm>> -> memref<10000x128xf32, #tpu.memory_space<hbm>>
          %dma_start3A_80 = arith.constant 0 : i32
          %dma_start3A_81 = arith.constant 0 : i32
          %dma_start3A_82 = tpu.memref_slice %dma_start3A_79[%dma_start3A_80, %dma_start3A_81] : memref<10000x128xf32, #tpu.memory_space<hbm>> -> memref<10000x128xf32, #tpu.memory_space<hbm>>
          tpu.enqueue_indirect_dma source(%dma_start3A_82 : memref<10000x128xf32, #tpu.memory_space<hbm>>) target(%arg9 : memref<128x128xf32, #tpu.memory_space<vmem>>) offsets(%dma_start3A_75 : memref<128xi32, #tpu.memory_space<vmem>>) semaphore(%arg12 : memref<!tpu.dma_semaphore, #tpu.memory_space<semaphore_mem>>)
        } else {
        }
        %add3A_69 = arith.constant 1 : i32
        %add3A_70 = arith.addi %mul3A_32, %add3A_69 : i32
        "tpu.region"() ({
          %run_scoped3A = tpu.sem_alloc : memref<!tpu.dma_semaphore, #tpu.memory_space<semaphore_mem>>
          %dma_start3A_71 = arith.constant 0 : i32
          %dma_start3A_72 = tpu.memref_slice %arg8[%add3A_70, %dma_start3A_71] : memref<40x128xi32, #tpu.memory_space<vmem>> -> memref<1x128xi32, #tpu.memory_space<vmem>>
          %dma_start3A_73 = tpu.memref_squeeze %dma_start3A_72 : memref<1x128xi32, #tpu.memory_space<vmem>> -> memref<128xi32, #tpu.memory_space<vmem>>
          %dma_start3A_74 = arith.constant 0 : i32
          %dma_start3A_75 = arith.constant 0 : i32
          %dma_start3A_76 = tpu.memref_slice %arg11[%dma_start3A_74, %dma_start3A_75] : memref<10240x128xf32, #tpu.memory_space<vmem_shared>> -> memref<10240x128xf32, #tpu.memory_space<vmem_shared>>
          tpu.enqueue_indirect_dma source(%arg10 : memref<128x128xf32, #tpu.memory_space<vmem>>) target(%dma_start3A_76 : memref<10240x128xf32, #tpu.memory_space<vmem_shared>>) offsets(%dma_start3A_73 : memref<128xi32, #tpu.memory_space<vmem>>) semaphore(%run_scoped3A : memref<!tpu.dma_semaphore, #tpu.memory_space<semaphore_mem>>) {add = true}
          %dma_wait3A_77 = arith.constant 0 : i32
          %dma_wait3A_78 = tpu.memref_slice %arg8[%add3A_70, %dma_wait3A_77] : memref<40x128xi32, #tpu.memory_space<vmem>> -> memref<1x128xi32, #tpu.memory_space<vmem>>
          %dma_wait3A_79 = tpu.memref_squeeze %dma_wait3A_78 : memref<1x128xi32, #tpu.memory_space<vmem>> -> memref<128xi32, #tpu.memory_space<vmem>>
          %dma_wait3A_80 = arith.constant 0 : i32
          %dma_wait3A_81 = arith.constant 0 : i32
          %dma_wait3A_82 = tpu.memref_slice %arg11[%dma_wait3A_80, %dma_wait3A_81] : memref<10240x128xf32, #tpu.memory_space<vmem_shared>> -> memref<10240x128xf32, #tpu.memory_space<vmem_shared>>
          tpu.wait_indirect_dma semaphore(%run_scoped3A : memref<!tpu.dma_semaphore, #tpu.memory_space<semaphore_mem>>) src(%arg10 : memref<128x128xf32, #tpu.memory_space<vmem>>) dst(%dma_wait3A_82 : memref<10240x128xf32, #tpu.memory_space<vmem_shared>>)
          tpu.yield
        }) : () -> ()
      }
      %scan3A_29 = arith.constant 20 : i32
    }
    %scan3A_5 = arith.constant 4 : i32
    %barrier3A_6 = arith.constant 0 : index
    tpu.barrier barrier_id(%barrier3A_6)
    %mul3A_7 = arith.constant 640 : i32
    %mul3A_8 = arith.muli %arg1, %mul3A_7 : i32
    "tpu.region"() ({
      %run_scoped3A = tpu.sem_alloc : memref<!tpu.dma_semaphore, #tpu.memory_space<semaphore_mem>>
      %dma_start3A = arith.constant 0 : i32
      %dma_start3A_9 = tpu.memref_slice %arg6[%arg0, %mul3A_8, %dma_start3A] : memref<2x10240x128xf32, #tpu.memory_space<hbm>> -> memref<1x640x128xf32, #tpu.memory_space<hbm>>
      %dma_start3A_10 = tpu.memref_squeeze %dma_start3A_9 : memref<1x640x128xf32, #tpu.memory_space<hbm>> -> memref<640x128xf32, #tpu.memory_space<hbm>>
      %dma_start3A_11 = arith.constant 0 : i32
      %dma_start3A_12 = tpu.memref_slice %arg11[%mul3A_8, %dma_start3A_11] : memref<10240x128xf32, #tpu.memory_space<vmem_shared>> -> memref<640x128xf32, #tpu.memory_space<vmem_shared>>
      tpu.enqueue_dma source(%dma_start3A_12 : memref<640x128xf32, #tpu.memory_space<vmem_shared>>) target(%dma_start3A_10 : memref<640x128xf32, #tpu.memory_space<hbm>>) target_semaphore(%run_scoped3A : memref<!tpu.dma_semaphore, #tpu.memory_space<semaphore_mem>>)
      %dma_wait3A = arith.constant 0 : i32
      %dma_wait3A_13 = tpu.memref_slice %arg6[%arg0, %mul3A_8, %dma_wait3A] : memref<2x10240x128xf32, #tpu.memory_space<hbm>> -> memref<1x640x128xf32, #tpu.memory_space<hbm>>
      %dma_wait3A_14 = tpu.memref_squeeze %dma_wait3A_13 : memref<1x640x128xf32, #tpu.memory_space<hbm>> -> memref<640x128xf32, #tpu.memory_space<hbm>>
      %dma_wait3A_15 = arith.constant 0 : i32
      %dma_wait3A_16 = tpu.memref_slice %arg11[%mul3A_8, %dma_wait3A_15] : memref<10240x128xf32, #tpu.memory_space<vmem_shared>> -> memref<640x128xf32, #tpu.memory_space<vmem_shared>>
      tpu.wait_dma2 semaphore(%run_scoped3A : memref<!tpu.dma_semaphore, #tpu.memory_space<semaphore_mem>>) src(%dma_wait3A_16 : memref<640x128xf32, #tpu.memory_space<vmem_shared>>) dst(%dma_wait3A_14 : memref<640x128xf32, #tpu.memory_space<hbm>>)
      tpu.yield
    }) : () -> ()
    return
  }
}

#map = affine_map<(d0, d1) -> (0, 0, 0)>
#map1 = affine_map<(d0, d1) -> (0, 0)>
module attributes {stable_mosaic.version = 14 : i64} {
  func.func @_deg_kernel(%arg0: i32, %arg1: i32, %arg2: memref<32x80x128xi32, #tpu.memory_space<hbm>>, %arg3: memref<128x128xf32, #tpu.memory_space<hbm>>, %arg4: memref<640x128xf32, #tpu.memory_space<hbm>>, %arg5: memref<2x10240x128xf32, #tpu.memory_space<hbm>>, %arg6: memref<80x128xi32, #tpu.memory_space<vmem>>, %arg7: memref<128x128xf32, #tpu.memory_space<vmem>>, %arg8: memref<10240x128xf32, #tpu.memory_space<vmem_shared>>, %arg9: memref<!tpu.dma_semaphore, #tpu.memory_space<semaphore_mem>>, %arg10: memref<!tpu.dma_semaphore, #tpu.memory_space<semaphore_mem>>) attributes {dimension_semantics = [#tpu.dimension_semantics<core_parallel>, #tpu.dimension_semantics<subcore_parallel>], iteration_bounds = array<i64: 2, 16>, scalar_prefetch = 0 : i64, scratch_operands = 5 : i64, tpu.core_type = #tpu.core_type<sc_vector_subcore>, window_params = [{transform_indices = #map}, {transform_indices = #map1}, {transform_indices = #map1}, {transform_indices = #map}]} {
    %mul3A = arith.constant 640 : i32
    %mul3A_0 = arith.muli %arg1, %mul3A : i32
    "tpu.region"() ({
      %run_scoped3A = tpu.sem_alloc : memref<!tpu.dma_semaphore, #tpu.memory_space<semaphore_mem>>
      %dma_start3A_17 = arith.constant 0 : i32
      %dma_start3A_18 = tpu.memref_slice %arg8[%mul3A_0, %dma_start3A_17] : memref<10240x128xf32, #tpu.memory_space<vmem_shared>> -> memref<640x128xf32, #tpu.memory_space<vmem_shared>>
      tpu.enqueue_dma source(%arg4 : memref<640x128xf32, #tpu.memory_space<hbm>>) target(%dma_start3A_18 : memref<640x128xf32, #tpu.memory_space<vmem_shared>>) target_semaphore(%run_scoped3A : memref<!tpu.dma_semaphore, #tpu.memory_space<semaphore_mem>>)
      %dma_wait3A = arith.constant 0 : i32
      %dma_wait3A_19 = tpu.memref_slice %arg8[%mul3A_0, %dma_wait3A] : memref<10240x128xf32, #tpu.memory_space<vmem_shared>> -> memref<640x128xf32, #tpu.memory_space<vmem_shared>>
      tpu.wait_dma2 semaphore(%run_scoped3A : memref<!tpu.dma_semaphore, #tpu.memory_space<semaphore_mem>>) src(%arg4 : memref<640x128xf32, #tpu.memory_space<hbm>>) dst(%dma_wait3A_19 : memref<640x128xf32, #tpu.memory_space<vmem_shared>>)
      tpu.yield
    }) : () -> ()
    "tpu.region"() ({
      %run_scoped3A = tpu.sem_alloc : memref<!tpu.dma_semaphore, #tpu.memory_space<semaphore_mem>>
      tpu.enqueue_dma source(%arg3 : memref<128x128xf32, #tpu.memory_space<hbm>>) target(%arg7 : memref<128x128xf32, #tpu.memory_space<vmem>>) target_semaphore(%run_scoped3A : memref<!tpu.dma_semaphore, #tpu.memory_space<semaphore_mem>>)
      tpu.wait_dma2 semaphore(%run_scoped3A : memref<!tpu.dma_semaphore, #tpu.memory_space<semaphore_mem>>) src(%arg3 : memref<128x128xf32, #tpu.memory_space<hbm>>) dst(%arg7 : memref<128x128xf32, #tpu.memory_space<vmem>>)
      tpu.yield
    }) : () -> ()
    %mul3A_1 = arith.constant 2 : i32
    %mul3A_2 = arith.muli %arg1, %mul3A_1 : i32
    %add3A = arith.addi %mul3A_2, %arg0 : i32
    "tpu.region"() ({
      %run_scoped3A = tpu.sem_alloc : memref<!tpu.dma_semaphore, #tpu.memory_space<semaphore_mem>>
      %dma_start3A_17 = arith.constant 0 : i32
      %dma_start3A_18 = arith.constant 0 : i32
      %dma_start3A_19 = tpu.memref_slice %arg2[%add3A, %dma_start3A_17, %dma_start3A_18] : memref<32x80x128xi32, #tpu.memory_space<hbm>> -> memref<1x80x128xi32, #tpu.memory_space<hbm>>
      %dma_start3A_20 = tpu.memref_squeeze %dma_start3A_19 : memref<1x80x128xi32, #tpu.memory_space<hbm>> -> memref<80x128xi32, #tpu.memory_space<hbm>>
      %dma_start3A_21 = arith.constant 0 : i32
      %dma_start3A_22 = arith.constant 0 : i32
      %dma_start3A_23 = tpu.memref_slice %arg2[%add3A, %dma_start3A_21, %dma_start3A_22] : memref<32x80x128xi32, #tpu.memory_space<hbm>> -> memref<1x80x128xi32, #tpu.memory_space<hbm>>
      %dma_start3A_24 = tpu.memref_squeeze %dma_start3A_23 : memref<1x80x128xi32, #tpu.memory_space<hbm>> -> memref<80x128xi32, #tpu.memory_space<hbm>>
      tpu.enqueue_dma source(%dma_start3A_24 : memref<80x128xi32, #tpu.memory_space<hbm>>) target(%arg6 : memref<80x128xi32, #tpu.memory_space<vmem>>) target_semaphore(%run_scoped3A : memref<!tpu.dma_semaphore, #tpu.memory_space<semaphore_mem>>)
      %dma_wait3A = arith.constant 0 : i32
      %dma_wait3A_25 = arith.constant 0 : i32
      %dma_wait3A_26 = tpu.memref_slice %arg2[%add3A, %dma_wait3A, %dma_wait3A_25] : memref<32x80x128xi32, #tpu.memory_space<hbm>> -> memref<1x80x128xi32, #tpu.memory_space<hbm>>
      %dma_wait3A_27 = tpu.memref_squeeze %dma_wait3A_26 : memref<1x80x128xi32, #tpu.memory_space<hbm>> -> memref<80x128xi32, #tpu.memory_space<hbm>>
      %dma_wait3A_28 = arith.constant 0 : i32
      %dma_wait3A_29 = arith.constant 0 : i32
      %dma_wait3A_30 = tpu.memref_slice %arg2[%add3A, %dma_wait3A_28, %dma_wait3A_29] : memref<32x80x128xi32, #tpu.memory_space<hbm>> -> memref<1x80x128xi32, #tpu.memory_space<hbm>>
      %dma_wait3A_31 = tpu.memref_squeeze %dma_wait3A_30 : memref<1x80x128xi32, #tpu.memory_space<hbm>> -> memref<80x128xi32, #tpu.memory_space<hbm>>
      tpu.wait_dma2 semaphore(%run_scoped3A : memref<!tpu.dma_semaphore, #tpu.memory_space<semaphore_mem>>) src(%dma_wait3A_31 : memref<80x128xi32, #tpu.memory_space<hbm>>) dst(%arg6 : memref<80x128xi32, #tpu.memory_space<vmem>>)
      tpu.yield
    }) : () -> ()
    %barrier3A = arith.constant 0 : index
    tpu.barrier barrier_id(%barrier3A)
    %dma_start3A = arith.constant 0 : i32
    %dma_start3A_3 = arith.constant 0 : i32
    %dma_start3A_4 = tpu.memref_slice %arg6[%dma_start3A, %dma_start3A_3] : memref<80x128xi32, #tpu.memory_space<vmem>> -> memref<1x128xi32, #tpu.memory_space<vmem>>
    %dma_start3A_5 = tpu.memref_squeeze %dma_start3A_4 : memref<1x128xi32, #tpu.memory_space<vmem>> -> memref<128xi32, #tpu.memory_space<vmem>>
    %dma_start3A_6 = arith.constant 0 : i32
    %dma_start3A_7 = arith.constant 0 : i32
    %dma_start3A_8 = tpu.memref_slice %arg8[%dma_start3A_6, %dma_start3A_7] : memref<10240x128xf32, #tpu.memory_space<vmem_shared>> -> memref<10240x128xf32, #tpu.memory_space<vmem_shared>>
    tpu.enqueue_indirect_dma source(%arg7 : memref<128x128xf32, #tpu.memory_space<vmem>>) target(%dma_start3A_8 : memref<10240x128xf32, #tpu.memory_space<vmem_shared>>) offsets(%dma_start3A_5 : memref<128xi32, #tpu.memory_space<vmem>>) semaphore(%arg9 : memref<!tpu.dma_semaphore, #tpu.memory_space<semaphore_mem>>) {add = true}
    %scan3A = arith.constant 0 : i32
    %scan3A_9 = arith.constant 0 : i32
    %scan3A_10 = arith.constant 40 : i32
    %scan3A_11 = arith.addi %scan3A_9, %scan3A_10 : i32
    %scan3A_12 = arith.constant 1 : i32
    scf.for %scan3A_17 = %scan3A_9 to %scan3A_11 step %scan3A_12  : i32 {
      %mul3A_18 = arith.constant 2 : i32
      %mul3A_19 = arith.muli %scan3A_17, %mul3A_18 : i32
      %add3A_20 = arith.constant 1 : i32
      %add3A_21 = arith.addi %mul3A_19, %add3A_20 : i32
      %dma_start3A_22 = arith.constant 0 : i32
      %dma_start3A_23 = tpu.memref_slice %arg6[%add3A_21, %dma_start3A_22] : memref<80x128xi32, #tpu.memory_space<vmem>> -> memref<1x128xi32, #tpu.memory_space<vmem>>
      %dma_start3A_24 = tpu.memref_squeeze %dma_start3A_23 : memref<1x128xi32, #tpu.memory_space<vmem>> -> memref<128xi32, #tpu.memory_space<vmem>>
      %dma_start3A_25 = arith.constant 0 : i32
      %dma_start3A_26 = arith.constant 0 : i32
      %dma_start3A_27 = tpu.memref_slice %arg8[%dma_start3A_25, %dma_start3A_26] : memref<10240x128xf32, #tpu.memory_space<vmem_shared>> -> memref<10240x128xf32, #tpu.memory_space<vmem_shared>>
      tpu.enqueue_indirect_dma source(%arg7 : memref<128x128xf32, #tpu.memory_space<vmem>>) target(%dma_start3A_27 : memref<10240x128xf32, #tpu.memory_space<vmem_shared>>) offsets(%dma_start3A_24 : memref<128xi32, #tpu.memory_space<vmem>>) semaphore(%arg10 : memref<!tpu.dma_semaphore, #tpu.memory_space<semaphore_mem>>) {add = true}
      %dma_wait3A = arith.constant 0 : i32
      %dma_wait3A_28 = tpu.memref_slice %arg6[%mul3A_19, %dma_wait3A] : memref<80x128xi32, #tpu.memory_space<vmem>> -> memref<1x128xi32, #tpu.memory_space<vmem>>
      %dma_wait3A_29 = tpu.memref_squeeze %dma_wait3A_28 : memref<1x128xi32, #tpu.memory_space<vmem>> -> memref<128xi32, #tpu.memory_space<vmem>>
      %dma_wait3A_30 = arith.constant 0 : i32
      %dma_wait3A_31 = arith.constant 0 : i32
      %dma_wait3A_32 = tpu.memref_slice %arg8[%dma_wait3A_30, %dma_wait3A_31] : memref<10240x128xf32, #tpu.memory_space<vmem_shared>> -> memref<10240x128xf32, #tpu.memory_space<vmem_shared>>
      tpu.wait_indirect_dma semaphore(%arg9 : memref<!tpu.dma_semaphore, #tpu.memory_space<semaphore_mem>>) src(%arg7 : memref<128x128xf32, #tpu.memory_space<vmem>>) dst(%dma_wait3A_32 : memref<10240x128xf32, #tpu.memory_space<vmem_shared>>)
      %add3A_33 = arith.constant 1 : i32
      %add3A_34 = arith.addi %scan3A_17, %add3A_33 : i32
      %lt3A = arith.constant 40 : i32
      %lt3A_35 = arith.cmpi slt, %add3A_34, %lt3A : i32
      %convert_element_type3A = arith.extui %lt3A_35 : i1 to i32
      %cond3A = arith.constant 0 : i32
      %cond3A_36 = arith.cmpi ne, %convert_element_type3A, %cond3A : i32
      scf.if %cond3A_36 {
        %add3A_45 = arith.constant 2 : i32
        %add3A_46 = arith.addi %mul3A_19, %add3A_45 : i32
        %dma_start3A_47 = arith.constant 0 : i32
        %dma_start3A_48 = tpu.memref_slice %arg6[%add3A_46, %dma_start3A_47] : memref<80x128xi32, #tpu.memory_space<vmem>> -> memref<1x128xi32, #tpu.memory_space<vmem>>
        %dma_start3A_49 = tpu.memref_squeeze %dma_start3A_48 : memref<1x128xi32, #tpu.memory_space<vmem>> -> memref<128xi32, #tpu.memory_space<vmem>>
        %dma_start3A_50 = arith.constant 0 : i32
        %dma_start3A_51 = arith.constant 0 : i32
        %dma_start3A_52 = tpu.memref_slice %arg8[%dma_start3A_50, %dma_start3A_51] : memref<10240x128xf32, #tpu.memory_space<vmem_shared>> -> memref<10240x128xf32, #tpu.memory_space<vmem_shared>>
        tpu.enqueue_indirect_dma source(%arg7 : memref<128x128xf32, #tpu.memory_space<vmem>>) target(%dma_start3A_52 : memref<10240x128xf32, #tpu.memory_space<vmem_shared>>) offsets(%dma_start3A_49 : memref<128xi32, #tpu.memory_space<vmem>>) semaphore(%arg9 : memref<!tpu.dma_semaphore, #tpu.memory_space<semaphore_mem>>) {add = true}
      } else {
      }
      %add3A_37 = arith.constant 1 : i32
      %add3A_38 = arith.addi %mul3A_19, %add3A_37 : i32
      %dma_wait3A_39 = arith.constant 0 : i32
      %dma_wait3A_40 = tpu.memref_slice %arg6[%add3A_38, %dma_wait3A_39] : memref<80x128xi32, #tpu.memory_space<vmem>> -> memref<1x128xi32, #tpu.memory_space<vmem>>
      %dma_wait3A_41 = tpu.memref_squeeze %dma_wait3A_40 : memref<1x128xi32, #tpu.memory_space<vmem>> -> memref<128xi32, #tpu.memory_space<vmem>>
      %dma_wait3A_42 = arith.constant 0 : i32
      %dma_wait3A_43 = arith.constant 0 : i32
      %dma_wait3A_44 = tpu.memref_slice %arg8[%dma_wait3A_42, %dma_wait3A_43] : memref<10240x128xf32, #tpu.memory_space<vmem_shared>> -> memref<10240x128xf32, #tpu.memory_space<vmem_shared>>
      tpu.wait_indirect_dma semaphore(%arg10 : memref<!tpu.dma_semaphore, #tpu.memory_space<semaphore_mem>>) src(%arg7 : memref<128x128xf32, #tpu.memory_space<vmem>>) dst(%dma_wait3A_44 : memref<10240x128xf32, #tpu.memory_space<vmem_shared>>)
    }
    %scan3A_13 = arith.constant 40 : i32
    %barrier3A_14 = arith.constant 0 : index
    tpu.barrier barrier_id(%barrier3A_14)
    %mul3A_15 = arith.constant 640 : i32
    %mul3A_16 = arith.muli %arg1, %mul3A_15 : i32
    "tpu.region"() ({
      %run_scoped3A = tpu.sem_alloc : memref<!tpu.dma_semaphore, #tpu.memory_space<semaphore_mem>>
      %dma_start3A_17 = arith.constant 0 : i32
      %dma_start3A_18 = tpu.memref_slice %arg5[%arg0, %mul3A_16, %dma_start3A_17] : memref<2x10240x128xf32, #tpu.memory_space<hbm>> -> memref<1x640x128xf32, #tpu.memory_space<hbm>>
      %dma_start3A_19 = tpu.memref_squeeze %dma_start3A_18 : memref<1x640x128xf32, #tpu.memory_space<hbm>> -> memref<640x128xf32, #tpu.memory_space<hbm>>
      %dma_start3A_20 = arith.constant 0 : i32
      %dma_start3A_21 = tpu.memref_slice %arg8[%mul3A_16, %dma_start3A_20] : memref<10240x128xf32, #tpu.memory_space<vmem_shared>> -> memref<640x128xf32, #tpu.memory_space<vmem_shared>>
      tpu.enqueue_dma source(%dma_start3A_21 : memref<640x128xf32, #tpu.memory_space<vmem_shared>>) target(%dma_start3A_19 : memref<640x128xf32, #tpu.memory_space<hbm>>) target_semaphore(%run_scoped3A : memref<!tpu.dma_semaphore, #tpu.memory_space<semaphore_mem>>)
      %dma_wait3A = arith.constant 0 : i32
      %dma_wait3A_22 = tpu.memref_slice %arg5[%arg0, %mul3A_16, %dma_wait3A] : memref<2x10240x128xf32, #tpu.memory_space<hbm>> -> memref<1x640x128xf32, #tpu.memory_space<hbm>>
      %dma_wait3A_23 = tpu.memref_squeeze %dma_wait3A_22 : memref<1x640x128xf32, #tpu.memory_space<hbm>> -> memref<640x128xf32, #tpu.memory_space<hbm>>
      %dma_wait3A_24 = arith.constant 0 : i32
      %dma_wait3A_25 = tpu.memref_slice %arg8[%mul3A_16, %dma_wait3A_24] : memref<10240x128xf32, #tpu.memory_space<vmem_shared>> -> memref<640x128xf32, #tpu.memory_space<vmem_shared>>
      tpu.wait_dma2 semaphore(%run_scoped3A : memref<!tpu.dma_semaphore, #tpu.memory_space<semaphore_mem>>) src(%dma_wait3A_25 : memref<640x128xf32, #tpu.memory_space<vmem_shared>>) dst(%dma_wait3A_23 : memref<640x128xf32, #tpu.memory_space<hbm>>)
      tpu.yield
    }) : () -> ()
    return
  }
}

#map = affine_map<(d0, d1) -> (0, 0, 0)>
#map1 = affine_map<(d0, d1) -> (0, 0)>
module attributes {stable_mosaic.version = 14 : i64} {
  func.func @_agg_kernel(%arg0: i32, %arg1: i32, %arg2: memref<2x10000x128xf32, #tpu.memory_space<hbm>>, %arg3: memref<16x160x128xi32, #tpu.memory_space<hbm>>, %arg4: memref<16x160x128xi32, #tpu.memory_space<hbm>>, %arg5: memref<640x128xf32, #tpu.memory_space<hbm>>, %arg6: memref<2x10240x128xf32, #tpu.memory_space<hbm>>, %arg7: memref<40x128xi32, #tpu.memory_space<vmem>>, %arg8: memref<40x128xi32, #tpu.memory_space<vmem>>, %arg9: memref<128x128xf32, #tpu.memory_space<vmem>>, %arg10: memref<128x128xf32, #tpu.memory_space<vmem>>, %arg11: memref<10240x128xf32, #tpu.memory_space<vmem_shared>>, %arg12: memref<!tpu.dma_semaphore, #tpu.memory_space<semaphore_mem>>, %arg13: memref<!tpu.dma_semaphore, #tpu.memory_space<semaphore_mem>>) attributes {dimension_semantics = [#tpu.dimension_semantics<core_parallel>, #tpu.dimension_semantics<subcore_parallel>], iteration_bounds = array<i64: 2, 16>, scalar_prefetch = 0 : i64, scratch_operands = 7 : i64, tpu.core_type = #tpu.core_type<sc_vector_subcore>, window_params = [{transform_indices = #map}, {transform_indices = #map}, {transform_indices = #map}, {transform_indices = #map1}, {transform_indices = #map}]} {
    %mul3A = arith.constant 640 : i32
    %mul3A_0 = arith.muli %arg1, %mul3A : i32
    "tpu.region"() ({
      %run_scoped3A = tpu.sem_alloc : memref<!tpu.dma_semaphore, #tpu.memory_space<semaphore_mem>>
      %dma_start3A = arith.constant 0 : i32
      %dma_start3A_9 = tpu.memref_slice %arg11[%mul3A_0, %dma_start3A] : memref<10240x128xf32, #tpu.memory_space<vmem_shared>> -> memref<640x128xf32, #tpu.memory_space<vmem_shared>>
      tpu.enqueue_dma source(%arg5 : memref<640x128xf32, #tpu.memory_space<hbm>>) target(%dma_start3A_9 : memref<640x128xf32, #tpu.memory_space<vmem_shared>>) target_semaphore(%run_scoped3A : memref<!tpu.dma_semaphore, #tpu.memory_space<semaphore_mem>>)
      %dma_wait3A = arith.constant 0 : i32
      %dma_wait3A_10 = tpu.memref_slice %arg11[%mul3A_0, %dma_wait3A] : memref<10240x128xf32, #tpu.memory_space<vmem_shared>> -> memref<640x128xf32, #tpu.memory_space<vmem_shared>>
      tpu.wait_dma2 semaphore(%run_scoped3A : memref<!tpu.dma_semaphore, #tpu.memory_space<semaphore_mem>>) src(%arg5 : memref<640x128xf32, #tpu.memory_space<hbm>>) dst(%dma_wait3A_10 : memref<640x128xf32, #tpu.memory_space<vmem_shared>>)
      tpu.yield
    }) : () -> ()
    %barrier3A = arith.constant 0 : index
    tpu.barrier barrier_id(%barrier3A)
    %scan3A = arith.constant 0 : i32
    %scan3A_1 = arith.constant 0 : i32
    %scan3A_2 = arith.constant 4 : i32
    %scan3A_3 = arith.addi %scan3A_1, %scan3A_2 : i32
    %scan3A_4 = arith.constant 1 : i32
    scf.for %scan3A_9 = %scan3A_1 to %scan3A_3 step %scan3A_4  : i32 {
      %mul3A_10 = arith.constant 40 : i32
      %mul3A_11 = arith.muli %scan3A_9, %mul3A_10 : i32
      "tpu.region"() ({
        %run_scoped3A = tpu.sem_alloc : memref<!tpu.dma_semaphore, #tpu.memory_space<semaphore_mem>>
        %dma_start3A_30 = arith.constant 0 : i32
        %dma_start3A_31 = tpu.memref_slice %arg3[%arg1, %mul3A_11, %dma_start3A_30] : memref<16x160x128xi32, #tpu.memory_space<hbm>> -> memref<1x40x128xi32, #tpu.memory_space<hbm>>
        %dma_start3A_32 = tpu.memref_squeeze %dma_start3A_31 : memref<1x40x128xi32, #tpu.memory_space<hbm>> -> memref<40x128xi32, #tpu.memory_space<hbm>>
        %dma_start3A_33 = arith.constant 0 : i32
        %dma_start3A_34 = tpu.memref_slice %arg3[%arg1, %mul3A_11, %dma_start3A_33] : memref<16x160x128xi32, #tpu.memory_space<hbm>> -> memref<1x40x128xi32, #tpu.memory_space<hbm>>
        %dma_start3A_35 = tpu.memref_squeeze %dma_start3A_34 : memref<1x40x128xi32, #tpu.memory_space<hbm>> -> memref<40x128xi32, #tpu.memory_space<hbm>>
        tpu.enqueue_dma source(%dma_start3A_35 : memref<40x128xi32, #tpu.memory_space<hbm>>) target(%arg7 : memref<40x128xi32, #tpu.memory_space<vmem>>) target_semaphore(%run_scoped3A : memref<!tpu.dma_semaphore, #tpu.memory_space<semaphore_mem>>)
        %dma_wait3A = arith.constant 0 : i32
        %dma_wait3A_36 = tpu.memref_slice %arg3[%arg1, %mul3A_11, %dma_wait3A] : memref<16x160x128xi32, #tpu.memory_space<hbm>> -> memref<1x40x128xi32, #tpu.memory_space<hbm>>
        %dma_wait3A_37 = tpu.memref_squeeze %dma_wait3A_36 : memref<1x40x128xi32, #tpu.memory_space<hbm>> -> memref<40x128xi32, #tpu.memory_space<hbm>>
        %dma_wait3A_38 = arith.constant 0 : i32
        %dma_wait3A_39 = tpu.memref_slice %arg3[%arg1, %mul3A_11, %dma_wait3A_38] : memref<16x160x128xi32, #tpu.memory_space<hbm>> -> memref<1x40x128xi32, #tpu.memory_space<hbm>>
        %dma_wait3A_40 = tpu.memref_squeeze %dma_wait3A_39 : memref<1x40x128xi32, #tpu.memory_space<hbm>> -> memref<40x128xi32, #tpu.memory_space<hbm>>
        tpu.wait_dma2 semaphore(%run_scoped3A : memref<!tpu.dma_semaphore, #tpu.memory_space<semaphore_mem>>) src(%dma_wait3A_40 : memref<40x128xi32, #tpu.memory_space<hbm>>) dst(%arg7 : memref<40x128xi32, #tpu.memory_space<vmem>>)
        tpu.yield
      }) : () -> ()
      %mul3A_12 = arith.constant 40 : i32
      %mul3A_13 = arith.muli %scan3A_9, %mul3A_12 : i32
      "tpu.region"() ({
        %run_scoped3A = tpu.sem_alloc : memref<!tpu.dma_semaphore, #tpu.memory_space<semaphore_mem>>
        %dma_start3A_30 = arith.constant 0 : i32
        %dma_start3A_31 = tpu.memref_slice %arg4[%arg1, %mul3A_13, %dma_start3A_30] : memref<16x160x128xi32, #tpu.memory_space<hbm>> -> memref<1x40x128xi32, #tpu.memory_space<hbm>>
        %dma_start3A_32 = tpu.memref_squeeze %dma_start3A_31 : memref<1x40x128xi32, #tpu.memory_space<hbm>> -> memref<40x128xi32, #tpu.memory_space<hbm>>
        %dma_start3A_33 = arith.constant 0 : i32
        %dma_start3A_34 = tpu.memref_slice %arg4[%arg1, %mul3A_13, %dma_start3A_33] : memref<16x160x128xi32, #tpu.memory_space<hbm>> -> memref<1x40x128xi32, #tpu.memory_space<hbm>>
        %dma_start3A_35 = tpu.memref_squeeze %dma_start3A_34 : memref<1x40x128xi32, #tpu.memory_space<hbm>> -> memref<40x128xi32, #tpu.memory_space<hbm>>
        tpu.enqueue_dma source(%dma_start3A_35 : memref<40x128xi32, #tpu.memory_space<hbm>>) target(%arg8 : memref<40x128xi32, #tpu.memory_space<vmem>>) target_semaphore(%run_scoped3A : memref<!tpu.dma_semaphore, #tpu.memory_space<semaphore_mem>>)
        %dma_wait3A = arith.constant 0 : i32
        %dma_wait3A_36 = tpu.memref_slice %arg4[%arg1, %mul3A_13, %dma_wait3A] : memref<16x160x128xi32, #tpu.memory_space<hbm>> -> memref<1x40x128xi32, #tpu.memory_space<hbm>>
        %dma_wait3A_37 = tpu.memref_squeeze %dma_wait3A_36 : memref<1x40x128xi32, #tpu.memory_space<hbm>> -> memref<40x128xi32, #tpu.memory_space<hbm>>
        %dma_wait3A_38 = arith.constant 0 : i32
        %dma_wait3A_39 = tpu.memref_slice %arg4[%arg1, %mul3A_13, %dma_wait3A_38] : memref<16x160x128xi32, #tpu.memory_space<hbm>> -> memref<1x40x128xi32, #tpu.memory_space<hbm>>
        %dma_wait3A_40 = tpu.memref_squeeze %dma_wait3A_39 : memref<1x40x128xi32, #tpu.memory_space<hbm>> -> memref<40x128xi32, #tpu.memory_space<hbm>>
        tpu.wait_dma2 semaphore(%run_scoped3A : memref<!tpu.dma_semaphore, #tpu.memory_space<semaphore_mem>>) src(%dma_wait3A_40 : memref<40x128xi32, #tpu.memory_space<hbm>>) dst(%arg8 : memref<40x128xi32, #tpu.memory_space<vmem>>)
        tpu.yield
      }) : () -> ()
      %dma_start3A = arith.constant 0 : i32
      %dma_start3A_14 = arith.constant 0 : i32
      %dma_start3A_15 = tpu.memref_slice %arg7[%dma_start3A, %dma_start3A_14] : memref<40x128xi32, #tpu.memory_space<vmem>> -> memref<1x128xi32, #tpu.memory_space<vmem>>
      %dma_start3A_16 = tpu.memref_squeeze %dma_start3A_15 : memref<1x128xi32, #tpu.memory_space<vmem>> -> memref<128xi32, #tpu.memory_space<vmem>>
      %dma_start3A_17 = arith.constant 0 : i32
      %dma_start3A_18 = arith.constant 0 : i32
      %dma_start3A_19 = tpu.memref_slice %arg2[%arg0, %dma_start3A_17, %dma_start3A_18] : memref<2x10000x128xf32, #tpu.memory_space<hbm>> -> memref<1x10000x128xf32, #tpu.memory_space<hbm>>
      %dma_start3A_20 = tpu.memref_squeeze %dma_start3A_19 : memref<1x10000x128xf32, #tpu.memory_space<hbm>> -> memref<10000x128xf32, #tpu.memory_space<hbm>>
      %dma_start3A_21 = arith.constant 0 : i32
      %dma_start3A_22 = arith.constant 0 : i32
      %dma_start3A_23 = tpu.memref_slice %dma_start3A_20[%dma_start3A_21, %dma_start3A_22] : memref<10000x128xf32, #tpu.memory_space<hbm>> -> memref<10000x128xf32, #tpu.memory_space<hbm>>
      tpu.enqueue_indirect_dma source(%dma_start3A_23 : memref<10000x128xf32, #tpu.memory_space<hbm>>) target(%arg9 : memref<128x128xf32, #tpu.memory_space<vmem>>) offsets(%dma_start3A_16 : memref<128xi32, #tpu.memory_space<vmem>>) semaphore(%arg12 : memref<!tpu.dma_semaphore, #tpu.memory_space<semaphore_mem>>)
      %scan3A_24 = arith.constant 0 : i32
      %scan3A_25 = arith.constant 0 : i32
      %scan3A_26 = arith.constant 20 : i32
      %scan3A_27 = arith.addi %scan3A_25, %scan3A_26 : i32
      %scan3A_28 = arith.constant 1 : i32
      scf.for %scan3A_30 = %scan3A_25 to %scan3A_27 step %scan3A_28  : i32 {
        %mul3A_31 = arith.constant 2 : i32
        %mul3A_32 = arith.muli %scan3A_30, %mul3A_31 : i32
        %dma_wait3A = arith.constant 0 : i32
        %dma_wait3A_33 = tpu.memref_slice %arg7[%mul3A_32, %dma_wait3A] : memref<40x128xi32, #tpu.memory_space<vmem>> -> memref<1x128xi32, #tpu.memory_space<vmem>>
        %dma_wait3A_34 = tpu.memref_squeeze %dma_wait3A_33 : memref<1x128xi32, #tpu.memory_space<vmem>> -> memref<128xi32, #tpu.memory_space<vmem>>
        %dma_wait3A_35 = arith.constant 0 : i32
        %dma_wait3A_36 = arith.constant 0 : i32
        %dma_wait3A_37 = tpu.memref_slice %arg2[%arg0, %dma_wait3A_35, %dma_wait3A_36] : memref<2x10000x128xf32, #tpu.memory_space<hbm>> -> memref<1x10000x128xf32, #tpu.memory_space<hbm>>
        %dma_wait3A_38 = tpu.memref_squeeze %dma_wait3A_37 : memref<1x10000x128xf32, #tpu.memory_space<hbm>> -> memref<10000x128xf32, #tpu.memory_space<hbm>>
        %dma_wait3A_39 = arith.constant 0 : i32
        %dma_wait3A_40 = arith.constant 0 : i32
        %dma_wait3A_41 = tpu.memref_slice %dma_wait3A_38[%dma_wait3A_39, %dma_wait3A_40] : memref<10000x128xf32, #tpu.memory_space<hbm>> -> memref<10000x128xf32, #tpu.memory_space<hbm>>
        tpu.wait_indirect_dma semaphore(%arg12 : memref<!tpu.dma_semaphore, #tpu.memory_space<semaphore_mem>>) src(%dma_wait3A_41 : memref<10000x128xf32, #tpu.memory_space<hbm>>) dst(%arg9 : memref<128x128xf32, #tpu.memory_space<vmem>>)
        %add3A = arith.constant 1 : i32
        %add3A_42 = arith.addi %mul3A_32, %add3A : i32
        %dma_start3A_43 = arith.constant 0 : i32
        %dma_start3A_44 = tpu.memref_slice %arg7[%add3A_42, %dma_start3A_43] : memref<40x128xi32, #tpu.memory_space<vmem>> -> memref<1x128xi32, #tpu.memory_space<vmem>>
        %dma_start3A_45 = tpu.memref_squeeze %dma_start3A_44 : memref<1x128xi32, #tpu.memory_space<vmem>> -> memref<128xi32, #tpu.memory_space<vmem>>
        %dma_start3A_46 = arith.constant 0 : i32
        %dma_start3A_47 = arith.constant 0 : i32
        %dma_start3A_48 = tpu.memref_slice %arg2[%arg0, %dma_start3A_46, %dma_start3A_47] : memref<2x10000x128xf32, #tpu.memory_space<hbm>> -> memref<1x10000x128xf32, #tpu.memory_space<hbm>>
        %dma_start3A_49 = tpu.memref_squeeze %dma_start3A_48 : memref<1x10000x128xf32, #tpu.memory_space<hbm>> -> memref<10000x128xf32, #tpu.memory_space<hbm>>
        %dma_start3A_50 = arith.constant 0 : i32
        %dma_start3A_51 = arith.constant 0 : i32
        %dma_start3A_52 = tpu.memref_slice %dma_start3A_49[%dma_start3A_50, %dma_start3A_51] : memref<10000x128xf32, #tpu.memory_space<hbm>> -> memref<10000x128xf32, #tpu.memory_space<hbm>>
        tpu.enqueue_indirect_dma source(%dma_start3A_52 : memref<10000x128xf32, #tpu.memory_space<hbm>>) target(%arg10 : memref<128x128xf32, #tpu.memory_space<vmem>>) offsets(%dma_start3A_45 : memref<128xi32, #tpu.memory_space<vmem>>) semaphore(%arg13 : memref<!tpu.dma_semaphore, #tpu.memory_space<semaphore_mem>>)
        "tpu.region"() ({
          %run_scoped3A = tpu.sem_alloc : memref<!tpu.dma_semaphore, #tpu.memory_space<semaphore_mem>>
          %dma_start3A_71 = arith.constant 0 : i32
          %dma_start3A_72 = tpu.memref_slice %arg8[%mul3A_32, %dma_start3A_71] : memref<40x128xi32, #tpu.memory_space<vmem>> -> memref<1x128xi32, #tpu.memory_space<vmem>>
          %dma_start3A_73 = tpu.memref_squeeze %dma_start3A_72 : memref<1x128xi32, #tpu.memory_space<vmem>> -> memref<128xi32, #tpu.memory_space<vmem>>
          %dma_start3A_74 = arith.constant 0 : i32
          %dma_start3A_75 = arith.constant 0 : i32
          %dma_start3A_76 = tpu.memref_slice %arg11[%dma_start3A_74, %dma_start3A_75] : memref<10240x128xf32, #tpu.memory_space<vmem_shared>> -> memref<10240x128xf32, #tpu.memory_space<vmem_shared>>
          tpu.enqueue_indirect_dma source(%arg9 : memref<128x128xf32, #tpu.memory_space<vmem>>) target(%dma_start3A_76 : memref<10240x128xf32, #tpu.memory_space<vmem_shared>>) offsets(%dma_start3A_73 : memref<128xi32, #tpu.memory_space<vmem>>) semaphore(%run_scoped3A : memref<!tpu.dma_semaphore, #tpu.memory_space<semaphore_mem>>) {add = true}
          %dma_wait3A_77 = arith.constant 0 : i32
          %dma_wait3A_78 = tpu.memref_slice %arg8[%mul3A_32, %dma_wait3A_77] : memref<40x128xi32, #tpu.memory_space<vmem>> -> memref<1x128xi32, #tpu.memory_space<vmem>>
          %dma_wait3A_79 = tpu.memref_squeeze %dma_wait3A_78 : memref<1x128xi32, #tpu.memory_space<vmem>> -> memref<128xi32, #tpu.memory_space<vmem>>
          %dma_wait3A_80 = arith.constant 0 : i32
          %dma_wait3A_81 = arith.constant 0 : i32
          %dma_wait3A_82 = tpu.memref_slice %arg11[%dma_wait3A_80, %dma_wait3A_81] : memref<10240x128xf32, #tpu.memory_space<vmem_shared>> -> memref<10240x128xf32, #tpu.memory_space<vmem_shared>>
          tpu.wait_indirect_dma semaphore(%run_scoped3A : memref<!tpu.dma_semaphore, #tpu.memory_space<semaphore_mem>>) src(%arg9 : memref<128x128xf32, #tpu.memory_space<vmem>>) dst(%dma_wait3A_82 : memref<10240x128xf32, #tpu.memory_space<vmem_shared>>)
          tpu.yield
        }) : () -> ()
        %add3A_53 = arith.constant 1 : i32
        %add3A_54 = arith.addi %mul3A_32, %add3A_53 : i32
        %dma_wait3A_55 = arith.constant 0 : i32
        %dma_wait3A_56 = tpu.memref_slice %arg7[%add3A_54, %dma_wait3A_55] : memref<40x128xi32, #tpu.memory_space<vmem>> -> memref<1x128xi32, #tpu.memory_space<vmem>>
        %dma_wait3A_57 = tpu.memref_squeeze %dma_wait3A_56 : memref<1x128xi32, #tpu.memory_space<vmem>> -> memref<128xi32, #tpu.memory_space<vmem>>
        %dma_wait3A_58 = arith.constant 0 : i32
        %dma_wait3A_59 = arith.constant 0 : i32
        %dma_wait3A_60 = tpu.memref_slice %arg2[%arg0, %dma_wait3A_58, %dma_wait3A_59] : memref<2x10000x128xf32, #tpu.memory_space<hbm>> -> memref<1x10000x128xf32, #tpu.memory_space<hbm>>
        %dma_wait3A_61 = tpu.memref_squeeze %dma_wait3A_60 : memref<1x10000x128xf32, #tpu.memory_space<hbm>> -> memref<10000x128xf32, #tpu.memory_space<hbm>>
        %dma_wait3A_62 = arith.constant 0 : i32
        %dma_wait3A_63 = arith.constant 0 : i32
        %dma_wait3A_64 = tpu.memref_slice %dma_wait3A_61[%dma_wait3A_62, %dma_wait3A_63] : memref<10000x128xf32, #tpu.memory_space<hbm>> -> memref<10000x128xf32, #tpu.memory_space<hbm>>
        tpu.wait_indirect_dma semaphore(%arg13 : memref<!tpu.dma_semaphore, #tpu.memory_space<semaphore_mem>>) src(%dma_wait3A_64 : memref<10000x128xf32, #tpu.memory_space<hbm>>) dst(%arg10 : memref<128x128xf32, #tpu.memory_space<vmem>>)
        %add3A_65 = arith.constant 1 : i32
        %add3A_66 = arith.addi %scan3A_30, %add3A_65 : i32
        %lt3A = arith.constant 20 : i32
        %lt3A_67 = arith.cmpi slt, %add3A_66, %lt3A : i32
        %convert_element_type3A = arith.extui %lt3A_67 : i1 to i32
        %cond3A = arith.constant 0 : i32
        %cond3A_68 = arith.cmpi ne, %convert_element_type3A, %cond3A : i32
        scf.if %cond3A_68 {
          %add3A_71 = arith.constant 2 : i32
          %add3A_72 = arith.addi %mul3A_32, %add3A_71 : i32
          %dma_start3A_73 = arith.constant 0 : i32
          %dma_start3A_74 = tpu.memref_slice %arg7[%add3A_72, %dma_start3A_73] : memref<40x128xi32, #tpu.memory_space<vmem>> -> memref<1x128xi32, #tpu.memory_space<vmem>>
          %dma_start3A_75 = tpu.memref_squeeze %dma_start3A_74 : memref<1x128xi32, #tpu.memory_space<vmem>> -> memref<128xi32, #tpu.memory_space<vmem>>
          %dma_start3A_76 = arith.constant 0 : i32
          %dma_start3A_77 = arith.constant 0 : i32
          %dma_start3A_78 = tpu.memref_slice %arg2[%arg0, %dma_start3A_76, %dma_start3A_77] : memref<2x10000x128xf32, #tpu.memory_space<hbm>> -> memref<1x10000x128xf32, #tpu.memory_space<hbm>>
          %dma_start3A_79 = tpu.memref_squeeze %dma_start3A_78 : memref<1x10000x128xf32, #tpu.memory_space<hbm>> -> memref<10000x128xf32, #tpu.memory_space<hbm>>
          %dma_start3A_80 = arith.constant 0 : i32
          %dma_start3A_81 = arith.constant 0 : i32
          %dma_start3A_82 = tpu.memref_slice %dma_start3A_79[%dma_start3A_80, %dma_start3A_81] : memref<10000x128xf32, #tpu.memory_space<hbm>> -> memref<10000x128xf32, #tpu.memory_space<hbm>>
          tpu.enqueue_indirect_dma source(%dma_start3A_82 : memref<10000x128xf32, #tpu.memory_space<hbm>>) target(%arg9 : memref<128x128xf32, #tpu.memory_space<vmem>>) offsets(%dma_start3A_75 : memref<128xi32, #tpu.memory_space<vmem>>) semaphore(%arg12 : memref<!tpu.dma_semaphore, #tpu.memory_space<semaphore_mem>>)
        } else {
        }
        %add3A_69 = arith.constant 1 : i32
        %add3A_70 = arith.addi %mul3A_32, %add3A_69 : i32
        "tpu.region"() ({
          %run_scoped3A = tpu.sem_alloc : memref<!tpu.dma_semaphore, #tpu.memory_space<semaphore_mem>>
          %dma_start3A_71 = arith.constant 0 : i32
          %dma_start3A_72 = tpu.memref_slice %arg8[%add3A_70, %dma_start3A_71] : memref<40x128xi32, #tpu.memory_space<vmem>> -> memref<1x128xi32, #tpu.memory_space<vmem>>
          %dma_start3A_73 = tpu.memref_squeeze %dma_start3A_72 : memref<1x128xi32, #tpu.memory_space<vmem>> -> memref<128xi32, #tpu.memory_space<vmem>>
          %dma_start3A_74 = arith.constant 0 : i32
          %dma_start3A_75 = arith.constant 0 : i32
          %dma_start3A_76 = tpu.memref_slice %arg11[%dma_start3A_74, %dma_start3A_75] : memref<10240x128xf32, #tpu.memory_space<vmem_shared>> -> memref<10240x128xf32, #tpu.memory_space<vmem_shared>>
          tpu.enqueue_indirect_dma source(%arg10 : memref<128x128xf32, #tpu.memory_space<vmem>>) target(%dma_start3A_76 : memref<10240x128xf32, #tpu.memory_space<vmem_shared>>) offsets(%dma_start3A_73 : memref<128xi32, #tpu.memory_space<vmem>>) semaphore(%run_scoped3A : memref<!tpu.dma_semaphore, #tpu.memory_space<semaphore_mem>>) {add = true}
          %dma_wait3A_77 = arith.constant 0 : i32
          %dma_wait3A_78 = tpu.memref_slice %arg8[%add3A_70, %dma_wait3A_77] : memref<40x128xi32, #tpu.memory_space<vmem>> -> memref<1x128xi32, #tpu.memory_space<vmem>>
          %dma_wait3A_79 = tpu.memref_squeeze %dma_wait3A_78 : memref<1x128xi32, #tpu.memory_space<vmem>> -> memref<128xi32, #tpu.memory_space<vmem>>
          %dma_wait3A_80 = arith.constant 0 : i32
          %dma_wait3A_81 = arith.constant 0 : i32
          %dma_wait3A_82 = tpu.memref_slice %arg11[%dma_wait3A_80, %dma_wait3A_81] : memref<10240x128xf32, #tpu.memory_space<vmem_shared>> -> memref<10240x128xf32, #tpu.memory_space<vmem_shared>>
          tpu.wait_indirect_dma semaphore(%run_scoped3A : memref<!tpu.dma_semaphore, #tpu.memory_space<semaphore_mem>>) src(%arg10 : memref<128x128xf32, #tpu.memory_space<vmem>>) dst(%dma_wait3A_82 : memref<10240x128xf32, #tpu.memory_space<vmem_shared>>)
          tpu.yield
        }) : () -> ()
      }
      %scan3A_29 = arith.constant 20 : i32
    }
    %scan3A_5 = arith.constant 4 : i32
    %barrier3A_6 = arith.constant 0 : index
    tpu.barrier barrier_id(%barrier3A_6)
    %mul3A_7 = arith.constant 640 : i32
    %mul3A_8 = arith.muli %arg1, %mul3A_7 : i32
    "tpu.region"() ({
      %run_scoped3A = tpu.sem_alloc : memref<!tpu.dma_semaphore, #tpu.memory_space<semaphore_mem>>
      %dma_start3A = arith.constant 0 : i32
      %dma_start3A_9 = tpu.memref_slice %arg6[%arg0, %mul3A_8, %dma_start3A] : memref<2x10240x128xf32, #tpu.memory_space<hbm>> -> memref<1x640x128xf32, #tpu.memory_space<hbm>>
      %dma_start3A_10 = tpu.memref_squeeze %dma_start3A_9 : memref<1x640x128xf32, #tpu.memory_space<hbm>> -> memref<640x128xf32, #tpu.memory_space<hbm>>
      %dma_start3A_11 = arith.constant 0 : i32
      %dma_start3A_12 = tpu.memref_slice %arg11[%mul3A_8, %dma_start3A_11] : memref<10240x128xf32, #tpu.memory_space<vmem_shared>> -> memref<640x128xf32, #tpu.memory_space<vmem_shared>>
      tpu.enqueue_dma source(%dma_start3A_12 : memref<640x128xf32, #tpu.memory_space<vmem_shared>>) target(%dma_start3A_10 : memref<640x128xf32, #tpu.memory_space<hbm>>) target_semaphore(%run_scoped3A : memref<!tpu.dma_semaphore, #tpu.memory_space<semaphore_mem>>)
      %dma_wait3A = arith.constant 0 : i32
      %dma_wait3A_13 = tpu.memref_slice %arg6[%arg0, %mul3A_8, %dma_wait3A] : memref<2x10240x128xf32, #tpu.memory_space<hbm>> -> memref<1x640x128xf32, #tpu.memory_space<hbm>>
      %dma_wait3A_14 = tpu.memref_squeeze %dma_wait3A_13 : memref<1x640x128xf32, #tpu.memory_space<hbm>> -> memref<640x128xf32, #tpu.memory_space<hbm>>
      %dma_wait3A_15 = arith.constant 0 : i32
      %dma_wait3A_16 = tpu.memref_slice %arg11[%mul3A_8, %dma_wait3A_15] : memref<10240x128xf32, #tpu.memory_space<vmem_shared>> -> memref<640x128xf32, #tpu.memory_space<vmem_shared>>
      tpu.wait_dma2 semaphore(%run_scoped3A : memref<!tpu.dma_semaphore, #tpu.memory_space<semaphore_mem>>) src(%dma_wait3A_16 : memref<640x128xf32, #tpu.memory_space<vmem_shared>>) dst(%dma_wait3A_14 : memref<640x128xf32, #tpu.memory_space<hbm>>)
      tpu.yield
    }) : () -> ()
    return
  }
}

#map = affine_map<(d0, d1) -> (0, 0, 0)>
#map1 = affine_map<(d0, d1) -> (0, 0)>
module attributes {stable_mosaic.version = 14 : i64} {
  func.func @_agg_kernel(%arg0: i32, %arg1: i32, %arg2: memref<2x10000x128xf32, #tpu.memory_space<hbm>>, %arg3: memref<16x160x128xi32, #tpu.memory_space<hbm>>, %arg4: memref<16x160x128xi32, #tpu.memory_space<hbm>>, %arg5: memref<640x128xf32, #tpu.memory_space<hbm>>, %arg6: memref<2x10240x128xf32, #tpu.memory_space<hbm>>, %arg7: memref<40x128xi32, #tpu.memory_space<vmem>>, %arg8: memref<40x128xi32, #tpu.memory_space<vmem>>, %arg9: memref<128x128xf32, #tpu.memory_space<vmem>>, %arg10: memref<128x128xf32, #tpu.memory_space<vmem>>, %arg11: memref<10240x128xf32, #tpu.memory_space<vmem_shared>>, %arg12: memref<!tpu.dma_semaphore, #tpu.memory_space<semaphore_mem>>, %arg13: memref<!tpu.dma_semaphore, #tpu.memory_space<semaphore_mem>>) attributes {dimension_semantics = [#tpu.dimension_semantics<core_parallel>, #tpu.dimension_semantics<subcore_parallel>], iteration_bounds = array<i64: 2, 16>, scalar_prefetch = 0 : i64, scratch_operands = 7 : i64, tpu.core_type = #tpu.core_type<sc_vector_subcore>, window_params = [{transform_indices = #map}, {transform_indices = #map}, {transform_indices = #map}, {transform_indices = #map1}, {transform_indices = #map}]} {
    %mul3A = arith.constant 640 : i32
    %mul3A_0 = arith.muli %arg1, %mul3A : i32
    "tpu.region"() ({
      %run_scoped3A = tpu.sem_alloc : memref<!tpu.dma_semaphore, #tpu.memory_space<semaphore_mem>>
      %dma_start3A = arith.constant 0 : i32
      %dma_start3A_9 = tpu.memref_slice %arg11[%mul3A_0, %dma_start3A] : memref<10240x128xf32, #tpu.memory_space<vmem_shared>> -> memref<640x128xf32, #tpu.memory_space<vmem_shared>>
      tpu.enqueue_dma source(%arg5 : memref<640x128xf32, #tpu.memory_space<hbm>>) target(%dma_start3A_9 : memref<640x128xf32, #tpu.memory_space<vmem_shared>>) target_semaphore(%run_scoped3A : memref<!tpu.dma_semaphore, #tpu.memory_space<semaphore_mem>>)
      %dma_wait3A = arith.constant 0 : i32
      %dma_wait3A_10 = tpu.memref_slice %arg11[%mul3A_0, %dma_wait3A] : memref<10240x128xf32, #tpu.memory_space<vmem_shared>> -> memref<640x128xf32, #tpu.memory_space<vmem_shared>>
      tpu.wait_dma2 semaphore(%run_scoped3A : memref<!tpu.dma_semaphore, #tpu.memory_space<semaphore_mem>>) src(%arg5 : memref<640x128xf32, #tpu.memory_space<hbm>>) dst(%dma_wait3A_10 : memref<640x128xf32, #tpu.memory_space<vmem_shared>>)
      tpu.yield
    }) : () -> ()
    %barrier3A = arith.constant 0 : index
    tpu.barrier barrier_id(%barrier3A)
    %scan3A = arith.constant 0 : i32
    %scan3A_1 = arith.constant 0 : i32
    %scan3A_2 = arith.constant 4 : i32
    %scan3A_3 = arith.addi %scan3A_1, %scan3A_2 : i32
    %scan3A_4 = arith.constant 1 : i32
    scf.for %scan3A_9 = %scan3A_1 to %scan3A_3 step %scan3A_4  : i32 {
      %mul3A_10 = arith.constant 40 : i32
      %mul3A_11 = arith.muli %scan3A_9, %mul3A_10 : i32
      "tpu.region"() ({
        %run_scoped3A = tpu.sem_alloc : memref<!tpu.dma_semaphore, #tpu.memory_space<semaphore_mem>>
        %dma_start3A_30 = arith.constant 0 : i32
        %dma_start3A_31 = tpu.memref_slice %arg3[%arg1, %mul3A_11, %dma_start3A_30] : memref<16x160x128xi32, #tpu.memory_space<hbm>> -> memref<1x40x128xi32, #tpu.memory_space<hbm>>
        %dma_start3A_32 = tpu.memref_squeeze %dma_start3A_31 : memref<1x40x128xi32, #tpu.memory_space<hbm>> -> memref<40x128xi32, #tpu.memory_space<hbm>>
        %dma_start3A_33 = arith.constant 0 : i32
        %dma_start3A_34 = tpu.memref_slice %arg3[%arg1, %mul3A_11, %dma_start3A_33] : memref<16x160x128xi32, #tpu.memory_space<hbm>> -> memref<1x40x128xi32, #tpu.memory_space<hbm>>
        %dma_start3A_35 = tpu.memref_squeeze %dma_start3A_34 : memref<1x40x128xi32, #tpu.memory_space<hbm>> -> memref<40x128xi32, #tpu.memory_space<hbm>>
        tpu.enqueue_dma source(%dma_start3A_35 : memref<40x128xi32, #tpu.memory_space<hbm>>) target(%arg7 : memref<40x128xi32, #tpu.memory_space<vmem>>) target_semaphore(%run_scoped3A : memref<!tpu.dma_semaphore, #tpu.memory_space<semaphore_mem>>)
        %dma_wait3A = arith.constant 0 : i32
        %dma_wait3A_36 = tpu.memref_slice %arg3[%arg1, %mul3A_11, %dma_wait3A] : memref<16x160x128xi32, #tpu.memory_space<hbm>> -> memref<1x40x128xi32, #tpu.memory_space<hbm>>
        %dma_wait3A_37 = tpu.memref_squeeze %dma_wait3A_36 : memref<1x40x128xi32, #tpu.memory_space<hbm>> -> memref<40x128xi32, #tpu.memory_space<hbm>>
        %dma_wait3A_38 = arith.constant 0 : i32
        %dma_wait3A_39 = tpu.memref_slice %arg3[%arg1, %mul3A_11, %dma_wait3A_38] : memref<16x160x128xi32, #tpu.memory_space<hbm>> -> memref<1x40x128xi32, #tpu.memory_space<hbm>>
        %dma_wait3A_40 = tpu.memref_squeeze %dma_wait3A_39 : memref<1x40x128xi32, #tpu.memory_space<hbm>> -> memref<40x128xi32, #tpu.memory_space<hbm>>
        tpu.wait_dma2 semaphore(%run_scoped3A : memref<!tpu.dma_semaphore, #tpu.memory_space<semaphore_mem>>) src(%dma_wait3A_40 : memref<40x128xi32, #tpu.memory_space<hbm>>) dst(%arg7 : memref<40x128xi32, #tpu.memory_space<vmem>>)
        tpu.yield
      }) : () -> ()
      %mul3A_12 = arith.constant 40 : i32
      %mul3A_13 = arith.muli %scan3A_9, %mul3A_12 : i32
      "tpu.region"() ({
        %run_scoped3A = tpu.sem_alloc : memref<!tpu.dma_semaphore, #tpu.memory_space<semaphore_mem>>
        %dma_start3A_30 = arith.constant 0 : i32
        %dma_start3A_31 = tpu.memref_slice %arg4[%arg1, %mul3A_13, %dma_start3A_30] : memref<16x160x128xi32, #tpu.memory_space<hbm>> -> memref<1x40x128xi32, #tpu.memory_space<hbm>>
        %dma_start3A_32 = tpu.memref_squeeze %dma_start3A_31 : memref<1x40x128xi32, #tpu.memory_space<hbm>> -> memref<40x128xi32, #tpu.memory_space<hbm>>
        %dma_start3A_33 = arith.constant 0 : i32
        %dma_start3A_34 = tpu.memref_slice %arg4[%arg1, %mul3A_13, %dma_start3A_33] : memref<16x160x128xi32, #tpu.memory_space<hbm>> -> memref<1x40x128xi32, #tpu.memory_space<hbm>>
        %dma_start3A_35 = tpu.memref_squeeze %dma_start3A_34 : memref<1x40x128xi32, #tpu.memory_space<hbm>> -> memref<40x128xi32, #tpu.memory_space<hbm>>
        tpu.enqueue_dma source(%dma_start3A_35 : memref<40x128xi32, #tpu.memory_space<hbm>>) target(%arg8 : memref<40x128xi32, #tpu.memory_space<vmem>>) target_semaphore(%run_scoped3A : memref<!tpu.dma_semaphore, #tpu.memory_space<semaphore_mem>>)
        %dma_wait3A = arith.constant 0 : i32
        %dma_wait3A_36 = tpu.memref_slice %arg4[%arg1, %mul3A_13, %dma_wait3A] : memref<16x160x128xi32, #tpu.memory_space<hbm>> -> memref<1x40x128xi32, #tpu.memory_space<hbm>>
        %dma_wait3A_37 = tpu.memref_squeeze %dma_wait3A_36 : memref<1x40x128xi32, #tpu.memory_space<hbm>> -> memref<40x128xi32, #tpu.memory_space<hbm>>
        %dma_wait3A_38 = arith.constant 0 : i32
        %dma_wait3A_39 = tpu.memref_slice %arg4[%arg1, %mul3A_13, %dma_wait3A_38] : memref<16x160x128xi32, #tpu.memory_space<hbm>> -> memref<1x40x128xi32, #tpu.memory_space<hbm>>
        %dma_wait3A_40 = tpu.memref_squeeze %dma_wait3A_39 : memref<1x40x128xi32, #tpu.memory_space<hbm>> -> memref<40x128xi32, #tpu.memory_space<hbm>>
        tpu.wait_dma2 semaphore(%run_scoped3A : memref<!tpu.dma_semaphore, #tpu.memory_space<semaphore_mem>>) src(%dma_wait3A_40 : memref<40x128xi32, #tpu.memory_space<hbm>>) dst(%arg8 : memref<40x128xi32, #tpu.memory_space<vmem>>)
        tpu.yield
      }) : () -> ()
      %dma_start3A = arith.constant 0 : i32
      %dma_start3A_14 = arith.constant 0 : i32
      %dma_start3A_15 = tpu.memref_slice %arg7[%dma_start3A, %dma_start3A_14] : memref<40x128xi32, #tpu.memory_space<vmem>> -> memref<1x128xi32, #tpu.memory_space<vmem>>
      %dma_start3A_16 = tpu.memref_squeeze %dma_start3A_15 : memref<1x128xi32, #tpu.memory_space<vmem>> -> memref<128xi32, #tpu.memory_space<vmem>>
      %dma_start3A_17 = arith.constant 0 : i32
      %dma_start3A_18 = arith.constant 0 : i32
      %dma_start3A_19 = tpu.memref_slice %arg2[%arg0, %dma_start3A_17, %dma_start3A_18] : memref<2x10000x128xf32, #tpu.memory_space<hbm>> -> memref<1x10000x128xf32, #tpu.memory_space<hbm>>
      %dma_start3A_20 = tpu.memref_squeeze %dma_start3A_19 : memref<1x10000x128xf32, #tpu.memory_space<hbm>> -> memref<10000x128xf32, #tpu.memory_space<hbm>>
      %dma_start3A_21 = arith.constant 0 : i32
      %dma_start3A_22 = arith.constant 0 : i32
      %dma_start3A_23 = tpu.memref_slice %dma_start3A_20[%dma_start3A_21, %dma_start3A_22] : memref<10000x128xf32, #tpu.memory_space<hbm>> -> memref<10000x128xf32, #tpu.memory_space<hbm>>
      tpu.enqueue_indirect_dma source(%dma_start3A_23 : memref<10000x128xf32, #tpu.memory_space<hbm>>) target(%arg9 : memref<128x128xf32, #tpu.memory_space<vmem>>) offsets(%dma_start3A_16 : memref<128xi32, #tpu.memory_space<vmem>>) semaphore(%arg12 : memref<!tpu.dma_semaphore, #tpu.memory_space<semaphore_mem>>)
      %scan3A_24 = arith.constant 0 : i32
      %scan3A_25 = arith.constant 0 : i32
      %scan3A_26 = arith.constant 20 : i32
      %scan3A_27 = arith.addi %scan3A_25, %scan3A_26 : i32
      %scan3A_28 = arith.constant 1 : i32
      scf.for %scan3A_30 = %scan3A_25 to %scan3A_27 step %scan3A_28  : i32 {
        %mul3A_31 = arith.constant 2 : i32
        %mul3A_32 = arith.muli %scan3A_30, %mul3A_31 : i32
        %dma_wait3A = arith.constant 0 : i32
        %dma_wait3A_33 = tpu.memref_slice %arg7[%mul3A_32, %dma_wait3A] : memref<40x128xi32, #tpu.memory_space<vmem>> -> memref<1x128xi32, #tpu.memory_space<vmem>>
        %dma_wait3A_34 = tpu.memref_squeeze %dma_wait3A_33 : memref<1x128xi32, #tpu.memory_space<vmem>> -> memref<128xi32, #tpu.memory_space<vmem>>
        %dma_wait3A_35 = arith.constant 0 : i32
        %dma_wait3A_36 = arith.constant 0 : i32
        %dma_wait3A_37 = tpu.memref_slice %arg2[%arg0, %dma_wait3A_35, %dma_wait3A_36] : memref<2x10000x128xf32, #tpu.memory_space<hbm>> -> memref<1x10000x128xf32, #tpu.memory_space<hbm>>
        %dma_wait3A_38 = tpu.memref_squeeze %dma_wait3A_37 : memref<1x10000x128xf32, #tpu.memory_space<hbm>> -> memref<10000x128xf32, #tpu.memory_space<hbm>>
        %dma_wait3A_39 = arith.constant 0 : i32
        %dma_wait3A_40 = arith.constant 0 : i32
        %dma_wait3A_41 = tpu.memref_slice %dma_wait3A_38[%dma_wait3A_39, %dma_wait3A_40] : memref<10000x128xf32, #tpu.memory_space<hbm>> -> memref<10000x128xf32, #tpu.memory_space<hbm>>
        tpu.wait_indirect_dma semaphore(%arg12 : memref<!tpu.dma_semaphore, #tpu.memory_space<semaphore_mem>>) src(%dma_wait3A_41 : memref<10000x128xf32, #tpu.memory_space<hbm>>) dst(%arg9 : memref<128x128xf32, #tpu.memory_space<vmem>>)
        %add3A = arith.constant 1 : i32
        %add3A_42 = arith.addi %mul3A_32, %add3A : i32
        %dma_start3A_43 = arith.constant 0 : i32
        %dma_start3A_44 = tpu.memref_slice %arg7[%add3A_42, %dma_start3A_43] : memref<40x128xi32, #tpu.memory_space<vmem>> -> memref<1x128xi32, #tpu.memory_space<vmem>>
        %dma_start3A_45 = tpu.memref_squeeze %dma_start3A_44 : memref<1x128xi32, #tpu.memory_space<vmem>> -> memref<128xi32, #tpu.memory_space<vmem>>
        %dma_start3A_46 = arith.constant 0 : i32
        %dma_start3A_47 = arith.constant 0 : i32
        %dma_start3A_48 = tpu.memref_slice %arg2[%arg0, %dma_start3A_46, %dma_start3A_47] : memref<2x10000x128xf32, #tpu.memory_space<hbm>> -> memref<1x10000x128xf32, #tpu.memory_space<hbm>>
        %dma_start3A_49 = tpu.memref_squeeze %dma_start3A_48 : memref<1x10000x128xf32, #tpu.memory_space<hbm>> -> memref<10000x128xf32, #tpu.memory_space<hbm>>
        %dma_start3A_50 = arith.constant 0 : i32
        %dma_start3A_51 = arith.constant 0 : i32
        %dma_start3A_52 = tpu.memref_slice %dma_start3A_49[%dma_start3A_50, %dma_start3A_51] : memref<10000x128xf32, #tpu.memory_space<hbm>> -> memref<10000x128xf32, #tpu.memory_space<hbm>>
        tpu.enqueue_indirect_dma source(%dma_start3A_52 : memref<10000x128xf32, #tpu.memory_space<hbm>>) target(%arg10 : memref<128x128xf32, #tpu.memory_space<vmem>>) offsets(%dma_start3A_45 : memref<128xi32, #tpu.memory_space<vmem>>) semaphore(%arg13 : memref<!tpu.dma_semaphore, #tpu.memory_space<semaphore_mem>>)
        "tpu.region"() ({
          %run_scoped3A = tpu.sem_alloc : memref<!tpu.dma_semaphore, #tpu.memory_space<semaphore_mem>>
          %dma_start3A_71 = arith.constant 0 : i32
          %dma_start3A_72 = tpu.memref_slice %arg8[%mul3A_32, %dma_start3A_71] : memref<40x128xi32, #tpu.memory_space<vmem>> -> memref<1x128xi32, #tpu.memory_space<vmem>>
          %dma_start3A_73 = tpu.memref_squeeze %dma_start3A_72 : memref<1x128xi32, #tpu.memory_space<vmem>> -> memref<128xi32, #tpu.memory_space<vmem>>
          %dma_start3A_74 = arith.constant 0 : i32
          %dma_start3A_75 = arith.constant 0 : i32
          %dma_start3A_76 = tpu.memref_slice %arg11[%dma_start3A_74, %dma_start3A_75] : memref<10240x128xf32, #tpu.memory_space<vmem_shared>> -> memref<10240x128xf32, #tpu.memory_space<vmem_shared>>
          tpu.enqueue_indirect_dma source(%arg9 : memref<128x128xf32, #tpu.memory_space<vmem>>) target(%dma_start3A_76 : memref<10240x128xf32, #tpu.memory_space<vmem_shared>>) offsets(%dma_start3A_73 : memref<128xi32, #tpu.memory_space<vmem>>) semaphore(%run_scoped3A : memref<!tpu.dma_semaphore, #tpu.memory_space<semaphore_mem>>) {add = true}
          %dma_wait3A_77 = arith.constant 0 : i32
          %dma_wait3A_78 = tpu.memref_slice %arg8[%mul3A_32, %dma_wait3A_77] : memref<40x128xi32, #tpu.memory_space<vmem>> -> memref<1x128xi32, #tpu.memory_space<vmem>>
          %dma_wait3A_79 = tpu.memref_squeeze %dma_wait3A_78 : memref<1x128xi32, #tpu.memory_space<vmem>> -> memref<128xi32, #tpu.memory_space<vmem>>
          %dma_wait3A_80 = arith.constant 0 : i32
          %dma_wait3A_81 = arith.constant 0 : i32
          %dma_wait3A_82 = tpu.memref_slice %arg11[%dma_wait3A_80, %dma_wait3A_81] : memref<10240x128xf32, #tpu.memory_space<vmem_shared>> -> memref<10240x128xf32, #tpu.memory_space<vmem_shared>>
          tpu.wait_indirect_dma semaphore(%run_scoped3A : memref<!tpu.dma_semaphore, #tpu.memory_space<semaphore_mem>>) src(%arg9 : memref<128x128xf32, #tpu.memory_space<vmem>>) dst(%dma_wait3A_82 : memref<10240x128xf32, #tpu.memory_space<vmem_shared>>)
          tpu.yield
        }) : () -> ()
        %add3A_53 = arith.constant 1 : i32
        %add3A_54 = arith.addi %mul3A_32, %add3A_53 : i32
        %dma_wait3A_55 = arith.constant 0 : i32
        %dma_wait3A_56 = tpu.memref_slice %arg7[%add3A_54, %dma_wait3A_55] : memref<40x128xi32, #tpu.memory_space<vmem>> -> memref<1x128xi32, #tpu.memory_space<vmem>>
        %dma_wait3A_57 = tpu.memref_squeeze %dma_wait3A_56 : memref<1x128xi32, #tpu.memory_space<vmem>> -> memref<128xi32, #tpu.memory_space<vmem>>
        %dma_wait3A_58 = arith.constant 0 : i32
        %dma_wait3A_59 = arith.constant 0 : i32
        %dma_wait3A_60 = tpu.memref_slice %arg2[%arg0, %dma_wait3A_58, %dma_wait3A_59] : memref<2x10000x128xf32, #tpu.memory_space<hbm>> -> memref<1x10000x128xf32, #tpu.memory_space<hbm>>
        %dma_wait3A_61 = tpu.memref_squeeze %dma_wait3A_60 : memref<1x10000x128xf32, #tpu.memory_space<hbm>> -> memref<10000x128xf32, #tpu.memory_space<hbm>>
        %dma_wait3A_62 = arith.constant 0 : i32
        %dma_wait3A_63 = arith.constant 0 : i32
        %dma_wait3A_64 = tpu.memref_slice %dma_wait3A_61[%dma_wait3A_62, %dma_wait3A_63] : memref<10000x128xf32, #tpu.memory_space<hbm>> -> memref<10000x128xf32, #tpu.memory_space<hbm>>
        tpu.wait_indirect_dma semaphore(%arg13 : memref<!tpu.dma_semaphore, #tpu.memory_space<semaphore_mem>>) src(%dma_wait3A_64 : memref<10000x128xf32, #tpu.memory_space<hbm>>) dst(%arg10 : memref<128x128xf32, #tpu.memory_space<vmem>>)
        %add3A_65 = arith.constant 1 : i32
        %add3A_66 = arith.addi %scan3A_30, %add3A_65 : i32
        %lt3A = arith.constant 20 : i32
        %lt3A_67 = arith.cmpi slt, %add3A_66, %lt3A : i32
        %convert_element_type3A = arith.extui %lt3A_67 : i1 to i32
        %cond3A = arith.constant 0 : i32
        %cond3A_68 = arith.cmpi ne, %convert_element_type3A, %cond3A : i32
        scf.if %cond3A_68 {
          %add3A_71 = arith.constant 2 : i32
          %add3A_72 = arith.addi %mul3A_32, %add3A_71 : i32
          %dma_start3A_73 = arith.constant 0 : i32
          %dma_start3A_74 = tpu.memref_slice %arg7[%add3A_72, %dma_start3A_73] : memref<40x128xi32, #tpu.memory_space<vmem>> -> memref<1x128xi32, #tpu.memory_space<vmem>>
          %dma_start3A_75 = tpu.memref_squeeze %dma_start3A_74 : memref<1x128xi32, #tpu.memory_space<vmem>> -> memref<128xi32, #tpu.memory_space<vmem>>
          %dma_start3A_76 = arith.constant 0 : i32
          %dma_start3A_77 = arith.constant 0 : i32
          %dma_start3A_78 = tpu.memref_slice %arg2[%arg0, %dma_start3A_76, %dma_start3A_77] : memref<2x10000x128xf32, #tpu.memory_space<hbm>> -> memref<1x10000x128xf32, #tpu.memory_space<hbm>>
          %dma_start3A_79 = tpu.memref_squeeze %dma_start3A_78 : memref<1x10000x128xf32, #tpu.memory_space<hbm>> -> memref<10000x128xf32, #tpu.memory_space<hbm>>
          %dma_start3A_80 = arith.constant 0 : i32
          %dma_start3A_81 = arith.constant 0 : i32
          %dma_start3A_82 = tpu.memref_slice %dma_start3A_79[%dma_start3A_80, %dma_start3A_81] : memref<10000x128xf32, #tpu.memory_space<hbm>> -> memref<10000x128xf32, #tpu.memory_space<hbm>>
          tpu.enqueue_indirect_dma source(%dma_start3A_82 : memref<10000x128xf32, #tpu.memory_space<hbm>>) target(%arg9 : memref<128x128xf32, #tpu.memory_space<vmem>>) offsets(%dma_start3A_75 : memref<128xi32, #tpu.memory_space<vmem>>) semaphore(%arg12 : memref<!tpu.dma_semaphore, #tpu.memory_space<semaphore_mem>>)
        } else {
        }
        %add3A_69 = arith.constant 1 : i32
        %add3A_70 = arith.addi %mul3A_32, %add3A_69 : i32
        "tpu.region"() ({
          %run_scoped3A = tpu.sem_alloc : memref<!tpu.dma_semaphore, #tpu.memory_space<semaphore_mem>>
          %dma_start3A_71 = arith.constant 0 : i32
          %dma_start3A_72 = tpu.memref_slice %arg8[%add3A_70, %dma_start3A_71] : memref<40x128xi32, #tpu.memory_space<vmem>> -> memref<1x128xi32, #tpu.memory_space<vmem>>
          %dma_start3A_73 = tpu.memref_squeeze %dma_start3A_72 : memref<1x128xi32, #tpu.memory_space<vmem>> -> memref<128xi32, #tpu.memory_space<vmem>>
          %dma_start3A_74 = arith.constant 0 : i32
          %dma_start3A_75 = arith.constant 0 : i32
          %dma_start3A_76 = tpu.memref_slice %arg11[%dma_start3A_74, %dma_start3A_75] : memref<10240x128xf32, #tpu.memory_space<vmem_shared>> -> memref<10240x128xf32, #tpu.memory_space<vmem_shared>>
          tpu.enqueue_indirect_dma source(%arg10 : memref<128x128xf32, #tpu.memory_space<vmem>>) target(%dma_start3A_76 : memref<10240x128xf32, #tpu.memory_space<vmem_shared>>) offsets(%dma_start3A_73 : memref<128xi32, #tpu.memory_space<vmem>>) semaphore(%run_scoped3A : memref<!tpu.dma_semaphore, #tpu.memory_space<semaphore_mem>>) {add = true}
          %dma_wait3A_77 = arith.constant 0 : i32
          %dma_wait3A_78 = tpu.memref_slice %arg8[%add3A_70, %dma_wait3A_77] : memref<40x128xi32, #tpu.memory_space<vmem>> -> memref<1x128xi32, #tpu.memory_space<vmem>>
          %dma_wait3A_79 = tpu.memref_squeeze %dma_wait3A_78 : memref<1x128xi32, #tpu.memory_space<vmem>> -> memref<128xi32, #tpu.memory_space<vmem>>
          %dma_wait3A_80 = arith.constant 0 : i32
          %dma_wait3A_81 = arith.constant 0 : i32
          %dma_wait3A_82 = tpu.memref_slice %arg11[%dma_wait3A_80, %dma_wait3A_81] : memref<10240x128xf32, #tpu.memory_space<vmem_shared>> -> memref<10240x128xf32, #tpu.memory_space<vmem_shared>>
          tpu.wait_indirect_dma semaphore(%run_scoped3A : memref<!tpu.dma_semaphore, #tpu.memory_space<semaphore_mem>>) src(%arg10 : memref<128x128xf32, #tpu.memory_space<vmem>>) dst(%dma_wait3A_82 : memref<10240x128xf32, #tpu.memory_space<vmem_shared>>)
          tpu.yield
        }) : () -> ()
      }
      %scan3A_29 = arith.constant 20 : i32
    }
    %scan3A_5 = arith.constant 4 : i32
    %barrier3A_6 = arith.constant 0 : index
    tpu.barrier barrier_id(%barrier3A_6)
    %mul3A_7 = arith.constant 640 : i32
    %mul3A_8 = arith.muli %arg1, %mul3A_7 : i32
    "tpu.region"() ({
      %run_scoped3A = tpu.sem_alloc : memref<!tpu.dma_semaphore, #tpu.memory_space<semaphore_mem>>
      %dma_start3A = arith.constant 0 : i32
      %dma_start3A_9 = tpu.memref_slice %arg6[%arg0, %mul3A_8, %dma_start3A] : memref<2x10240x128xf32, #tpu.memory_space<hbm>> -> memref<1x640x128xf32, #tpu.memory_space<hbm>>
      %dma_start3A_10 = tpu.memref_squeeze %dma_start3A_9 : memref<1x640x128xf32, #tpu.memory_space<hbm>> -> memref<640x128xf32, #tpu.memory_space<hbm>>
      %dma_start3A_11 = arith.constant 0 : i32
      %dma_start3A_12 = tpu.memref_slice %arg11[%mul3A_8, %dma_start3A_11] : memref<10240x128xf32, #tpu.memory_space<vmem_shared>> -> memref<640x128xf32, #tpu.memory_space<vmem_shared>>
      tpu.enqueue_dma source(%dma_start3A_12 : memref<640x128xf32, #tpu.memory_space<vmem_shared>>) target(%dma_start3A_10 : memref<640x128xf32, #tpu.memory_space<hbm>>) target_semaphore(%run_scoped3A : memref<!tpu.dma_semaphore, #tpu.memory_space<semaphore_mem>>)
      %dma_wait3A = arith.constant 0 : i32
      %dma_wait3A_13 = tpu.memref_slice %arg6[%arg0, %mul3A_8, %dma_wait3A] : memref<2x10240x128xf32, #tpu.memory_space<hbm>> -> memref<1x640x128xf32, #tpu.memory_space<hbm>>
      %dma_wait3A_14 = tpu.memref_squeeze %dma_wait3A_13 : memref<1x640x128xf32, #tpu.memory_space<hbm>> -> memref<640x128xf32, #tpu.memory_space<hbm>>
      %dma_wait3A_15 = arith.constant 0 : i32
      %dma_wait3A_16 = tpu.memref_slice %arg11[%mul3A_8, %dma_wait3A_15] : memref<10240x128xf32, #tpu.memory_space<vmem_shared>> -> memref<640x128xf32, #tpu.memory_space<vmem_shared>>
      tpu.wait_dma2 semaphore(%run_scoped3A : memref<!tpu.dma_semaphore, #tpu.memory_space<semaphore_mem>>) src(%dma_wait3A_16 : memref<640x128xf32, #tpu.memory_space<vmem_shared>>) dst(%dma_wait3A_14 : memref<640x128xf32, #tpu.memory_space<hbm>>)
      tpu.yield
    }) : () -> ()
    return
  }
}

module attributes {stable_mosaic.version = 14 : i64} {
  func.func @_tc_a_body(%arg0: i32, %arg1: memref<1000x128xf32, #tpu.memory_space<vmem>>, %arg2: memref<128x256xf32, #tpu.memory_space<vmem>>, %arg3: memref<2x1000x128xf32, #tpu.memory_space<vmem>>, %arg4: memref<2x1000x128xf32, #tpu.memory_space<vmem>>) attributes {dimension_semantics = [#tpu.dimension_semantics<arbitrary>], iteration_bounds = array<i64: 10>, scalar_prefetch = 0 : i64, scratch_operands = 0 : i64, tpu.core_type = #tpu.core_type<tc>, window_params = [{transform_indices = @transform_0, window_bounds = array<i64: 1000, 128>}, {pipeline_mode = #tpu.pipeline_mode<synchronous>, transform_indices = @transform_1, window_bounds = array<i64: 128, 256>}, {transform_indices = @transform_2, window_bounds = array<i64: 2, 1000, 128>}, {transform_indices = @transform_3, window_bounds = array<i64: 2, 1000, 128>}]} {
    %get3A = arith.constant 0 : index
    %get3A_0 = arith.constant 0 : index
    %get3A_1 = arith.constant 0 : index
    %get3A_2 = vector.load %arg3[%get3A, %get3A_0, %get3A_1] : memref<2x1000x128xf32, #tpu.memory_space<vmem>>, vector<2x1000x128xf32>
    %slice3A = vector.extract_strided_slice %get3A_2 {offsets = [0, 0, 0], sizes = [1, 1000, 1], strides = [1, 1, 1]} : vector<2x1000x128xf32> to vector<1x1000x1xf32>
    %squeeze3A = vector.shape_cast %slice3A : vector<1x1000x1xf32> to vector<1000x1xf32>
    %slice3A_3 = vector.extract_strided_slice %get3A_2 {offsets = [1, 0, 0], sizes = [1, 1000, 1], strides = [1, 1, 1]} : vector<2x1000x128xf32> to vector<1x1000x1xf32>
    %squeeze3A_4 = vector.shape_cast %slice3A_3 : vector<1x1000x1xf32> to vector<1000x1xf32>
    %add3A = arith.addf %squeeze3A, %squeeze3A_4 : vector<1000x1xf32>
    %add3A_5 = arith.constant 1.000000e+00 : f32
    %add3A_6 = vector.broadcast %add3A_5 : f32 to vector<1000x1xf32>
    %add3A_7 = arith.addf %add3A, %add3A_6 : vector<1000x1xf32>
    %rsqrt3A = math.rsqrt %add3A_7 : vector<1000x1xf32>
    %get3A_8 = arith.constant 0 : index
    %get3A_9 = arith.constant 0 : index
    %get3A_10 = vector.load %arg1[%get3A_8, %get3A_9] : memref<1000x128xf32, #tpu.memory_space<vmem>>, vector<1000x128xf32>
    %get3A_11 = arith.constant 0 : index
    %get3A_12 = arith.constant 0 : index
    %get3A_13 = vector.load %arg2[%get3A_11, %get3A_12] : memref<128x256xf32, #tpu.memory_space<vmem>>, vector<128x256xf32>
    %dot_general3A = arith.constant dense<0.000000e+00> : vector<1000x256xf32>
    %dot_general3A_14 = tpu.matmul %get3A_10, %get3A_13, %dot_general3A {dimension_numbers = #tpu.dot_dimension_numbers<[1], [0], [0], [1], [0, 0, 1, 1], [], []>, transpose_lhs_hint = false} : vector<1000x128xf32>, vector<128x256xf32>, vector<1000x256xf32> -> vector<1000x256xf32>
    %mul3A = vector.broadcast %rsqrt3A : vector<1000x1xf32> to vector<1000x256xf32>
    %mul3A_15 = arith.mulf %dot_general3A_14, %mul3A : vector<1000x256xf32>
    %slice3A_16 = vector.extract_strided_slice %mul3A_15 {offsets = [0, 0], sizes = [1000, 128], strides = [1, 1]} : vector<1000x256xf32> to vector<1000x128xf32>
    %swap3A = arith.constant 0 : index
    %swap3A_17 = arith.constant 0 : index
    %swap3A_18 = arith.constant 0 : index
    %swap3A_19 = vector.load %arg4[%swap3A, %swap3A_17, %swap3A_18] : memref<2x1000x128xf32, #tpu.memory_space<vmem>>, vector<1x1000x128xf32>
    %swap3A_20 = vector.shape_cast %swap3A_19 : vector<1x1000x128xf32> to vector<1000x128xf32>
    %swap3A_21 = vector.shape_cast %slice3A_16 : vector<1000x128xf32> to vector<1x1000x128xf32>
    tpu.vector_store %arg4[%swap3A, %swap3A_17, %swap3A_18], %swap3A_21 {strides = array<i32>} : memref<2x1000x128xf32, #tpu.memory_space<vmem>>, vector<1x1000x128xf32>,
    %slice3A_22 = vector.extract_strided_slice %mul3A_15 {offsets = [0, 128], sizes = [1000, 128], strides = [1, 1]} : vector<1000x256xf32> to vector<1000x128xf32>
    %swap3A_23 = arith.constant 1 : index
    %swap3A_24 = arith.constant 0 : index
    %swap3A_25 = arith.constant 0 : index
    %swap3A_26 = vector.load %arg4[%swap3A_23, %swap3A_24, %swap3A_25] : memref<2x1000x128xf32, #tpu.memory_space<vmem>>, vector<1x1000x128xf32>
    %swap3A_27 = vector.shape_cast %swap3A_26 : vector<1x1000x128xf32> to vector<1000x128xf32>
    %swap3A_28 = vector.shape_cast %slice3A_22 : vector<1000x128xf32> to vector<1x1000x128xf32>
    tpu.vector_store %arg4[%swap3A_23, %swap3A_24, %swap3A_25], %swap3A_28 {strides = array<i32>} : memref<2x1000x128xf32, #tpu.memory_space<vmem>>, vector<1x1000x128xf32>,
    return
  }
  func.func @transform_0(%arg0: i32) -> (i32, i32) {
    %c0_i32 = arith.constant 0 : i32
    %c0_i32_0 = arith.constant 0 : i32
    return %arg0, %c0_i32 : i32, i32
  }
  func.func @transform_1(%arg0: i32) -> (i32, i32) {
    %c0_i32 = arith.constant 0 : i32
    %c0_i32_0 = arith.constant 0 : i32
    %c0_i32_1 = arith.constant 0 : i32
    return %c0_i32, %c0_i32_0 : i32, i32
  }
  func.func @transform_2(%arg0: i32) -> (i32, i32, i32) {
    %c0_i32 = arith.constant 0 : i32
    %c0_i32_0 = arith.constant 0 : i32
    %c0_i32_1 = arith.constant 0 : i32
    return %c0_i32, %arg0, %c0_i32_0 : i32, i32, i32
  }
  func.func @transform_3(%arg0: i32) -> (i32, i32, i32) {
    %c0_i32 = arith.constant 0 : i32
    %c0_i32_0 = arith.constant 0 : i32
    %c0_i32_1 = arith.constant 0 : i32
    return %c0_i32, %arg0, %c0_i32_0 : i32, i32, i32
  }
}

module attributes {stable_mosaic.version = 14 : i64} {
  func.func @_stats_body(%arg0: i32, %arg1: memref<2x1000x128xf32, #tpu.memory_space<vmem>>, %arg2: memref<2x1000x128xf32, #tpu.memory_space<vmem>>, %arg3: memref<2x1000x128xf32, #tpu.memory_space<vmem>>, %arg4: memref<2x128xf32, #tpu.memory_space<vmem>>, %arg5: memref<2x128xf32, #tpu.memory_space<vmem>>) attributes {dimension_semantics = [#tpu.dimension_semantics<arbitrary>], iteration_bounds = array<i64: 10>, scalar_prefetch = 0 : i64, scratch_operands = 0 : i64, tpu.core_type = #tpu.core_type<tc>, window_params = [{transform_indices = @transform_0, window_bounds = array<i64: 2, 1000, 128>}, {transform_indices = @transform_1, window_bounds = array<i64: 2, 1000, 128>}, {transform_indices = @transform_2, window_bounds = array<i64: 2, 1000, 128>}, {pipeline_mode = #tpu.pipeline_mode<synchronous>, transform_indices = @transform_3, window_bounds = array<i64: 2, 128>}, {pipeline_mode = #tpu.pipeline_mode<synchronous>, transform_indices = @transform_4, window_bounds = array<i64: 2, 128>}]} {
    %get3A = arith.constant 0 : index
    %get3A_0 = arith.constant 0 : index
    %get3A_1 = arith.constant 0 : index
    %get3A_2 = vector.load %arg3[%get3A, %get3A_0, %get3A_1] : memref<2x1000x128xf32, #tpu.memory_space<vmem>>, vector<2x1000x128xf32>
    %slice3A = vector.extract_strided_slice %get3A_2 {offsets = [0, 0, 0], sizes = [1, 1000, 1], strides = [1, 1, 1]} : vector<2x1000x128xf32> to vector<1x1000x1xf32>
    %squeeze3A = vector.shape_cast %slice3A : vector<1x1000x1xf32> to vector<1000x1xf32>
    %slice3A_3 = vector.extract_strided_slice %get3A_2 {offsets = [1, 0, 0], sizes = [1, 1000, 1], strides = [1, 1, 1]} : vector<2x1000x128xf32> to vector<1x1000x1xf32>
    %squeeze3A_4 = vector.shape_cast %slice3A_3 : vector<1x1000x1xf32> to vector<1000x1xf32>
    %add3A = arith.addf %squeeze3A, %squeeze3A_4 : vector<1000x1xf32>
    %add3A_5 = arith.constant 1.000000e+00 : f32
    %add3A_6 = vector.broadcast %add3A_5 : f32 to vector<1000x1xf32>
    %add3A_7 = arith.addf %add3A, %add3A_6 : vector<1000x1xf32>
    %rsqrt3A = math.rsqrt %add3A_7 : vector<1000x1xf32>
    %get3A_8 = arith.constant 0 : index
    %get3A_9 = arith.constant 0 : index
    %get3A_10 = arith.constant 0 : index
    %get3A_11 = vector.load %arg1[%get3A_8, %get3A_9, %get3A_10] : memref<2x1000x128xf32, #tpu.memory_space<vmem>>, vector<1x1000x128xf32>
    %get3A_12 = vector.shape_cast %get3A_11 : vector<1x1000x128xf32> to vector<1000x128xf32>
    %get3A_13 = arith.constant 0 : index
    %get3A_14 = arith.constant 0 : index
    %get3A_15 = arith.constant 0 : index
    %get3A_16 = vector.load %arg2[%get3A_13, %get3A_14, %get3A_15] : memref<2x1000x128xf32, #tpu.memory_space<vmem>>, vector<1x1000x128xf32>
    %get3A_17 = vector.shape_cast %get3A_16 : vector<1x1000x128xf32> to vector<1000x128xf32>
    %add3A_18 = arith.addf %get3A_12, %get3A_17 : vector<1000x128xf32>
    %mul3A = vector.broadcast %rsqrt3A : vector<1000x1xf32> to vector<1000x128xf32>
    %mul3A_19 = arith.mulf %mul3A, %add3A_18 : vector<1000x128xf32>
    %get3A_20 = arith.constant 1 : index
    %get3A_21 = arith.constant 0 : index
    %get3A_22 = arith.constant 0 : index
    %get3A_23 = vector.load %arg1[%get3A_20, %get3A_21, %get3A_22] : memref<2x1000x128xf32, #tpu.memory_space<vmem>>, vector<1x1000x128xf32>
    %get3A_24 = vector.shape_cast %get3A_23 : vector<1x1000x128xf32> to vector<1000x128xf32>
    %get3A_25 = arith.constant 1 : index
    %get3A_26 = arith.constant 0 : index
    %get3A_27 = arith.constant 0 : index
    %get3A_28 = vector.load %arg2[%get3A_25, %get3A_26, %get3A_27] : memref<2x1000x128xf32, #tpu.memory_space<vmem>>, vector<1x1000x128xf32>
    %get3A_29 = vector.shape_cast %get3A_28 : vector<1x1000x128xf32> to vector<1000x128xf32>
    %add3A_30 = arith.addf %get3A_24, %get3A_29 : vector<1000x128xf32>
    %mul3A_31 = vector.broadcast %rsqrt3A : vector<1000x1xf32> to vector<1000x128xf32>
    %mul3A_32 = arith.mulf %mul3A_31, %add3A_30 : vector<1000x128xf32>
    %reduce_sum3A = arith.constant dense<0.000000e+00> : vector<128xf32>
    %reduce_sum3A_33 = vector.multi_reduction <add>, %mul3A_19, %reduce_sum3A [0] : vector<1000x128xf32> to vector<128xf32>
    %broadcast_in_dim3A = vector.shape_cast %reduce_sum3A_33 : vector<128xf32> to vector<1x128xf32>
    %reduce_sum3A_34 = arith.constant dense<0.000000e+00> : vector<128xf32>
    %reduce_sum3A_35 = vector.multi_reduction <add>, %mul3A_32, %reduce_sum3A_34 [0] : vector<1000x128xf32> to vector<128xf32>
    %broadcast_in_dim3A_36 = vector.shape_cast %reduce_sum3A_35 : vector<128xf32> to vector<1x128xf32>
    %concatenate3A = tpu.concatenate %broadcast_in_dim3A, %broadcast_in_dim3A_36 in 0 : vector<1x128xf32>, vector<1x128xf32> -> vector<2x128xf32>
    %mul3A_37 = arith.mulf %mul3A_19, %mul3A_19 : vector<1000x128xf32>
    %reduce_sum3A_38 = arith.constant dense<0.000000e+00> : vector<128xf32>
    %reduce_sum3A_39 = vector.multi_reduction <add>, %mul3A_37, %reduce_sum3A_38 [0] : vector<1000x128xf32> to vector<128xf32>
    %broadcast_in_dim3A_40 = vector.shape_cast %reduce_sum3A_39 : vector<128xf32> to vector<1x128xf32>
    %mul3A_41 = arith.mulf %mul3A_32, %mul3A_32 : vector<1000x128xf32>
    %reduce_sum3A_42 = arith.constant dense<0.000000e+00> : vector<128xf32>
    %reduce_sum3A_43 = vector.multi_reduction <add>, %mul3A_41, %reduce_sum3A_42 [0] : vector<1000x128xf32> to vector<128xf32>
    %broadcast_in_dim3A_44 = vector.shape_cast %reduce_sum3A_43 : vector<128xf32> to vector<1x128xf32>
    %concatenate3A_45 = tpu.concatenate %broadcast_in_dim3A_40, %broadcast_in_dim3A_44 in 0 : vector<1x128xf32>, vector<1x128xf32> -> vector<2x128xf32>
    %eq3A = arith.constant 0 : i32
    %eq3A_46 = arith.cmpi eq, %arg0, %eq3A : i32
    %convert_element_type3A = arith.extui %eq3A_46 : i1 to i32
    %cond3A = arith.constant 0 : i32
    %cond3A_47 = arith.cmpi ne, %convert_element_type3A, %cond3A : i32
    scf.if %cond3A_47 {
      %swap3A = arith.constant 0 : index
      %swap3A_52 = arith.constant 0 : index
      %swap3A_53 = vector.load %arg4[%swap3A, %swap3A_52] : memref<2x128xf32, #tpu.memory_space<vmem>>, vector<2x128xf32>
      tpu.vector_store %arg4[%swap3A, %swap3A_52], %concatenate3A {strides = array<i32>} : memref<2x128xf32, #tpu.memory_space<vmem>>, vector<2x128xf32>,
      %swap3A_54 = arith.constant 0 : index
      %swap3A_55 = arith.constant 0 : index
      %swap3A_56 = vector.load %arg5[%swap3A_54, %swap3A_55] : memref<2x128xf32, #tpu.memory_space<vmem>>, vector<2x128xf32>
      tpu.vector_store %arg5[%swap3A_54, %swap3A_55], %concatenate3A_45 {strides = array<i32>} : memref<2x128xf32, #tpu.memory_space<vmem>>, vector<2x128xf32>,
    } else {
    }
    %ne3A = arith.constant 0 : i32
    %ne3A_48 = arith.cmpi ne, %arg0, %ne3A : i32
    %convert_element_type3A_49 = arith.extui %ne3A_48 : i1 to i32
    %cond3A_50 = arith.constant 0 : i32
    %cond3A_51 = arith.cmpi ne, %convert_element_type3A_49, %cond3A_50 : i32
    scf.if %cond3A_51 {
      %get3A_52 = arith.constant 0 : index
      %get3A_53 = arith.constant 0 : index
      %get3A_54 = vector.load %arg4[%get3A_52, %get3A_53] : memref<2x128xf32, #tpu.memory_space<vmem>>, vector<2x128xf32>
      %add3A_55 = arith.addf %get3A_54, %concatenate3A : vector<2x128xf32>
      %swap3A = arith.constant 0 : index
      %swap3A_56 = arith.constant 0 : index
      %swap3A_57 = vector.load %arg4[%swap3A, %swap3A_56] : memref<2x128xf32, #tpu.memory_space<vmem>>, vector<2x128xf32>
      tpu.vector_store %arg4[%swap3A, %swap3A_56], %add3A_55 {strides = array<i32>} : memref<2x128xf32, #tpu.memory_space<vmem>>, vector<2x128xf32>,
      %get3A_58 = arith.constant 0 : index
      %get3A_59 = arith.constant 0 : index
      %get3A_60 = vector.load %arg5[%get3A_58, %get3A_59] : memref<2x128xf32, #tpu.memory_space<vmem>>, vector<2x128xf32>
      %add3A_61 = arith.addf %get3A_60, %concatenate3A_45 : vector<2x128xf32>
      %swap3A_62 = arith.constant 0 : index
      %swap3A_63 = arith.constant 0 : index
      %swap3A_64 = vector.load %arg5[%swap3A_62, %swap3A_63] : memref<2x128xf32, #tpu.memory_space<vmem>>, vector<2x128xf32>
      tpu.vector_store %arg5[%swap3A_62, %swap3A_63], %add3A_61 {strides = array<i32>} : memref<2x128xf32, #tpu.memory_space<vmem>>, vector<2x128xf32>,
    } else {
    }
    return
  }
  func.func @transform_0(%arg0: i32) -> (i32, i32, i32) {
    %c0_i32 = arith.constant 0 : i32
    %c0_i32_0 = arith.constant 0 : i32
    %c0_i32_1 = arith.constant 0 : i32
    return %c0_i32, %arg0, %c0_i32_0 : i32, i32, i32
  }
  func.func @transform_1(%arg0: i32) -> (i32, i32, i32) {
    %c0_i32 = arith.constant 0 : i32
    %c0_i32_0 = arith.constant 0 : i32
    %c0_i32_1 = arith.constant 0 : i32
    return %c0_i32, %arg0, %c0_i32_0 : i32, i32, i32
  }
  func.func @transform_2(%arg0: i32) -> (i32, i32, i32) {
    %c0_i32 = arith.constant 0 : i32
    %c0_i32_0 = arith.constant 0 : i32
    %c0_i32_1 = arith.constant 0 : i32
    return %c0_i32, %arg0, %c0_i32_0 : i32, i32, i32
  }
  func.func @transform_3(%arg0: i32) -> (i32, i32) {
    %c0_i32 = arith.constant 0 : i32
    %c0_i32_0 = arith.constant 0 : i32
    %c0_i32_1 = arith.constant 0 : i32
    return %c0_i32, %c0_i32_0 : i32, i32
  }
  func.func @transform_4(%arg0: i32) -> (i32, i32) {
    %c0_i32 = arith.constant 0 : i32
    %c0_i32_0 = arith.constant 0 : i32
    %c0_i32_1 = arith.constant 0 : i32
    return %c0_i32, %c0_i32_0 : i32, i32
  }
}

module attributes {stable_mosaic.version = 14 : i64} {
  func.func @_tc_b_body(%arg0: i32, %arg1: memref<2x1000x128xf32, #tpu.memory_space<vmem>>, %arg2: memref<2x1000x128xf32, #tpu.memory_space<vmem>>, %arg3: memref<2x1000x128xf32, #tpu.memory_space<vmem>>, %arg4: memref<2x128xf32, #tpu.memory_space<vmem>>, %arg5: memref<2x128xf32, #tpu.memory_space<vmem>>, %arg6: memref<1x256xf32, #tpu.memory_space<vmem>>, %arg7: memref<1x256xf32, #tpu.memory_space<vmem>>, %arg8: memref<256x256xf32, #tpu.memory_space<vmem>>, %arg9: memref<2x1000x128xf32, #tpu.memory_space<vmem>>) attributes {dimension_semantics = [#tpu.dimension_semantics<arbitrary>], iteration_bounds = array<i64: 10>, scalar_prefetch = 0 : i64, scratch_operands = 0 : i64, tpu.core_type = #tpu.core_type<tc>, window_params = [{transform_indices = @transform_0, window_bounds = array<i64: 2, 1000, 128>}, {transform_indices = @transform_1, window_bounds = array<i64: 2, 1000, 128>}, {transform_indices = @transform_2, window_bounds = array<i64: 2, 1000, 128>}, {pipeline_mode = #tpu.pipeline_mode<synchronous>, transform_indices = @transform_3, window_bounds = array<i64: 2, 128>}, {pipeline_mode = #tpu.pipeline_mode<synchronous>, transform_indices = @transform_4, window_bounds = array<i64: 2, 128>}, {pipeline_mode = #tpu.pipeline_mode<synchronous>, transform_indices = @transform_5, window_bounds = array<i64: 1, 256>}, {pipeline_mode = #tpu.pipeline_mode<synchronous>, transform_indices = @transform_6, window_bounds = array<i64: 1, 256>}, {pipeline_mode = #tpu.pipeline_mode<synchronous>, transform_indices = @transform_7, window_bounds = array<i64: 256, 256>}, {transform_indices = @transform_8, window_bounds = array<i64: 2, 1000, 128>}]} {
    %get3A = arith.constant 0 : index
    %get3A_0 = arith.constant 0 : index
    %get3A_1 = arith.constant 0 : index
    %get3A_2 = vector.load %arg3[%get3A, %get3A_0, %get3A_1] : memref<2x1000x128xf32, #tpu.memory_space<vmem>>, vector<2x1000x128xf32>
    %slice3A = vector.extract_strided_slice %get3A_2 {offsets = [0, 0, 0], sizes = [1, 1000, 1], strides = [1, 1, 1]} : vector<2x1000x128xf32> to vector<1x1000x1xf32>
    %squeeze3A = vector.shape_cast %slice3A : vector<1x1000x1xf32> to vector<1000x1xf32>
    %slice3A_3 = vector.extract_strided_slice %get3A_2 {offsets = [1, 0, 0], sizes = [1, 1000, 1], strides = [1, 1, 1]} : vector<2x1000x128xf32> to vector<1x1000x1xf32>
    %squeeze3A_4 = vector.shape_cast %slice3A_3 : vector<1x1000x1xf32> to vector<1000x1xf32>
    %add3A = arith.addf %squeeze3A, %squeeze3A_4 : vector<1000x1xf32>
    %add3A_5 = arith.constant 1.000000e+00 : f32
    %add3A_6 = vector.broadcast %add3A_5 : f32 to vector<1000x1xf32>
    %add3A_7 = arith.addf %add3A, %add3A_6 : vector<1000x1xf32>
    %rsqrt3A = math.rsqrt %add3A_7 : vector<1000x1xf32>
    %get3A_8 = arith.constant 0 : index
    %get3A_9 = arith.constant 0 : index
    %get3A_10 = arith.constant 0 : index
    %get3A_11 = vector.load %arg1[%get3A_8, %get3A_9, %get3A_10] : memref<2x1000x128xf32, #tpu.memory_space<vmem>>, vector<1x1000x128xf32>
    %get3A_12 = vector.shape_cast %get3A_11 : vector<1x1000x128xf32> to vector<1000x128xf32>
    %get3A_13 = arith.constant 0 : index
    %get3A_14 = arith.constant 0 : index
    %get3A_15 = arith.constant 0 : index
    %get3A_16 = vector.load %arg2[%get3A_13, %get3A_14, %get3A_15] : memref<2x1000x128xf32, #tpu.memory_space<vmem>>, vector<1x1000x128xf32>
    %get3A_17 = vector.shape_cast %get3A_16 : vector<1x1000x128xf32> to vector<1000x128xf32>
    %add3A_18 = arith.addf %get3A_12, %get3A_17 : vector<1000x128xf32>
    %mul3A = vector.broadcast %rsqrt3A : vector<1000x1xf32> to vector<1000x128xf32>
    %mul3A_19 = arith.mulf %mul3A, %add3A_18 : vector<1000x128xf32>
    %get3A_20 = arith.constant 0 : index
    %get3A_21 = arith.constant 0 : index
    %get3A_22 = vector.load %arg4[%get3A_20, %get3A_21] : memref<2x128xf32, #tpu.memory_space<vmem>>, vector<1x128xf32>
    %mul3A_23 = arith.constant 9.99999974E-5 : f32
    %mul3A_24 = vector.broadcast %mul3A_23 : f32 to vector<1x128xf32>
    %mul3A_25 = arith.mulf %get3A_22, %mul3A_24 : vector<1x128xf32>
    %get3A_26 = arith.constant 0 : index
    %get3A_27 = arith.constant 0 : index
    %get3A_28 = vector.load %arg5[%get3A_26, %get3A_27] : memref<2x128xf32, #tpu.memory_space<vmem>>, vector<1x128xf32>
    %mul3A_29 = arith.constant 9.99999974E-5 : f32
    %mul3A_30 = vector.broadcast %mul3A_29 : f32 to vector<1x128xf32>
    %mul3A_31 = arith.mulf %get3A_28, %mul3A_30 : vector<1x128xf32>
    %mul3A_32 = arith.mulf %mul3A_25, %mul3A_25 : vector<1x128xf32>
    %sub3A = arith.subf %mul3A_31, %mul3A_32 : vector<1x128xf32>
    %sub3A_33 = vector.broadcast %mul3A_25 : vector<1x128xf32> to vector<1000x128xf32>
    %sub3A_34 = arith.subf %mul3A_19, %sub3A_33 : vector<1000x128xf32>
    %add3A_35 = arith.constant 9.99999974E-6 : f32
    %add3A_36 = vector.broadcast %add3A_35 : f32 to vector<1x128xf32>
    %add3A_37 = arith.addf %sub3A, %add3A_36 : vector<1x128xf32>
    %rsqrt3A_38 = math.rsqrt %add3A_37 : vector<1x128xf32>
    %mul3A_39 = vector.broadcast %rsqrt3A_38 : vector<1x128xf32> to vector<1000x128xf32>
    %mul3A_40 = arith.mulf %sub3A_34, %mul3A_39 : vector<1000x128xf32>
    %get3A_41 = arith.constant 0 : index
    %get3A_42 = arith.constant 0 : index
    %get3A_43 = vector.load %arg6[%get3A_41, %get3A_42] : memref<1x256xf32, #tpu.memory_space<vmem>>, vector<1x128xf32>
    %get3A_44 = vector.shape_cast %get3A_43 : vector<1x128xf32> to vector<128xf32>
    %broadcast_in_dim3A = vector.shape_cast %get3A_44 : vector<128xf32> to vector<1x128xf32>
    %mul3A_45 = vector.broadcast %broadcast_in_dim3A : vector<1x128xf32> to vector<1000x128xf32>
    %mul3A_46 = arith.mulf %mul3A_40, %mul3A_45 : vector<1000x128xf32>
    %get3A_47 = arith.constant 0 : index
    %get3A_48 = arith.constant 0 : index
    %get3A_49 = vector.load %arg7[%get3A_47, %get3A_48] : memref<1x256xf32, #tpu.memory_space<vmem>>, vector<1x128xf32>
    %get3A_50 = vector.shape_cast %get3A_49 : vector<1x128xf32> to vector<128xf32>
    %broadcast_in_dim3A_51 = vector.shape_cast %get3A_50 : vector<128xf32> to vector<1x128xf32>
    %add3A_52 = vector.broadcast %broadcast_in_dim3A_51 : vector<1x128xf32> to vector<1000x128xf32>
    %add3A_53 = arith.addf %mul3A_46, %add3A_52 : vector<1000x128xf32>
    %max3A = arith.constant 0.000000e+00 : f32
    %max3A_54 = vector.broadcast %max3A : f32 to vector<1000x128xf32>
    %max3A_55 = arith.maximumf %add3A_53, %max3A_54 : vector<1000x128xf32>
    %get3A_56 = arith.constant 1 : index
    %get3A_57 = arith.constant 0 : index
    %get3A_58 = arith.constant 0 : index
    %get3A_59 = vector.load %arg1[%get3A_56, %get3A_57, %get3A_58] : memref<2x1000x128xf32, #tpu.memory_space<vmem>>, vector<1x1000x128xf32>
    %get3A_60 = vector.shape_cast %get3A_59 : vector<1x1000x128xf32> to vector<1000x128xf32>
    %get3A_61 = arith.constant 1 : index
    %get3A_62 = arith.constant 0 : index
    %get3A_63 = arith.constant 0 : index
    %get3A_64 = vector.load %arg2[%get3A_61, %get3A_62, %get3A_63] : memref<2x1000x128xf32, #tpu.memory_space<vmem>>, vector<1x1000x128xf32>
    %get3A_65 = vector.shape_cast %get3A_64 : vector<1x1000x128xf32> to vector<1000x128xf32>
    %add3A_66 = arith.addf %get3A_60, %get3A_65 : vector<1000x128xf32>
    %mul3A_67 = vector.broadcast %rsqrt3A : vector<1000x1xf32> to vector<1000x128xf32>
    %mul3A_68 = arith.mulf %mul3A_67, %add3A_66 : vector<1000x128xf32>
    %get3A_69 = arith.constant 1 : index
    %get3A_70 = arith.constant 0 : index
    %get3A_71 = vector.load %arg4[%get3A_69, %get3A_70] : memref<2x128xf32, #tpu.memory_space<vmem>>, vector<1x128xf32>
    %mul3A_72 = arith.constant 9.99999974E-5 : f32
    %mul3A_73 = vector.broadcast %mul3A_72 : f32 to vector<1x128xf32>
    %mul3A_74 = arith.mulf %get3A_71, %mul3A_73 : vector<1x128xf32>
    %get3A_75 = arith.constant 1 : index
    %get3A_76 = arith.constant 0 : index
    %get3A_77 = vector.load %arg5[%get3A_75, %get3A_76] : memref<2x128xf32, #tpu.memory_space<vmem>>, vector<1x128xf32>
    %mul3A_78 = arith.constant 9.99999974E-5 : f32
    %mul3A_79 = vector.broadcast %mul3A_78 : f32 to vector<1x128xf32>
    %mul3A_80 = arith.mulf %get3A_77, %mul3A_79 : vector<1x128xf32>
    %mul3A_81 = arith.mulf %mul3A_74, %mul3A_74 : vector<1x128xf32>
    %sub3A_82 = arith.subf %mul3A_80, %mul3A_81 : vector<1x128xf32>
    %sub3A_83 = vector.broadcast %mul3A_74 : vector<1x128xf32> to vector<1000x128xf32>
    %sub3A_84 = arith.subf %mul3A_68, %sub3A_83 : vector<1000x128xf32>
    %add3A_85 = arith.constant 9.99999974E-6 : f32
    %add3A_86 = vector.broadcast %add3A_85 : f32 to vector<1x128xf32>
    %add3A_87 = arith.addf %sub3A_82, %add3A_86 : vector<1x128xf32>
    %rsqrt3A_88 = math.rsqrt %add3A_87 : vector<1x128xf32>
    %mul3A_89 = vector.broadcast %rsqrt3A_88 : vector<1x128xf32> to vector<1000x128xf32>
    %mul3A_90 = arith.mulf %sub3A_84, %mul3A_89 : vector<1000x128xf32>
    %get3A_91 = arith.constant 0 : index
    %get3A_92 = arith.constant 128 : index
    %get3A_93 = vector.load %arg6[%get3A_91, %get3A_92] : memref<1x256xf32, #tpu.memory_space<vmem>>, vector<1x128xf32>
    %get3A_94 = vector.shape_cast %get3A_93 : vector<1x128xf32> to vector<128xf32>
    %broadcast_in_dim3A_95 = vector.shape_cast %get3A_94 : vector<128xf32> to vector<1x128xf32>
    %mul3A_96 = vector.broadcast %broadcast_in_dim3A_95 : vector<1x128xf32> to vector<1000x128xf32>
    %mul3A_97 = arith.mulf %mul3A_90, %mul3A_96 : vector<1000x128xf32>
    %get3A_98 = arith.constant 0 : index
    %get3A_99 = arith.constant 128 : index
    %get3A_100 = vector.load %arg7[%get3A_98, %get3A_99] : memref<1x256xf32, #tpu.memory_space<vmem>>, vector<1x128xf32>
    %get3A_101 = vector.shape_cast %get3A_100 : vector<1x128xf32> to vector<128xf32>
    %broadcast_in_dim3A_102 = vector.shape_cast %get3A_101 : vector<128xf32> to vector<1x128xf32>
    %add3A_103 = vector.broadcast %broadcast_in_dim3A_102 : vector<1x128xf32> to vector<1000x128xf32>
    %add3A_104 = arith.addf %mul3A_97, %add3A_103 : vector<1000x128xf32>
    %max3A_105 = arith.constant 0.000000e+00 : f32
    %max3A_106 = vector.broadcast %max3A_105 : f32 to vector<1000x128xf32>
    %max3A_107 = arith.maximumf %add3A_104, %max3A_106 : vector<1000x128xf32>
    %get3A_108 = arith.constant 0 : index
    %get3A_109 = arith.constant 0 : index
    %get3A_110 = vector.load %arg8[%get3A_108, %get3A_109] : memref<256x256xf32, #tpu.memory_space<vmem>>, vector<128x256xf32>
    %dot_general3A = arith.constant dense<0.000000e+00> : vector<1000x256xf32>
    %dot_general3A_111 = tpu.matmul %max3A_55, %get3A_110, %dot_general3A {dimension_numbers = #tpu.dot_dimension_numbers<[1], [0], [0], [1], [0, 0, 1, 1], [], []>, transpose_lhs_hint = false} : vector<1000x128xf32>, vector<128x256xf32>, vector<1000x256xf32> -> vector<1000x256xf32>
    %get3A_112 = arith.constant 128 : index
    %get3A_113 = arith.constant 0 : index
    %get3A_114 = vector.load %arg8[%get3A_112, %get3A_113] : memref<256x256xf32, #tpu.memory_space<vmem>>, vector<128x256xf32>
    %dot_general3A_115 = arith.constant dense<0.000000e+00> : vector<1000x256xf32>
    %dot_general3A_116 = tpu.matmul %max3A_107, %get3A_114, %dot_general3A_115 {dimension_numbers = #tpu.dot_dimension_numbers<[1], [0], [0], [1], [0, 0, 1, 1], [], []>, transpose_lhs_hint = false} : vector<1000x128xf32>, vector<128x256xf32>, vector<1000x256xf32> -> vector<1000x256xf32>
    %add3A_117 = arith.addf %dot_general3A_111, %dot_general3A_116 : vector<1000x256xf32>
    %mul3A_118 = vector.broadcast %rsqrt3A : vector<1000x1xf32> to vector<1000x256xf32>
    %mul3A_119 = arith.mulf %add3A_117, %mul3A_118 : vector<1000x256xf32>
    %slice3A_120 = vector.extract_strided_slice %mul3A_119 {offsets = [0, 0], sizes = [1000, 128], strides = [1, 1]} : vector<1000x256xf32> to vector<1000x128xf32>
    %swap3A = arith.constant 0 : index
    %swap3A_121 = arith.constant 0 : index
    %swap3A_122 = arith.constant 0 : index
    %swap3A_123 = vector.load %arg9[%swap3A, %swap3A_121, %swap3A_122] : memref<2x1000x128xf32, #tpu.memory_space<vmem>>, vector<1x1000x128xf32>
    %swap3A_124 = vector.shape_cast %swap3A_123 : vector<1x1000x128xf32> to vector<1000x128xf32>
    %swap3A_125 = vector.shape_cast %slice3A_120 : vector<1000x128xf32> to vector<1x1000x128xf32>
    tpu.vector_store %arg9[%swap3A, %swap3A_121, %swap3A_122], %swap3A_125 {strides = array<i32>} : memref<2x1000x128xf32, #tpu.memory_space<vmem>>, vector<1x1000x128xf32>,
    %slice3A_126 = vector.extract_strided_slice %mul3A_119 {offsets = [0, 128], sizes = [1000, 128], strides = [1, 1]} : vector<1000x256xf32> to vector<1000x128xf32>
    %swap3A_127 = arith.constant 1 : index
    %swap3A_128 = arith.constant 0 : index
    %swap3A_129 = arith.constant 0 : index
    %swap3A_130 = vector.load %arg9[%swap3A_127, %swap3A_128, %swap3A_129] : memref<2x1000x128xf32, #tpu.memory_space<vmem>>, vector<1x1000x128xf32>
    %swap3A_131 = vector.shape_cast %swap3A_130 : vector<1x1000x128xf32> to vector<1000x128xf32>
    %swap3A_132 = vector.shape_cast %slice3A_126 : vector<1000x128xf32> to vector<1x1000x128xf32>
    tpu.vector_store %arg9[%swap3A_127, %swap3A_128, %swap3A_129], %swap3A_132 {strides = array<i32>} : memref<2x1000x128xf32, #tpu.memory_space<vmem>>, vector<1x1000x128xf32>,
    return
  }
  func.func @transform_0(%arg0: i32) -> (i32, i32, i32) {
    %c0_i32 = arith.constant 0 : i32
    %c0_i32_0 = arith.constant 0 : i32
    %c0_i32_1 = arith.constant 0 : i32
    return %c0_i32, %arg0, %c0_i32_0 : i32, i32, i32
  }
  func.func @transform_1(%arg0: i32) -> (i32, i32, i32) {
    %c0_i32 = arith.constant 0 : i32
    %c0_i32_0 = arith.constant 0 : i32
    %c0_i32_1 = arith.constant 0 : i32
    return %c0_i32, %arg0, %c0_i32_0 : i32, i32, i32
  }
  func.func @transform_2(%arg0: i32) -> (i32, i32, i32) {
    %c0_i32 = arith.constant 0 : i32
    %c0_i32_0 = arith.constant 0 : i32
    %c0_i32_1 = arith.constant 0 : i32
    return %c0_i32, %arg0, %c0_i32_0 : i32, i32, i32
  }
  func.func @transform_3(%arg0: i32) -> (i32, i32) {
    %c0_i32 = arith.constant 0 : i32
    %c0_i32_0 = arith.constant 0 : i32
    %c0_i32_1 = arith.constant 0 : i32
    return %c0_i32, %c0_i32_0 : i32, i32
  }
  func.func @transform_4(%arg0: i32) -> (i32, i32) {
    %c0_i32 = arith.constant 0 : i32
    %c0_i32_0 = arith.constant 0 : i32
    %c0_i32_1 = arith.constant 0 : i32
    return %c0_i32, %c0_i32_0 : i32, i32
  }
  func.func @transform_5(%arg0: i32) -> (i32, i32) {
    %c0_i32 = arith.constant 0 : i32
    %c0_i32_0 = arith.constant 0 : i32
    %c0_i32_1 = arith.constant 0 : i32
    return %c0_i32, %c0_i32_0 : i32, i32
  }
  func.func @transform_6(%arg0: i32) -> (i32, i32) {
    %c0_i32 = arith.constant 0 : i32
    %c0_i32_0 = arith.constant 0 : i32
    %c0_i32_1 = arith.constant 0 : i32
    return %c0_i32, %c0_i32_0 : i32, i32
  }
  func.func @transform_7(%arg0: i32) -> (i32, i32) {
    %c0_i32 = arith.constant 0 : i32
    %c0_i32_0 = arith.constant 0 : i32
    %c0_i32_1 = arith.constant 0 : i32
    return %c0_i32, %c0_i32_0 : i32, i32
  }
  func.func @transform_8(%arg0: i32) -> (i32, i32, i32) {
    %c0_i32 = arith.constant 0 : i32
    %c0_i32_0 = arith.constant 0 : i32
    %c0_i32_1 = arith.constant 0 : i32
    return %c0_i32, %arg0, %c0_i32_0 : i32, i32, i32
  }
}

module attributes {stable_mosaic.version = 14 : i64} {
  func.func @_tc_c_body(%arg0: i32, %arg1: memref<2x1000x128xf32, #tpu.memory_space<vmem>>, %arg2: memref<2x1000x128xf32, #tpu.memory_space<vmem>>, %arg3: memref<2x1000x128xf32, #tpu.memory_space<vmem>>, %arg4: memref<2x128xf32, #tpu.memory_space<vmem>>, %arg5: memref<2x128xf32, #tpu.memory_space<vmem>>, %arg6: memref<1x256xf32, #tpu.memory_space<vmem>>, %arg7: memref<1x256xf32, #tpu.memory_space<vmem>>, %arg8: memref<1x1x1000xi32, #tpu.memory_space<vmem>>, %arg9: memref<64x128xf32, #tpu.memory_space<vmem>>, %arg10: memref<64x128xf32, #tpu.memory_space<vmem>>, %arg11: memref<64x1xf32, #tpu.memory_space<vmem>>) attributes {dimension_semantics = [#tpu.dimension_semantics<arbitrary>], iteration_bounds = array<i64: 10>, scalar_prefetch = 0 : i64, scratch_operands = 0 : i64, tpu.core_type = #tpu.core_type<tc>, window_params = [{transform_indices = @transform_0, window_bounds = array<i64: 2, 1000, 128>}, {transform_indices = @transform_1, window_bounds = array<i64: 2, 1000, 128>}, {transform_indices = @transform_2, window_bounds = array<i64: 2, 1000, 128>}, {pipeline_mode = #tpu.pipeline_mode<synchronous>, transform_indices = @transform_3, window_bounds = array<i64: 2, 128>}, {pipeline_mode = #tpu.pipeline_mode<synchronous>, transform_indices = @transform_4, window_bounds = array<i64: 2, 128>}, {pipeline_mode = #tpu.pipeline_mode<synchronous>, transform_indices = @transform_5, window_bounds = array<i64: 1, 256>}, {pipeline_mode = #tpu.pipeline_mode<synchronous>, transform_indices = @transform_6, window_bounds = array<i64: 1, 256>}, {transform_indices = @transform_7, window_bounds = array<i64: 1, 1, 1000>}, {pipeline_mode = #tpu.pipeline_mode<synchronous>, transform_indices = @transform_8, window_bounds = array<i64: 64, 128>}, {pipeline_mode = #tpu.pipeline_mode<synchronous>, transform_indices = @transform_9, window_bounds = array<i64: 64, 128>}, {pipeline_mode = #tpu.pipeline_mode<synchronous>, transform_indices = @transform_10, window_bounds = array<i64: 64, 1>}]} {
    %get3A = arith.constant 0 : index
    %get3A_0 = arith.constant 0 : index
    %get3A_1 = arith.constant 0 : index
    %get3A_2 = vector.load %arg3[%get3A, %get3A_0, %get3A_1] : memref<2x1000x128xf32, #tpu.memory_space<vmem>>, vector<2x1000x128xf32>
    %slice3A = vector.extract_strided_slice %get3A_2 {offsets = [0, 0, 0], sizes = [1, 1000, 1], strides = [1, 1, 1]} : vector<2x1000x128xf32> to vector<1x1000x1xf32>
    %squeeze3A = vector.shape_cast %slice3A : vector<1x1000x1xf32> to vector<1000x1xf32>
    %slice3A_3 = vector.extract_strided_slice %get3A_2 {offsets = [1, 0, 0], sizes = [1, 1000, 1], strides = [1, 1, 1]} : vector<2x1000x128xf32> to vector<1x1000x1xf32>
    %squeeze3A_4 = vector.shape_cast %slice3A_3 : vector<1x1000x1xf32> to vector<1000x1xf32>
    %add3A = arith.addf %squeeze3A, %squeeze3A_4 : vector<1000x1xf32>
    %add3A_5 = arith.constant 1.000000e+00 : f32
    %add3A_6 = vector.broadcast %add3A_5 : f32 to vector<1000x1xf32>
    %add3A_7 = arith.addf %add3A, %add3A_6 : vector<1000x1xf32>
    %rsqrt3A = math.rsqrt %add3A_7 : vector<1000x1xf32>
    %get3A_8 = arith.constant 0 : index
    %get3A_9 = arith.constant 0 : index
    %get3A_10 = arith.constant 0 : index
    %get3A_11 = vector.load %arg1[%get3A_8, %get3A_9, %get3A_10] : memref<2x1000x128xf32, #tpu.memory_space<vmem>>, vector<1x1000x128xf32>
    %get3A_12 = vector.shape_cast %get3A_11 : vector<1x1000x128xf32> to vector<1000x128xf32>
    %get3A_13 = arith.constant 0 : index
    %get3A_14 = arith.constant 0 : index
    %get3A_15 = arith.constant 0 : index
    %get3A_16 = vector.load %arg2[%get3A_13, %get3A_14, %get3A_15] : memref<2x1000x128xf32, #tpu.memory_space<vmem>>, vector<1x1000x128xf32>
    %get3A_17 = vector.shape_cast %get3A_16 : vector<1x1000x128xf32> to vector<1000x128xf32>
    %add3A_18 = arith.addf %get3A_12, %get3A_17 : vector<1000x128xf32>
    %mul3A = vector.broadcast %rsqrt3A : vector<1000x1xf32> to vector<1000x128xf32>
    %mul3A_19 = arith.mulf %mul3A, %add3A_18 : vector<1000x128xf32>
    %get3A_20 = arith.constant 0 : index
    %get3A_21 = arith.constant 0 : index
    %get3A_22 = vector.load %arg4[%get3A_20, %get3A_21] : memref<2x128xf32, #tpu.memory_space<vmem>>, vector<1x128xf32>
    %mul3A_23 = arith.constant 9.99999974E-5 : f32
    %mul3A_24 = vector.broadcast %mul3A_23 : f32 to vector<1x128xf32>
    %mul3A_25 = arith.mulf %get3A_22, %mul3A_24 : vector<1x128xf32>
    %get3A_26 = arith.constant 0 : index
    %get3A_27 = arith.constant 0 : index
    %get3A_28 = vector.load %arg5[%get3A_26, %get3A_27] : memref<2x128xf32, #tpu.memory_space<vmem>>, vector<1x128xf32>
    %mul3A_29 = arith.constant 9.99999974E-5 : f32
    %mul3A_30 = vector.broadcast %mul3A_29 : f32 to vector<1x128xf32>
    %mul3A_31 = arith.mulf %get3A_28, %mul3A_30 : vector<1x128xf32>
    %mul3A_32 = arith.mulf %mul3A_25, %mul3A_25 : vector<1x128xf32>
    %sub3A = arith.subf %mul3A_31, %mul3A_32 : vector<1x128xf32>
    %sub3A_33 = vector.broadcast %mul3A_25 : vector<1x128xf32> to vector<1000x128xf32>
    %sub3A_34 = arith.subf %mul3A_19, %sub3A_33 : vector<1000x128xf32>
    %add3A_35 = arith.constant 9.99999974E-6 : f32
    %add3A_36 = vector.broadcast %add3A_35 : f32 to vector<1x128xf32>
    %add3A_37 = arith.addf %sub3A, %add3A_36 : vector<1x128xf32>
    %rsqrt3A_38 = math.rsqrt %add3A_37 : vector<1x128xf32>
    %mul3A_39 = vector.broadcast %rsqrt3A_38 : vector<1x128xf32> to vector<1000x128xf32>
    %mul3A_40 = arith.mulf %sub3A_34, %mul3A_39 : vector<1000x128xf32>
    %get3A_41 = arith.constant 0 : index
    %get3A_42 = arith.constant 0 : index
    %get3A_43 = vector.load %arg6[%get3A_41, %get3A_42] : memref<1x256xf32, #tpu.memory_space<vmem>>, vector<1x128xf32>
    %get3A_44 = vector.shape_cast %get3A_43 : vector<1x128xf32> to vector<128xf32>
    %broadcast_in_dim3A = vector.shape_cast %get3A_44 : vector<128xf32> to vector<1x128xf32>
    %mul3A_45 = vector.broadcast %broadcast_in_dim3A : vector<1x128xf32> to vector<1000x128xf32>
    %mul3A_46 = arith.mulf %mul3A_40, %mul3A_45 : vector<1000x128xf32>
    %get3A_47 = arith.constant 0 : index
    %get3A_48 = arith.constant 0 : index
    %get3A_49 = vector.load %arg7[%get3A_47, %get3A_48] : memref<1x256xf32, #tpu.memory_space<vmem>>, vector<1x128xf32>
    %get3A_50 = vector.shape_cast %get3A_49 : vector<1x128xf32> to vector<128xf32>
    %broadcast_in_dim3A_51 = vector.shape_cast %get3A_50 : vector<128xf32> to vector<1x128xf32>
    %add3A_52 = vector.broadcast %broadcast_in_dim3A_51 : vector<1x128xf32> to vector<1000x128xf32>
    %add3A_53 = arith.addf %mul3A_46, %add3A_52 : vector<1000x128xf32>
    %max3A = arith.constant 0.000000e+00 : f32
    %max3A_54 = vector.broadcast %max3A : f32 to vector<1000x128xf32>
    %max3A_55 = arith.maximumf %add3A_53, %max3A_54 : vector<1000x128xf32>
    %get3A_56 = arith.constant 1 : index
    %get3A_57 = arith.constant 0 : index
    %get3A_58 = arith.constant 0 : index
    %get3A_59 = vector.load %arg1[%get3A_56, %get3A_57, %get3A_58] : memref<2x1000x128xf32, #tpu.memory_space<vmem>>, vector<1x1000x128xf32>
    %get3A_60 = vector.shape_cast %get3A_59 : vector<1x1000x128xf32> to vector<1000x128xf32>
    %get3A_61 = arith.constant 1 : index
    %get3A_62 = arith.constant 0 : index
    %get3A_63 = arith.constant 0 : index
    %get3A_64 = vector.load %arg2[%get3A_61, %get3A_62, %get3A_63] : memref<2x1000x128xf32, #tpu.memory_space<vmem>>, vector<1x1000x128xf32>
    %get3A_65 = vector.shape_cast %get3A_64 : vector<1x1000x128xf32> to vector<1000x128xf32>
    %add3A_66 = arith.addf %get3A_60, %get3A_65 : vector<1000x128xf32>
    %mul3A_67 = vector.broadcast %rsqrt3A : vector<1000x1xf32> to vector<1000x128xf32>
    %mul3A_68 = arith.mulf %mul3A_67, %add3A_66 : vector<1000x128xf32>
    %get3A_69 = arith.constant 1 : index
    %get3A_70 = arith.constant 0 : index
    %get3A_71 = vector.load %arg4[%get3A_69, %get3A_70] : memref<2x128xf32, #tpu.memory_space<vmem>>, vector<1x128xf32>
    %mul3A_72 = arith.constant 9.99999974E-5 : f32
    %mul3A_73 = vector.broadcast %mul3A_72 : f32 to vector<1x128xf32>
    %mul3A_74 = arith.mulf %get3A_71, %mul3A_73 : vector<1x128xf32>
    %get3A_75 = arith.constant 1 : index
    %get3A_76 = arith.constant 0 : index
    %get3A_77 = vector.load %arg5[%get3A_75, %get3A_76] : memref<2x128xf32, #tpu.memory_space<vmem>>, vector<1x128xf32>
    %mul3A_78 = arith.constant 9.99999974E-5 : f32
    %mul3A_79 = vector.broadcast %mul3A_78 : f32 to vector<1x128xf32>
    %mul3A_80 = arith.mulf %get3A_77, %mul3A_79 : vector<1x128xf32>
    %mul3A_81 = arith.mulf %mul3A_74, %mul3A_74 : vector<1x128xf32>
    %sub3A_82 = arith.subf %mul3A_80, %mul3A_81 : vector<1x128xf32>
    %sub3A_83 = vector.broadcast %mul3A_74 : vector<1x128xf32> to vector<1000x128xf32>
    %sub3A_84 = arith.subf %mul3A_68, %sub3A_83 : vector<1000x128xf32>
    %add3A_85 = arith.constant 9.99999974E-6 : f32
    %add3A_86 = vector.broadcast %add3A_85 : f32 to vector<1x128xf32>
    %add3A_87 = arith.addf %sub3A_82, %add3A_86 : vector<1x128xf32>
    %rsqrt3A_88 = math.rsqrt %add3A_87 : vector<1x128xf32>
    %mul3A_89 = vector.broadcast %rsqrt3A_88 : vector<1x128xf32> to vector<1000x128xf32>
    %mul3A_90 = arith.mulf %sub3A_84, %mul3A_89 : vector<1000x128xf32>
    %get3A_91 = arith.constant 0 : index
    %get3A_92 = arith.constant 128 : index
    %get3A_93 = vector.load %arg6[%get3A_91, %get3A_92] : memref<1x256xf32, #tpu.memory_space<vmem>>, vector<1x128xf32>
    %get3A_94 = vector.shape_cast %get3A_93 : vector<1x128xf32> to vector<128xf32>
    %broadcast_in_dim3A_95 = vector.shape_cast %get3A_94 : vector<128xf32> to vector<1x128xf32>
    %mul3A_96 = vector.broadcast %broadcast_in_dim3A_95 : vector<1x128xf32> to vector<1000x128xf32>
    %mul3A_97 = arith.mulf %mul3A_90, %mul3A_96 : vector<1000x128xf32>
    %get3A_98 = arith.constant 0 : index
    %get3A_99 = arith.constant 128 : index
    %get3A_100 = vector.load %arg7[%get3A_98, %get3A_99] : memref<1x256xf32, #tpu.memory_space<vmem>>, vector<1x128xf32>
    %get3A_101 = vector.shape_cast %get3A_100 : vector<1x128xf32> to vector<128xf32>
    %broadcast_in_dim3A_102 = vector.shape_cast %get3A_101 : vector<128xf32> to vector<1x128xf32>
    %add3A_103 = vector.broadcast %broadcast_in_dim3A_102 : vector<1x128xf32> to vector<1000x128xf32>
    %add3A_104 = arith.addf %mul3A_97, %add3A_103 : vector<1000x128xf32>
    %max3A_105 = arith.constant 0.000000e+00 : f32
    %max3A_106 = vector.broadcast %max3A_105 : f32 to vector<1000x128xf32>
    %max3A_107 = arith.maximumf %add3A_104, %max3A_106 : vector<1000x128xf32>
    %iota3A = tpu.iota {dimensions = array<i32: 0>} : vector<64x1000xi32>
    %get3A_108 = arith.constant 0 : index
    %get3A_109 = arith.constant 0 : index
    %get3A_110 = arith.constant 0 : index
    %get3A_111 = vector.load %arg8[%get3A_108, %get3A_109, %get3A_110] : memref<1x1x1000xi32, #tpu.memory_space<vmem>>, vector<1x1x1000xi32>
    %get3A_112 = vector.shape_cast %get3A_111 : vector<1x1x1000xi32> to vector<1x1000xi32>
    %eq3A = vector.broadcast %get3A_112 : vector<1x1000xi32> to vector<64x1000xi32>
    %eq3A_113 = arith.cmpi eq, %iota3A, %eq3A : vector<64x1000xi32>
    %jit3A = arith.constant 1.000000e+00 : f32
    %jit3A_114 = arith.constant 0.000000e+00 : f32
    %broadcast_in_dim3A_115 = vector.broadcast %jit3A : f32 to vector<64x1000xf32>
    %broadcast_in_dim3A_116 = vector.broadcast %jit3A_114 : f32 to vector<64x1000xf32>
    %select_n3A = arith.select %eq3A_113, %broadcast_in_dim3A_115, %broadcast_in_dim3A_116 : vector<64x1000xi1>, vector<64x1000xf32>
    %dot_general3A = arith.constant dense<0.000000e+00> : vector<64x128xf32>
    %dot_general3A_117 = tpu.matmul %select_n3A, %max3A_55, %dot_general3A {dimension_numbers = #tpu.dot_dimension_numbers<[1], [0], [0], [1], [0, 0, 1, 1], [], []>, transpose_lhs_hint = false} : vector<64x1000xf32>, vector<1000x128xf32>, vector<64x128xf32> -> vector<64x128xf32>
    %dot_general3A_118 = arith.constant dense<0.000000e+00> : vector<64x128xf32>
    %dot_general3A_119 = tpu.matmul %select_n3A, %max3A_107, %dot_general3A_118 {dimension_numbers = #tpu.dot_dimension_numbers<[1], [0], [0], [1], [0, 0, 1, 1], [], []>, transpose_lhs_hint = false} : vector<64x1000xf32>, vector<1000x128xf32>, vector<64x128xf32> -> vector<64x128xf32>
    %reduce_sum3A = arith.constant dense<0.000000e+00> : vector<64xf32>
    %reduce_sum3A_120 = vector.multi_reduction <add>, %select_n3A, %reduce_sum3A [1] : vector<64x1000xf32> to vector<64xf32>
    %broadcast_in_dim3A_121 = vector.shape_cast %reduce_sum3A_120 : vector<64xf32> to vector<64x1xf32>
    %eq3A_122 = arith.constant 0 : i32
    %eq3A_123 = arith.cmpi eq, %arg0, %eq3A_122 : i32
    %convert_element_type3A = arith.extui %eq3A_123 : i1 to i32
    %cond3A = arith.constant 0 : i32
    %cond3A_124 = arith.cmpi ne, %convert_element_type3A, %cond3A : i32
    scf.if %cond3A_124 {
      %swap3A = arith.constant 0 : index
      %swap3A_129 = arith.constant 0 : index
      %swap3A_130 = vector.load %arg9[%swap3A, %swap3A_129] : memref<64x128xf32, #tpu.memory_space<vmem>>, vector<64x128xf32>
      tpu.vector_store %arg9[%swap3A, %swap3A_129], %dot_general3A_117 {strides = array<i32>} : memref<64x128xf32, #tpu.memory_space<vmem>>, vector<64x128xf32>,
      %swap3A_131 = arith.constant 0 : index
      %swap3A_132 = arith.constant 0 : index
      %swap3A_133 = vector.load %arg10[%swap3A_131, %swap3A_132] : memref<64x128xf32, #tpu.memory_space<vmem>>, vector<64x128xf32>
      tpu.vector_store %arg10[%swap3A_131, %swap3A_132], %dot_general3A_119 {strides = array<i32>} : memref<64x128xf32, #tpu.memory_space<vmem>>, vector<64x128xf32>,
      %swap3A_134 = arith.constant 0 : index
      %swap3A_135 = arith.constant 0 : index
      %swap3A_136 = vector.load %arg11[%swap3A_134, %swap3A_135] : memref<64x1xf32, #tpu.memory_space<vmem>>, vector<64x1xf32>
      tpu.vector_store %arg11[%swap3A_134, %swap3A_135], %broadcast_in_dim3A_121 {strides = array<i32>} : memref<64x1xf32, #tpu.memory_space<vmem>>, vector<64x1xf32>,
    } else {
    }
    %ne3A = arith.constant 0 : i32
    %ne3A_125 = arith.cmpi ne, %arg0, %ne3A : i32
    %convert_element_type3A_126 = arith.extui %ne3A_125 : i1 to i32
    %cond3A_127 = arith.constant 0 : i32
    %cond3A_128 = arith.cmpi ne, %convert_element_type3A_126, %cond3A_127 : i32
    scf.if %cond3A_128 {
      %get3A_129 = arith.constant 0 : index
      %get3A_130 = arith.constant 0 : index
      %get3A_131 = vector.load %arg9[%get3A_129, %get3A_130] : memref<64x128xf32, #tpu.memory_space<vmem>>, vector<64x128xf32>
      %add3A_132 = arith.addf %get3A_131, %dot_general3A_117 : vector<64x128xf32>
      %swap3A = arith.constant 0 : index
      %swap3A_133 = arith.constant 0 : index
      %swap3A_134 = vector.load %arg9[%swap3A, %swap3A_133] : memref<64x128xf32, #tpu.memory_space<vmem>>, vector<64x128xf32>
      tpu.vector_store %arg9[%swap3A, %swap3A_133], %add3A_132 {strides = array<i32>} : memref<64x128xf32, #tpu.memory_space<vmem>>, vector<64x128xf32>,
      %get3A_135 = arith.constant 0 : index
      %get3A_136 = arith.constant 0 : index
      %get3A_137 = vector.load %arg10[%get3A_135, %get3A_136] : memref<64x128xf32, #tpu.memory_space<vmem>>, vector<64x128xf32>
      %add3A_138 = arith.addf %get3A_137, %dot_general3A_119 : vector<64x128xf32>
      %swap3A_139 = arith.constant 0 : index
      %swap3A_140 = arith.constant 0 : index
      %swap3A_141 = vector.load %arg10[%swap3A_139, %swap3A_140] : memref<64x128xf32, #tpu.memory_space<vmem>>, vector<64x128xf32>
      tpu.vector_store %arg10[%swap3A_139, %swap3A_140], %add3A_138 {strides = array<i32>} : memref<64x128xf32, #tpu.memory_space<vmem>>, vector<64x128xf32>,
      %get3A_142 = arith.constant 0 : index
      %get3A_143 = arith.constant 0 : index
      %get3A_144 = vector.load %arg11[%get3A_142, %get3A_143] : memref<64x1xf32, #tpu.memory_space<vmem>>, vector<64x1xf32>
      %add3A_145 = arith.addf %get3A_144, %broadcast_in_dim3A_121 : vector<64x1xf32>
      %swap3A_146 = arith.constant 0 : index
      %swap3A_147 = arith.constant 0 : index
      %swap3A_148 = vector.load %arg11[%swap3A_146, %swap3A_147] : memref<64x1xf32, #tpu.memory_space<vmem>>, vector<64x1xf32>
      tpu.vector_store %arg11[%swap3A_146, %swap3A_147], %add3A_145 {strides = array<i32>} : memref<64x1xf32, #tpu.memory_space<vmem>>, vector<64x1xf32>,
    } else {
    }
    return
  }
  func.func @transform_0(%arg0: i32) -> (i32, i32, i32) {
    %c0_i32 = arith.constant 0 : i32
    %c0_i32_0 = arith.constant 0 : i32
    %c0_i32_1 = arith.constant 0 : i32
    return %c0_i32, %arg0, %c0_i32_0 : i32, i32, i32
  }
  func.func @transform_1(%arg0: i32) -> (i32, i32, i32) {
    %c0_i32 = arith.constant 0 : i32
    %c0_i32_0 = arith.constant 0 : i32
    %c0_i32_1 = arith.constant 0 : i32
    return %c0_i32, %arg0, %c0_i32_0 : i32, i32, i32
  }
  func.func @transform_2(%arg0: i32) -> (i32, i32, i32) {
    %c0_i32 = arith.constant 0 : i32
    %c0_i32_0 = arith.constant 0 : i32
    %c0_i32_1 = arith.constant 0 : i32
    return %c0_i32, %arg0, %c0_i32_0 : i32, i32, i32
  }
  func.func @transform_3(%arg0: i32) -> (i32, i32) {
    %c0_i32 = arith.constant 0 : i32
    %c0_i32_0 = arith.constant 0 : i32
    %c0_i32_1 = arith.constant 0 : i32
    return %c0_i32, %c0_i32_0 : i32, i32
  }
  func.func @transform_4(%arg0: i32) -> (i32, i32) {
    %c0_i32 = arith.constant 0 : i32
    %c0_i32_0 = arith.constant 0 : i32
    %c0_i32_1 = arith.constant 0 : i32
    return %c0_i32, %c0_i32_0 : i32, i32
  }
  func.func @transform_5(%arg0: i32) -> (i32, i32) {
    %c0_i32 = arith.constant 0 : i32
    %c0_i32_0 = arith.constant 0 : i32
    %c0_i32_1 = arith.constant 0 : i32
    return %c0_i32, %c0_i32_0 : i32, i32
  }
  func.func @transform_6(%arg0: i32) -> (i32, i32) {
    %c0_i32 = arith.constant 0 : i32
    %c0_i32_0 = arith.constant 0 : i32
    %c0_i32_1 = arith.constant 0 : i32
    return %c0_i32, %c0_i32_0 : i32, i32
  }
  func.func @transform_7(%arg0: i32) -> (i32, i32, i32) {
    %c0_i32 = arith.constant 0 : i32
    %c0_i32_0 = arith.constant 0 : i32
    %c0_i32_1 = arith.constant 0 : i32
    return %arg0, %c0_i32, %c0_i32_0 : i32, i32, i32
  }
  func.func @transform_8(%arg0: i32) -> (i32, i32) {
    %c0_i32 = arith.constant 0 : i32
    %c0_i32_0 = arith.constant 0 : i32
    %c0_i32_1 = arith.constant 0 : i32
    return %c0_i32, %c0_i32_0 : i32, i32
  }
  func.func @transform_9(%arg0: i32) -> (i32, i32) {
    %c0_i32 = arith.constant 0 : i32
    %c0_i32_0 = arith.constant 0 : i32
    %c0_i32_1 = arith.constant 0 : i32
    return %c0_i32, %c0_i32_0 : i32, i32
  }
  func.func @transform_10(%arg0: i32) -> (i32, i32) {
    %c0_i32 = arith.constant 0 : i32
    %c0_i32_0 = arith.constant 0 : i32
    %c0_i32_1 = arith.constant 0 : i32
    return %c0_i32, %c0_i32_0 : i32, i32
  }
}

module attributes {stable_mosaic.version = 14 : i64} {
  func.func @_tc_c2_body(%arg0: memref<64x128xf32, #tpu.memory_space<vmem>>, %arg1: memref<64x128xf32, #tpu.memory_space<vmem>>, %arg2: memref<64x1xf32, #tpu.memory_space<vmem>>, %arg3: memref<256x2xf32, #tpu.memory_space<vmem>>, %arg4: memref<1x2xf32, #tpu.memory_space<vmem>>, %arg5: memref<64x2xf32, #tpu.memory_space<vmem>>) attributes {dimension_semantics = [], scalar_prefetch = 0 : i64, scratch_operands = 0 : i64, tpu.core_type = #tpu.core_type<tc>} {
    %get3A = arith.constant 0 : index
    %get3A_0 = arith.constant 0 : index
    %get3A_1 = vector.load %arg2[%get3A, %get3A_0] : memref<64x1xf32, #tpu.memory_space<vmem>>, vector<64x1xf32>
    %max3A = arith.constant 1.000000e+00 : f32
    %max3A_2 = vector.broadcast %max3A : f32 to vector<64x1xf32>
    %max3A_3 = arith.maximumf %get3A_1, %max3A_2 : vector<64x1xf32>
    %get3A_4 = arith.constant 0 : index
    %get3A_5 = arith.constant 0 : index
    %get3A_6 = vector.load %arg0[%get3A_4, %get3A_5] : memref<64x128xf32, #tpu.memory_space<vmem>>, vector<64x128xf32>
    %div3A = vector.broadcast %max3A_3 : vector<64x1xf32> to vector<64x128xf32>
    %div3A_7 = arith.divf %get3A_6, %div3A : vector<64x128xf32>
    %get3A_8 = arith.constant 0 : index
    %get3A_9 = arith.constant 0 : index
    %get3A_10 = vector.load %arg1[%get3A_8, %get3A_9] : memref<64x128xf32, #tpu.memory_space<vmem>>, vector<64x128xf32>
    %div3A_11 = vector.broadcast %max3A_3 : vector<64x1xf32> to vector<64x128xf32>
    %div3A_12 = arith.divf %get3A_10, %div3A_11 : vector<64x128xf32>
    %get3A_13 = arith.constant 0 : index
    %get3A_14 = arith.constant 0 : index
    %get3A_15 = vector.load %arg3[%get3A_13, %get3A_14] : memref<256x2xf32, #tpu.memory_space<vmem>>, vector<128x2xf32>
    %dot_general3A = arith.constant dense<0.000000e+00> : vector<64x2xf32>
    %dot_general3A_16 = tpu.matmul %div3A_7, %get3A_15, %dot_general3A {dimension_numbers = #tpu.dot_dimension_numbers<[1], [0], [0], [1], [0, 0, 1, 1], [], []>, transpose_lhs_hint = false} : vector<64x128xf32>, vector<128x2xf32>, vector<64x2xf32> -> vector<64x2xf32>
    %get3A_17 = arith.constant 128 : index
    %get3A_18 = arith.constant 0 : index
    %get3A_19 = vector.load %arg3[%get3A_17, %get3A_18] : memref<256x2xf32, #tpu.memory_space<vmem>>, vector<128x2xf32>
    %dot_general3A_20 = arith.constant dense<0.000000e+00> : vector<64x2xf32>
    %dot_general3A_21 = tpu.matmul %div3A_12, %get3A_19, %dot_general3A_20 {dimension_numbers = #tpu.dot_dimension_numbers<[1], [0], [0], [1], [0, 0, 1, 1], [], []>, transpose_lhs_hint = false} : vector<64x128xf32>, vector<128x2xf32>, vector<64x2xf32> -> vector<64x2xf32>
    %add3A = arith.addf %dot_general3A_16, %dot_general3A_21 : vector<64x2xf32>
    %get3A_22 = arith.constant 0 : index
    %get3A_23 = arith.constant 0 : index
    %get3A_24 = vector.load %arg4[%get3A_22, %get3A_23] : memref<1x2xf32, #tpu.memory_space<vmem>>, vector<1x2xf32>
    %add3A_25 = vector.broadcast %get3A_24 : vector<1x2xf32> to vector<64x2xf32>
    %add3A_26 = arith.addf %add3A, %add3A_25 : vector<64x2xf32>
    %swap3A = arith.constant 0 : index
    %swap3A_27 = arith.constant 0 : index
    %swap3A_28 = vector.load %arg5[%swap3A, %swap3A_27] : memref<64x2xf32, #tpu.memory_space<vmem>>, vector<64x2xf32>
    tpu.vector_store %arg5[%swap3A, %swap3A_27], %add3A_26 {strides = array<i32>} : memref<64x2xf32, #tpu.memory_space<vmem>>, vector<64x2xf32>,
    return
  }
}

</mosaic_0001>

<sc_bundles>
// kernel: kernel.14.cloned.1.call-start
scs
__scs_entry_jumppad:
0x0: {  	(pc) =	sbr.rel $0x88, $3  }
0x1: {  	(tag) =	ssettag $0x0;
	lr =	simm.s32 $0x1  }
0x2: {  	[smem:$0x3F93] =	sst lr;
	_ =	strace $0xD0000000  }
0x3: {  	_ = 	snop  }
0x4: {  	_ = 	snop  }
0x5: {  	_ = 	snop  }
0x6: {  	_ = 	snop  }
0x7: {  	_ = 	snop  }
__scs_overlays_trampoline_lowered:
0x8: {  	[smem:$0x3FA2] =	sst s0  }
0x9: {  	[smem:$0x3FA3] =	sst s1  }
0xa: {  	[smem:$0x3FA4] =	sst s2  }
0xb: {  	[smem:$0x3FA5] =	sst s3  }
0xc: {  	[smem:$0x3FA6] =	sst s4  }
0xd: {  	[smem:$0x3FA7] =	sst s5  }
0xe: {  	[smem:$0x3FA8] =	sst s6  }
0xf: {  	[smem:$0x3FA9] =	sst s7  }
0x10: {  	[smem:$0x3FAA] =	sst s8  }
0x11: {  	[smem:$0x3FAB] =	sst s9;
	s0 =	simm.s32 @!p0 $0x0  }
0x12: {  	s1 =	sld [smem:$0x3F91];
	s0 =	simm.s32 @p0 $0x1  }
0x13: {  	[smem:$0x3FAC] =	sst s0;
	s0 =	simm.s32 @!p1 $0x0  }
0x14: {  	s2 =	sld [smem:$0x3F90];
	s0 =	simm.s32 @p1 $0x1  }
0x15: {  	[smem:$0x3FAD] =	sst s0;
	s0 =	simm.s32 @!p2 $0x0  }
0x16: {  	s3 =	sld [smem:$0x3FDB];
	s0 =	simm.s32 @p2 $0x1  }
0x17: {  	s4 =	simm.s32 $0x1BF5;
	[smem:$0x3FAF] =	sst s0  }
0x18: {  	s0 =	sld [smem:$0x3F92];
	_ =	swait.ge [sflag:s4], $0x0  }
0x19: {  	s7 =	sld [smem:$0x3F93]  }
0x1a: {  	s8 =	sadd.s32 $0xFFFFE003, lr  }
0x1b: {  	s9 =	sadd.s32 $0xFFFFFEF7, lr;
	s5 =	simm.s32 $0xFFFFFFFF;
	p2 =	slt.u32 s8, $0xFFFFF086  }
0x1c: {  	p1 =	slt.u32 s9, $0xF7A;
	s5 =	simm.s32 @!p2 $0x0  }
0x1d: {  	s5 =	simm.s32 @p1 $0x1;
	p0 =	seq.s32 s7, s2  }
0x1e: {  	s7 =	smul.u32 @!p0 $0xF7A, s2;
	p2 =	seq.s32 @!p0 s5, $0x0  }
0x1f: {  	s9 =	smul.u32 $0xF7A, s1;
	s8 =	simm.s32 @!p0 $0x1BF5;
	p2 =	por !p2, p0  }
0x20: {  	[sflag:s8] =	ssyncset.s32 @!p0 $0xFFFFF086;
	s6 =	sadd.s32 @!p0 s3, s7;
	s7 =	simm.s32 @!p0 $0x108  }
0x21: {  	s3 =	sadd.s32 s3, s9;
	s6 =	sadd.s32 @!p0 $0x88, s6;
	s7 =	simm.s32 @p2 $0x1082  }
0x22: {  	[simem:s7], [sflag:s8] =	dma.local @!p0 [hbm:s6], $0xF7A  }
0x23: {  	s9 =	sor.u32 $0xD0000000, s2;
	s6 =	simm.s32 $0x108;
	_ =	swait.ge @!p0 [sflag:s8], $0x0  }
0x24: {  	s3 =	sadd.s32 $0x88, s3;
	s6 =	simm.s32 @!p1 $0x1082;
	[sflag:s4] =	ssyncset.s32 $0xFFFFF086  }
0x25: {  	[simem:s6], [sflag:s4] =	dma.local [hbm:s3], $0xF7A  }
0x26: {  	[smem:$0x3F93] =	sst s1;
	(tag) =	ssettag s2;
	_ =	strace s9  }
0x27: {  	s1 =	sld [smem:$0x3FA3]  }
0x28: {  	s2 =	sld [smem:$0x3FA4]  }
0x29: {  	s4 =	sld [smem:$0x3FA6]  }
0x2a: {  	p0 =	seq.s32 s5, $0x0;
	s5 =	sld [smem:$0x3FA7]  }
0x2b: {  	s6 =	sld [smem:$0x3FA8]  }
0x2c: {  	s7 =	sld [smem:$0x3FA9]  }
0x2d: {  	s3 =	simm.s32 $0x108;
	s8 =	sld [smem:$0x3FAA]  }
0x2e: {  	s3 =	simm.s32 @!p0 $0x1082;
	s9 =	sld [smem:$0x3FAB]  }
0x2f: {  	lr =	sadd.s32 s0, s3;
	s0 =	sld [smem:$0x3FA2]  }
0x30: {  	s3 =	sld [smem:$0x3FA5]  }
0x31: {  	[smem:$0x3FAE] =	sst s10  }
0x32: {  	s10 =	sld [smem:$0x3FAC];
	_ =	sdelay $0x3  }
0x33: {  	p0 =	seq.s32 s10, $0x1;
	s10 =	sld [smem:$0x3FAE];
	_ =	sdelay $0x3  }
0x34: {  	[smem:$0x3FAE] =	sst s10  }
0x35: {  	s10 =	sld [smem:$0x3FAD];
	_ =	sdelay $0x3  }
0x36: {  	p1 =	seq.s32 s10, $0x1;
	s10 =	sld [smem:$0x3FAE];
	_ =	sdelay $0x3  }
0x37: {  	[smem:$0x3FAE] =	sst s10  }
0x38: {  	s10 =	sld [smem:$0x3FAF]  }
0x39: {  	_ = 	snop;
	(pc) =	sbr.ind lr, $3  }
0x3a: {  	_ = 	snop  }
0x3b: {  	_ = 	snop  }
0x3c: {  	p2 =	seq.s32 s10, $0x1;
	s10 =	sld [smem:$0x3FAE]  }
0x3d: {  	_ =	shalt  }
0x3e: {  	_ =	shalt  }
0x3f: {  	_ =	shalt  }
0x40: {  	_ =	shalt  }
0x41: {  	_ =	shalt  }
0x42: {  	_ =	shalt  }
0x43: {  	_ =	shalt  }
0x44: {  	_ =	shalt  }
0x45: {  	_ =	shalt  }
0x46: {  	_ =	shalt  }
0x47: {  	_ =	shalt  }
0x48: {  	_ =	shalt  }
0x49: {  	_ =	shalt  }
0x4a: {  	_ =	shalt  }
0x4b: {  	_ =	shalt  }
0x4c: {  	_ =	shalt  }
0x4d: {  	_ =	shalt  }
0x4e: {  	_ =	shalt  }
0x4f: {  	_ =	shalt  }
0x50: {  	_ =	shalt  }
0x51: {  	_ =	shalt  }
0x52: {  	_ =	shalt  }
0x53: {  	_ =	shalt  }
0x54: {  	_ =	shalt  }
0x55: {  	_ =	shalt  }
0x56: {  	_ =	shalt  }
0x57: {  	_ =	shalt  }
0x58: {  	_ =	shalt  }
0x59: {  	_ =	shalt  }
0x5a: {  	_ =	shalt  }
0x5b: {  	_ =	shalt  }
0x5c: {  	_ =	shalt  }
0x5d: {  	_ =	shalt  }
0x5e: {  	_ =	shalt  }
0x5f: {  	_ =	shalt  }
0x60: {  	_ =	shalt  }
0x61: {  	_ =	shalt  }
0x62: {  	_ =	shalt  }
0x63: {  	_ =	shalt  }
0x64: {  	_ =	shalt  }
0x65: {  	_ =	shalt  }
0x66: {  	_ =	shalt  }
0x67: {  	_ =	shalt  }
0x68: {  	_ =	shalt  }
0x69: {  	_ =	shalt  }
0x6a: {  	_ =	shalt  }
0x6b: {  	_ =	shalt  }
0x6c: {  	_ =	shalt  }
0x6d: {  	_ =	shalt  }
0x6e: {  	_ =	shalt  }
0x6f: {  	_ =	shalt  }
0x70: {  	_ =	shalt  }
0x71: {  	_ =	shalt  }
0x72: {  	_ =	shalt  }
0x73: {  	_ =	shalt  }
0x74: {  	_ =	shalt  }
0x75: {  	_ =	shalt  }
0x76: {  	_ =	shalt  }
0x77: {  	_ =	shalt  }
0x78: {  	_ =	shalt  }
0x79: {  	_ =	shalt  }
0x7a: {  	_ =	shalt  }
0x7b: {  	_ =	shalt  }
0x7c: {  	_ =	shalt  }
0x7d: {  	_ =	shalt  }
0x7e: {  	_ =	shalt  }
0x7f: {  	_ =	shalt  }
0x80: {  	_ =	shalt  }
0x81: {  	_ =	shalt  }
0x82: {  	_ =	shalt  }
0x83: {  	_ =	shalt  }
0x84: {  	_ =	shalt  }
0x85: {  	_ =	shalt  }
0x86: {  	_ =	shalt  }
0x87: {  	_ =	shalt  }
.Lfunc_end0:
.L_simem_size_0:
called_computation_lowered:
.L_overlay_start_0:
0x88: {  	s2 =	sld [smem:$0x3FD9]  }
0x89: {  	s3 =	sld [smem:$0x3FFE];
	_ =	sdelay $0x1  }
0x8a: {  	s1 =	srdreg.scid  }
0x8b: {  	s0 =	sand.u32 $0x1, s1  }
0x8c: {  	s16 =	sshll.u32 s0, $0xA;
	s2 =	sadd.s32 s3, s2  }
0x8d: {  	s2 =	sadd.s32 s2, s16  }
0x8e: {  	[smem:$0x3FBA] =	sst s2  }
0x8f: {  	_ = 	snop  }
0x90: {  	(tm) =	ssettm $0x1  }
0x91: {  	s17 =	sld [smem:$0x3FFB];
	_ =	sdelay $0x3  }
0x92: {  	_ =	strace s17  }
0x93: {  	s2 =	sld [smem:$0x3FFC];
	_ =	sdelay $0x3  }
0x94: {  	_ =	strace s2  }
0x95: {  	s2 =	sld [smem:$0x3FFD];
	_ =	sdelay $0x3  }
0x96: {  	_ =	strace s2  }
0x97: {  	_ =	strace $0x8FFFFFFF  }
0x98: {  	s18 =	sld [smem:$0x3FDB];
	_ =	sdelay $0x1  }
0x99: {  	s19 =	simm.s32 $_scs_section_size  }
0x9a: {  	s4 =	simm.s32 $_size__tile_overlayer_lowered;
	s5 =	simm.s32 $_tile_overlayer_lowered  }
0x9b: {  	s22 =	simm.s32 $0x1BFF;
	s21 =	sshll.u32 s5, $0x1;
	s2 =	sadd.s32 s19, s18  }
0x9c: {  	s6 =	simm.s32 $0x0;
	s20 =	sshll.u32 s4, $0x1;
	s4 =	sadd.s32 s21, s2  }
0x9d: {  	[timem:s6], [sflag:s22] =	dma.local [hbm:s4], s20  }
0x9e: {  	_ =	swait.ge [sflag:s22], s20  }
0x9f: {  	s3 =	ssub.s32 $0x0, s20;
	[sflag:s22] =	ssyncset.done $0x0  }
0xa0: {  	[sflag:s22] =	ssyncadd.s32 s3;
	_ =	sdelay $0x1  }
0xa1: {  	s23 =	simm.s32 $0x1B8B  }
0xa2: {  	_ =	swait.ge [sflag:s23], $0x1  }
0xa3: {  	[sflag:s23] =	ssyncset.done $0x0  }
0xa4: {  	s25 =	simm.s32 $0x1B8E;
	s24 =	sld [smem:$0x3FFE];
	[sflag:s23] =	ssyncadd.s32 $0xFFFFFFFF  }
0xa5: {  	s26 =	simm.s32 $execute0_lowered;
	[smem:$0x3FD2] =	sst s25  }
0xa6: {  	s4 =	sshll.u32 s26, $0x1;
	_ =	strace $0x80000046;
	[dreg:$0x1] =	wrdreg $0xFFFFFFFF  }
0xa7: {  	s28 =	simm.s32 $_size_execute0_lowered;
	s2 =	sadd.s32 s2, s4;
	[dreg:$0x0] =	wrdreg $0x0  }
0xa8: {  	s4 =	sshll.u32 s28, $0x1;
	[dreg:$0x2] =	wrdreg s2  }
0xa9: {  	[dreg:$0x3] =	wrdreg s4  }
0xaa: {  	[dreg:$0x4] =	wrdreg $0xC0  }
0xab: {  	_ =	task [dreg:s6], $0x5FFFF  }
0xac: {  	[dreg:$0x1] =	wrdreg $0xFFFFFFFF  }
0xad: {  	[dreg:$0x0] =	wrdreg $0x60  }
0xae: {  	[dreg:$0x2] =	wrdreg s24  }
0xaf: {  	[dreg:$0x3] =	wrdreg $0x68000  }
0xb0: {  	[dreg:$0x4] =	wrdreg $0x9  }
0xb1: {  	_ =	task.clear_ibuf [dreg:s6], $0x5FFFF;
	_ =	strace $0x90000046  }
0xb2: {  	s29 =	simm.s32 $0x9;
	_ =	strace $0x80000048  }
0xb3: {  	_ =	swait.ge [sflag:s29], $0x1  }
0xb4: {  	[sflag:s29] =	ssyncadd.s32 $0xFFFFFFFF  }
0xb5: {  	_ =	strace $0x90000048  }
0xb6: {  	_ =	sfence  }
0xb7: {  	s30 =	sld [smem:$0x0];
	_ =	sdelay $0x2  }
0xb8: {  	s31 =	sshll.u32 s1, $0xD;
	s1 =	sshrl.u32 s1, $0x2  }
0xb9: {  	s3 =	sand.u32 $0x4000, s31;
	s1 =	sadd.s32 s1, s30  }
0xba: {  	s0 =	sor.u32 s3, s0;
	s1 =	sshll.u32 s1, $0x11  }
0xbb: {  	s0 =	sor.u32 s1, s0  }
0xbc: {  	s0 =	sadd.s32 $0x8F2B, s0  }
0xbd: {  	[sflag:s0] =	ssyncadd.remote.s32 $0x1  }
0xbe: {  	_ =	sfence.sel $0xFFFF  }
0xbf: {  	[dreg:$0x0] =	wrdreg $0xFFFFFFFF;
	(pc) =	sbr.abs _section_cstart, $3  }
0xc0: {  	[dreg:$0x1] =	wrdreg $0xFFFFFFFF  }
0xc1: {  	_ =	task.clear_ibuf [dreg:s6], $0x2FFFF;
	_ =	strace $0x9FFFFFFF  }
0xc2: {  	(tm) =	ssettm $0x7FFFFFFF  }
0xc3: {  	_ =	shalt  }
tec
execute0_lowered:
.L_overlay_start_1:
0x0: {  	(tag) =	ssettag $0x1  }
0x1: {  	s1 =	srdreg.scid  }
0x2: {  	s0 =	stileid.u32;
	s7 =	rddreg [dreg:$0x0]  }
0x3: {  	s2 =	rddreg [dreg:$0x1];
	s3 =	simm.s32 $0x0;
	s12 =	simm.s32 $0x2800  }
0x4: {  	s13 =	simm.s32 $0x80;
	s14 =	simm.s32 $0x1;
	s15 =	simm.s32 $0x2  }
0x5: {  	s16 =	simm.s32 $0x2780;
	s17 =	simm.s32 $0x0;
	s8 =	smul.u32 $0x14000, s0  }
0x6: {  	s6 =	sand.u32 $0x1, s1;
	s29 =	sshll.u32 s0, $0x1;
	s10 =	smul.u32 $0x50000, s0  }
0x7: {  	[smem:$0x7FF] =	sst s3;
	s1 =	sor.u32 s6, s29;
	s5 =	smul.u32 $0x140000, s6  }
0x8: {  	s31 =	sshll.u32 s0, $0x6;
	s6 =	ssub.s32 $0x2, s6;
	s4 =	smul.u32 $0x500, s1  }
0x9: {  	s1 =	rddreg [dreg:$0x2];
	_ =	strace $0x80000047;
	s30 =	sshrl.u32 s6, $0x1  }
0xa: {  	s10 =	sshrl.u32 s10, $0x2;
	s8 =	sadd.s32 s8, s5;
	s5 =	sadd.s32 $0xEC00, s7  }
0xb: {  	s11 =	ssub.s32 s6, s30;
	s10 =	sadd.s32 s10, s2;
	s6 =	sor.u32 $0x1C03, s31  }
0xc: {  	s9 =	sadd.s32 s4, s7;
	s4 =	sadd.s32 $0x11400, s7;
	s8 =	sshrl.u32 s8, $0x3  }
0xd: {  	s10 =	sshrl.u32 s10, $0x3;
	s8 =	sadd.s32 s8, s7;
	s7 =	sadd.s32 $0x4C00, s9  }
0xe: {  	s9 =	smax.u32 s11, $0x1;
	s11 =	simm.s32 $0x3;
	s8 =	sadd.s32 $0x11C00, s8  }
.LBB2_1:
0xf: {  	[spmem:s10], [sflag:s6] =	dma.local [hbm:s5], $0x2800  }
0x10: {  	_ =	swait.ge [sflag:s11], $0x2800  }
0x11: {  	[sflag:s11] =	ssyncset.done $0x0  }
0x12: {  	[sflag:s11] =	ssyncadd.s32 $0xFFFFD800  }
0x13: {  	[tilespmem:s12], [sflag:$0x3] =	stream.linear.gather [hbm4b:s4+s3], $0x4000, $0x38;
	[tilespmem:$0x1A800] =	vst v63  }
0x14: {  	_ =	swait.ge [sflag:s11], $0x4000  }
0x15: {  	[sflag:s11] =	ssyncset.done $0x0  }
0x16: {  	[sflag:s11] =	ssyncadd.s32 $0xFFFFC000  }
0x17: {  	[tilespmem:s3], [sflag:$0x3] =	stream.linear.gather [hbm4b:s7+s3], $0x2800, $0x38;
	[tilespmem:$0x1A800] =	vst v63  }
0x18: {  	_ =	swait.ge [sflag:s11], $0x2800  }
0x19: {  	[sflag:s11] =	ssyncset.done $0x0  }
0x1a: {  	[sflag:s11] =	ssyncadd.s32 $0xFFFFD800  }
0x1b: {  	[bflag:$0x0] =	sbarrier.arrive $0xFFFF  }
0x1c: {  	[spmem:s2] =	stream.indirect.scatter.add.f32 [tilespmem:s12], [sflag:$0x1], $0x80, s3, s13, $0xb8;
	[tilespmem:$0x1A800] =	vst v63  }
0x1d: {  	s18 =	simm.s32 $0x80  }
0x1e: {  	[spmem:s2] =	stream.indirect.scatter.add.f32 [tilespmem:s12], [sflag:$0x2], $0x80, s18, s13, $0xb8;
	[tilespmem:$0x1A800] =	vst v63  }
0x1f: {  	_ =	swait.ge [sflag:s14], $0x4000  }
0x20: {  	[sflag:s14] =	ssyncset.done $0x0  }
0x21: {  	s31 =	simm.s32 $0x100;
	[sflag:s14] =	ssyncadd.s32 $0xFFFFC000  }
0x22: {  	[spmem:s2] =	stream.indirect.scatter.add.f32 [tilespmem:s12], [sflag:$0x1], $0x80, s31, s13, $0xb8;
	[tilespmem:$0x1A800] =	vst v63  }
0x23: {  	_ =	swait.ge [sflag:s15], $0x4000  }
0x24: {  	s19 =	simm.s32 $0xFFFF6C00;
	s18 =	simm.s32 $0xFFFFDA00;
	[sflag:s15] =	ssyncset.done $0x0  }
.LBB2_2:
0x25: {  	s20 =	sadd.s32 $0x2780, s18  }
0x26: {  	[sflag:s15] =	ssyncadd.s32 $0xFFFFC000;
	s21 =	smov.u32 s19;
	s22 =	sadd.s32 $0x400, s19  }
0x27: {  	[spmem:s2] =	stream.indirect.scatter.add.f32 [tilespmem:s12], [sflag:$0x2], $0x80, s20, s13, $0xb8;
	[tilespmem:$0x1A800] =	vst v63  }
0x28: {  	p0 =	sne.s32 s19, $0xFFFFFC00;
	_ =	swait.ge [sflag:s14], $0x4000  }
.Ltmp0:
0x29: {  	[sflag:s14] =	ssyncset.done $0x0;
	(pc) =	sbr.rel @p0 .LBB2_2-.Ltmp0, $4  }
0x2a: {  	s18 =	sadd.s32 $0x2800, s18;
	[sflag:s14] =	ssyncadd.s32 $0xFFFFC000  }
0x2b: {  	[spmem:s2] =	stream.indirect.scatter.add.f32 [tilespmem:s12], [sflag:$0x1], $0x80, s18, s13, $0xb8;
	[tilespmem:$0x1A800] =	vst v63  }
0x2c: {  	_ =	swait.ge [sflag:s15], $0x4000  }
0x2d: {  	s19 =	smov.u32 s22;
	s18 =	sshra.s32 s21, $0x2;
	[sflag:s15] =	ssyncset.done $0x0  }
0x2e: {  	s19 =	sadd.s32 $0x2780, s18;
	[sflag:s15] =	ssyncadd.s32 $0xFFFFC000  }
0x2f: {  	[spmem:s2] =	stream.indirect.scatter.add.f32 [tilespmem:s12], [sflag:$0x2], $0x80, s19, s13, $0xb8;
	[tilespmem:$0x1A800] =	vst v63  }
0x30: {  	_ =	swait.ge [sflag:s14], $0x4000  }
0x31: {  	[sflag:s14] =	ssyncset.done $0x0  }
0x32: {  	s31 =	sadd.s32 $0x2800, s18;
	[sflag:s14] =	ssyncadd.s32 $0xFFFFC000  }
0x33: {  	[spmem:s2] =	stream.indirect.scatter.add.f32 [tilespmem:s12], [sflag:$0x1], $0x80, s31, s13, $0xb8;
	[tilespmem:$0x1A800] =	vst v63  }
0x34: {  	_ =	swait.ge [sflag:s15], $0x4000  }
0x35: {  	[sflag:s15] =	ssyncset.done $0x0  }
0x36: {  	[sflag:s15] =	ssyncadd.s32 $0xFFFFC000  }
0x37: {  	[spmem:s2] =	stream.indirect.scatter.add.f32 [tilespmem:s12], [sflag:$0x2], $0x80, s16, s13, $0xb8;
	[tilespmem:$0x1A800] =	vst v63  }
0x38: {  	_ =	swait.ge [sflag:s14], $0x4000  }
0x39: {  	[sflag:s14] =	ssyncset.done $0x0  }
0x3a: {  	[sflag:s14] =	ssyncadd.s32 $0xFFFFC000  }
0x3b: {  	_ =	swait.ge [sflag:s15], $0x4000  }
0x3c: {  	s17 =	sadd.s32 $0x1, s17;
	[sflag:s15] =	ssyncset.done $0x0  }
0x3d: {  	p0 =	sne.s32 s17, s9;
	[sflag:s15] =	ssyncadd.s32 $0xFFFFC000  }
.Ltmp1:
0x3e: {  	[bflag:$0x0] =	sbarrier.arrive $0xFFFF;
	(pc) =	sbr.rel @p0 .LBB2_1-.Ltmp1, $4  }
0x3f: {  	[hbm:s8], [sflag:s6] =	dma.local [spmem:s10], $0x2800  }
0x40: {  	_ =	swait.ge [sflag:s11], $0x2800  }
0x41: {  	[sflag:s11] =	ssyncset.done $0x0  }
0x42: {  	[sflag:s11] =	ssyncadd.s32 $0xFFFFD800  }
0x43: {  	_ =	sfence.sel $0x180000  }
0x44: {  	[bflag:$0x0] =	sbarrier.arrive $0xFFFF  }
0x45: {  	p0 =	sne.s32 s0, $0x0;
	_ =	strace $0x90000047  }
0x46: {  	s0 =	sadd.s32 @!p0 $0x100000, s1;
	[bflag:$0x2] =	sbarrier.arrive $0xFFFF  }
0x47: {  	[sflag:s0] =	ssyncadd.tile.s32 @!p0 $0x1;
	_ =	shalt  }
.Lfunc_end2:
_tile_overlayer_lowered:
.L_overlay_start_2:
0x48: {  	(tag) =	ssettag $0x2  }
0x49: {  	s0 =	rddreg [dreg:$0x0];
	s2 =	stileid.u32  }
0x4a: {  	s1 =	rddreg [dreg:$0x1];
	p0 =	sne.s32 s2, $0x0  }
0x4b: {  	s3 =	rddreg [dreg:$0x2];
	[bflag:$0x3] =	sbarrier.arrive $0xFFFF;
	s2 =	simm.s32 @!p0 $0x1C03  }
0x4c: {  	[timem:s3], [sflag:s2] =	dma.local @!p0 [hbm:s0], s1  }
0x4d: {  	s0 =	simm.s32 @!p0 $0x3  }
0x4e: {  	_ =	swait.ge @!p0 [sflag:s0], s1  }
0x4f: {  	s1 =	ssub.s32 @!p0 $0x0, s1;
	[sflag:s0] =	ssyncset.done @!p0 $0x0  }
0x50: {  	[sflag:s0] =	ssyncadd.s32 @!p0 s1  }
0x51: {  	[bflag:$0x3] =	sbarrier.arrive $0xFFFF  }
0x52: {  	_ =	shalt  }

// kernel: kernel.17.cloned.1.call-start
scs
__scs_entry_jumppad:
0x0: {  	(pc) =	sbr.rel $0x88, $3  }
0x1: {  	(tag) =	ssettag $0x0;
	lr =	simm.s32 $0x1  }
0x2: {  	[smem:$0x3F93] =	sst lr;
	_ =	strace $0xD0000000  }
0x3: {  	_ = 	snop  }
0x4: {  	_ = 	snop  }
0x5: {  	_ = 	snop  }
0x6: {  	_ = 	snop  }
0x7: {  	_ = 	snop  }
__scs_overlays_trampoline_lowered:
0x8: {  	[smem:$0x3FA2] =	sst s0  }
0x9: {  	[smem:$0x3FA3] =	sst s1  }
0xa: {  	[smem:$0x3FA4] =	sst s2  }
0xb: {  	[smem:$0x3FA5] =	sst s3  }
0xc: {  	[smem:$0x3FA6] =	sst s4  }
0xd: {  	[smem:$0x3FA7] =	sst s5  }
0xe: {  	[smem:$0x3FA8] =	sst s6  }
0xf: {  	[smem:$0x3FA9] =	sst s7  }
0x10: {  	[smem:$0x3FAA] =	sst s8  }
0x11: {  	[smem:$0x3FAB] =	sst s9;
	s0 =	simm.s32 @!p0 $0x0  }
0x12: {  	s1 =	sld [smem:$0x3F91];
	s0 =	simm.s32 @p0 $0x1  }
0x13: {  	[smem:$0x3FAC] =	sst s0;
	s0 =	simm.s32 @!p1 $0x0  }
0x14: {  	s2 =	sld [smem:$0x3F90];
	s0 =	simm.s32 @p1 $0x1  }
0x15: {  	[smem:$0x3FAD] =	sst s0;
	s0 =	simm.s32 @!p2 $0x0  }
0x16: {  	s3 =	sld [smem:$0x3FDB];
	s0 =	simm.s32 @p2 $0x1  }
0x17: {  	s4 =	simm.s32 $0x1BF5;
	[smem:$0x3FAF] =	sst s0  }
0x18: {  	s0 =	sld [smem:$0x3F92];
	_ =	swait.ge [sflag:s4], $0x0  }
0x19: {  	s7 =	sld [smem:$0x3F93]  }
0x1a: {  	s8 =	sadd.s32 $0xFFFFE003, lr  }
0x1b: {  	s9 =	sadd.s32 $0xFFFFFEF7, lr;
	s5 =	simm.s32 $0xFFFFFFFF;
	p2 =	slt.u32 s8, $0xFFFFF086  }
0x1c: {  	p1 =	slt.u32 s9, $0xF7A;
	s5 =	simm.s32 @!p2 $0x0  }
0x1d: {  	s5 =	simm.s32 @p1 $0x1;
	p0 =	seq.s32 s7, s2  }
0x1e: {  	s7 =	smul.u32 @!p0 $0xF7A, s2;
	p2 =	seq.s32 @!p0 s5, $0x0  }
0x1f: {  	s9 =	smul.u32 $0xF7A, s1;
	s8 =	simm.s32 @!p0 $0x1BF5;
	p2 =	por !p2, p0  }
0x20: {  	[sflag:s8] =	ssyncset.s32 @!p0 $0xFFFFF086;
	s6 =	sadd.s32 @!p0 s3, s7;
	s7 =	simm.s32 @!p0 $0x108  }
0x21: {  	s3 =	sadd.s32 s3, s9;
	s6 =	sadd.s32 @!p0 $0x88, s6;
	s7 =	simm.s32 @p2 $0x1082  }
0x22: {  	[simem:s7], [sflag:s8] =	dma.local @!p0 [hbm:s6], $0xF7A  }
0x23: {  	s9 =	sor.u32 $0xD0000000, s2;
	s6 =	simm.s32 $0x108;
	_ =	swait.ge @!p0 [sflag:s8], $0x0  }
0x24: {  	s3 =	sadd.s32 $0x88, s3;
	s6 =	simm.s32 @!p1 $0x1082;
	[sflag:s4] =	ssyncset.s32 $0xFFFFF086  }
0x25: {  	[simem:s6], [sflag:s4] =	dma.local [hbm:s3], $0xF7A  }
0x26: {  	[smem:$0x3F93] =	sst s1;
	(tag) =	ssettag s2;
	_ =	strace s9  }
0x27: {  	s1 =	sld [smem:$0x3FA3]  }
0x28: {  	s2 =	sld [smem:$0x3FA4]  }
0x29: {  	s4 =	sld [smem:$0x3FA6]  }
0x2a: {  	p0 =	seq.s32 s5, $0x0;
	s5 =	sld [smem:$0x3FA7]  }
0x2b: {  	s6 =	sld [smem:$0x3FA8]  }
0x2c: {  	s7 =	sld [smem:$0x3FA9]  }
0x2d: {  	s3 =	simm.s32 $0x108;
	s8 =	sld [smem:$0x3FAA]  }
0x2e: {  	s3 =	simm.s32 @!p0 $0x1082;
	s9 =	sld [smem:$0x3FAB]  }
0x2f: {  	lr =	sadd.s32 s0, s3;
	s0 =	sld [smem:$0x3FA2]  }
0x30: {  	s3 =	sld [smem:$0x3FA5]  }
0x31: {  	[smem:$0x3FAE] =	sst s10  }
0x32: {  	s10 =	sld [smem:$0x3FAC];
	_ =	sdelay $0x3  }
0x33: {  	p0 =	seq.s32 s10, $0x1;
	s10 =	sld [smem:$0x3FAE];
	_ =	sdelay $0x3  }
0x34: {  	[smem:$0x3FAE] =	sst s10  }
0x35: {  	s10 =	sld [smem:$0x3FAD];
	_ =	sdelay $0x3  }
0x36: {  	p1 =	seq.s32 s10, $0x1;
	s10 =	sld [smem:$0x3FAE];
	_ =	sdelay $0x3  }
0x37: {  	[smem:$0x3FAE] =	sst s10  }
0x38: {  	s10 =	sld [smem:$0x3FAF]  }
0x39: {  	_ = 	snop;
	(pc) =	sbr.ind lr, $3  }
0x3a: {  	_ = 	snop  }
0x3b: {  	_ = 	snop  }
0x3c: {  	p2 =	seq.s32 s10, $0x1;
	s10 =	sld [smem:$0x3FAE]  }
0x3d: {  	_ =	shalt  }
0x3e: {  	_ =	shalt  }
0x3f: {  	_ =	shalt  }
0x40: {  	_ =	shalt  }
0x41: {  	_ =	shalt  }
0x42: {  	_ =	shalt  }
0x43: {  	_ =	shalt  }
0x44: {  	_ =	shalt  }
0x45: {  	_ =	shalt  }
0x46: {  	_ =	shalt  }
0x47: {  	_ =	shalt  }
0x48: {  	_ =	shalt  }
0x49: {  	_ =	shalt  }
0x4a: {  	_ =	shalt  }
0x4b: {  	_ =	shalt  }
0x4c: {  	_ =	shalt  }
0x4d: {  	_ =	shalt  }
0x4e: {  	_ =	shalt  }
0x4f: {  	_ =	shalt  }
0x50: {  	_ =	shalt  }
0x51: {  	_ =	shalt  }
0x52: {  	_ =	shalt  }
0x53: {  	_ =	shalt  }
0x54: {  	_ =	shalt  }
0x55: {  	_ =	shalt  }
0x56: {  	_ =	shalt  }
0x57: {  	_ =	shalt  }
0x58: {  	_ =	shalt  }
0x59: {  	_ =	shalt  }
0x5a: {  	_ =	shalt  }
0x5b: {  	_ =	shalt  }
0x5c: {  	_ =	shalt  }
0x5d: {  	_ =	shalt  }
0x5e: {  	_ =	shalt  }
0x5f: {  	_ =	shalt  }
0x60: {  	_ =	shalt  }
0x61: {  	_ =	shalt  }
0x62: {  	_ =	shalt  }
0x63: {  	_ =	shalt  }
0x64: {  	_ =	shalt  }
0x65: {  	_ =	shalt  }
0x66: {  	_ =	shalt  }
0x67: {  	_ =	shalt  }
0x68: {  	_ =	shalt  }
0x69: {  	_ =	shalt  }
0x6a: {  	_ =	shalt  }
0x6b: {  	_ =	shalt  }
0x6c: {  	_ =	shalt  }
0x6d: {  	_ =	shalt  }
0x6e: {  	_ =	shalt  }
0x6f: {  	_ =	shalt  }
0x70: {  	_ =	shalt  }
0x71: {  	_ =	shalt  }
0x72: {  	_ =	shalt  }
0x73: {  	_ =	shalt  }
0x74: {  	_ =	shalt  }
0x75: {  	_ =	shalt  }
0x76: {  	_ =	shalt  }
0x77: {  	_ =	shalt  }
0x78: {  	_ =	shalt  }
0x79: {  	_ =	shalt  }
0x7a: {  	_ =	shalt  }
0x7b: {  	_ =	shalt  }
0x7c: {  	_ =	shalt  }
0x7d: {  	_ =	shalt  }
0x7e: {  	_ =	shalt  }
0x7f: {  	_ =	shalt  }
0x80: {  	_ =	shalt  }
0x81: {  	_ =	shalt  }
0x82: {  	_ =	shalt  }
0x83: {  	_ =	shalt  }
0x84: {  	_ =	shalt  }
0x85: {  	_ =	shalt  }
0x86: {  	_ =	shalt  }
0x87: {  	_ =	shalt  }
.Lfunc_end0:
.L_simem_size_0:
called_computation.1_lowered:
.L_overlay_start_0:
0x88: {  	s2 =	sld [smem:$0x3FD9]  }
0x89: {  	s3 =	sld [smem:$0x3FFE];
	_ =	sdelay $0x1  }
0x8a: {  	s1 =	srdreg.scid  }
0x8b: {  	s0 =	sand.u32 $0x1, s1  }
0x8c: {  	s16 =	sshll.u32 s0, $0xA;
	s2 =	sadd.s32 s3, s2  }
0x8d: {  	s2 =	sadd.s32 s2, s16  }
0x8e: {  	[smem:$0x3FBA] =	sst s2  }
0x8f: {  	_ = 	snop  }
0x90: {  	(tm) =	ssettm $0x1  }
0x91: {  	s17 =	sld [smem:$0x3FFB];
	_ =	sdelay $0x3  }
0x92: {  	_ =	strace s17  }
0x93: {  	s2 =	sld [smem:$0x3FFC];
	_ =	sdelay $0x3  }
0x94: {  	_ =	strace s2  }
0x95: {  	s2 =	sld [smem:$0x3FFD];
	_ =	sdelay $0x3  }
0x96: {  	_ =	strace s2  }
0x97: {  	_ =	strace $0x8FFFFFFF  }
0x98: {  	s18 =	sld [smem:$0x3FDB];
	_ =	sdelay $0x1  }
0x99: {  	s19 =	simm.s32 $_scs_section_size  }
0x9a: {  	s4 =	simm.s32 $_size__tile_overlayer_lowered;
	s5 =	simm.s32 $_tile_overlayer_lowered  }
0x9b: {  	s22 =	simm.s32 $0x1BFF;
	s21 =	sshll.u32 s5, $0x1;
	s2 =	sadd.s32 s19, s18  }
0x9c: {  	s6 =	simm.s32 $0x0;
	s20 =	sshll.u32 s4, $0x1;
	s4 =	sadd.s32 s21, s2  }
0x9d: {  	[timem:s6], [sflag:s22] =	dma.local [hbm:s4], s20  }
0x9e: {  	_ =	swait.ge [sflag:s22], s20  }
0x9f: {  	s3 =	ssub.s32 $0x0, s20;
	[sflag:s22] =	ssyncset.done $0x0  }
0xa0: {  	[sflag:s22] =	ssyncadd.s32 s3;
	_ =	sdelay $0x1  }
0xa1: {  	s23 =	simm.s32 $0x1B8B  }
0xa2: {  	_ =	swait.ge [sflag:s23], $0x1  }
0xa3: {  	[sflag:s23] =	ssyncset.done $0x0  }
0xa4: {  	s25 =	simm.s32 $0x1B8E;
	s24 =	sld [smem:$0x3FFE];
	[sflag:s23] =	ssyncadd.s32 $0xFFFFFFFF  }
0xa5: {  	s26 =	simm.s32 $execute0_lowered;
	[smem:$0x3FD2] =	sst s25  }
0xa6: {  	s4 =	sshll.u32 s26, $0x1;
	_ =	strace $0x80000049;
	[dreg:$0x1] =	wrdreg $0xFFFFFFFF  }
0xa7: {  	s28 =	simm.s32 $_size_execute0_lowered;
	s2 =	sadd.s32 s2, s4;
	[dreg:$0x0] =	wrdreg $0x0  }
0xa8: {  	s4 =	sshll.u32 s28, $0x1;
	[dreg:$0x2] =	wrdreg s2  }
0xa9: {  	[dreg:$0x3] =	wrdreg s4  }
0xaa: {  	[dreg:$0x4] =	wrdreg $0xC0  }
0xab: {  	_ =	task [dreg:s6], $0x5FFFF  }
0xac: {  	[dreg:$0x1] =	wrdreg $0xFFFFFFFF  }
0xad: {  	[dreg:$0x0] =	wrdreg $0x60  }
0xae: {  	[dreg:$0x2] =	wrdreg s24  }
0xaf: {  	[dreg:$0x3] =	wrdreg $0xA8000  }
0xb0: {  	[dreg:$0x4] =	wrdreg $0x9  }
0xb1: {  	_ =	task.clear_ibuf [dreg:s6], $0x5FFFF;
	_ =	strace $0x90000049  }
0xb2: {  	s29 =	simm.s32 $0x9;
	_ =	strace $0x8000004B  }
0xb3: {  	_ =	swait.ge [sflag:s29], $0x1  }
0xb4: {  	[sflag:s29] =	ssyncadd.s32 $0xFFFFFFFF  }
0xb5: {  	_ =	strace $0x9000004B  }
0xb6: {  	_ =	sfence  }
0xb7: {  	s30 =	sld [smem:$0x0];
	_ =	sdelay $0x2  }
0xb8: {  	s31 =	sshll.u32 s1, $0xD;
	s1 =	sshrl.u32 s1, $0x2  }
0xb9: {  	s3 =	sand.u32 $0x4000, s31;
	s1 =	sadd.s32 s1, s30  }
0xba: {  	s0 =	sor.u32 s3, s0;
	s1 =	sshll.u32 s1, $0x11  }
0xbb: {  	s0 =	sor.u32 s1, s0  }
0xbc: {  	s0 =	sadd.s32 $0x8F2B, s0  }
0xbd: {  	[sflag:s0] =	ssyncadd.remote.s32 $0x1  }
0xbe: {  	_ =	sfence.sel $0xFFFF  }
0xbf: {  	[dreg:$0x0] =	wrdreg $0xFFFFFFFF;
	(pc) =	sbr.abs _section_cstart, $3  }
0xc0: {  	[dreg:$0x1] =	wrdreg $0xFFFFFFFF  }
0xc1: {  	_ =	task.clear_ibuf [dreg:s6], $0x2FFFF;
	_ =	strace $0x9FFFFFFF  }
0xc2: {  	(tm) =	ssettm $0x7FFFFFFF  }
0xc3: {  	_ =	shalt  }
tec
execute0_lowered:
.L_overlay_start_1:
0x0: {  	(tag) =	ssettag $0x1  }
0x1: {  	s7 =	rddreg [dreg:$0x0]  }
0x2: {  	s0 =	srdreg.scid;
	s1 =	rddreg [dreg:$0x1]  }
0x3: {  	s3 =	simm.s32 $0x0;
	s2 =	stileid.u32;
	s15 =	simm.s32 $0x80  }
0x4: {  	s16 =	simm.s32 $0x2800;
	s17 =	simm.s32 $0x1;
	s18 =	simm.s32 $0x6800  }
0x5: {  	s19 =	simm.s32 $0x2;
	s20 =	simm.s32 $0x1380;
	s21 =	simm.s32 $0x2700  }
0x6: {  	s8 =	sand.u32 $0x1, s0;
	s0 =	rddreg [dreg:$0x2];
	s6 =	smul.u32 $0x14000, s2  }
0x7: {  	s22 =	simm.s32 $0x2780;
	[smem:$0x7FF] =	sst s3;
	s11 =	smul.u32 $0x50000, s2  }
0x8: {  	s12 =	sshll.u32 s2, $0x6;
	s4 =	smul.u32 $0x27100, s8;
	s31 =	ssub.s32 $0x2, s8  }
0x9: {  	s5 =	smul.u32 $0x140000, s8;
	_ =	strace $0x8000004A;
	s8 =	sshrl.u32 s31, $0x1  }
0xa: {  	s11 =	sshrl.u32 s11, $0x2;
	s9 =	sadd.s32 s4, s7;
	s4 =	sadd.s32 $0x61C00, s7  }
0xb: {  	s6 =	sadd.s32 s6, s5;
	s5 =	sadd.s32 $0x4C00, s7;
	s13 =	ssub.s32 s31, s8  }
0xc: {  	s14 =	sadd.s32 s11, s1;
	s8 =	smul.u32 $0x5000, s2;
	s10 =	sshrl.u32 s6, $0x3  }
0xd: {  	s6 =	sadd.s32 $0xEC00, s7;
	s9 =	sadd.s32 $0x6BC00, s9;
	s11 =	smax.u32 s13, $0x1  }
0xe: {  	s13 =	simm.s32 $0x3;
	s10 =	sadd.s32 s10, s7;
	s7 =	sor.u32 $0x1C03, s12  }
0xf: {  	s12 =	sshrl.u32 s14, $0x3;
	s14 =	simm.s32 $0x1400;
	s10 =	sadd.s32 $0xB9E00, s10  }
.LBB2_1:
0x10: {  	[spmem:s12], [sflag:s7] =	dma.local [hbm:s6], $0x2800  }
0x11: {  	_ =	swait.ge [sflag:s13], $0x2800  }
0x12: {  	[sflag:s13] =	ssyncset.done $0x0  }
0x13: {  	[sflag:s13] =	ssyncadd.s32 $0xFFFFD800  }
0x14: {  	s23 =	simm.s32 $0x0;
	[bflag:$0x0] =	sbarrier.arrive $0xFFFF  }
.LBB2_2:
0x15: {  	s24 =	smul.u32 $0x1400, s23;
	_ =	sdelay $0x1  }
0x16: {  	s24 =	sadd.s32 s8, s24  }
0x17: {  	s24 =	sshrl.u32 s24, $0x3  }
0x18: {  	s26 =	simm.s32 $0x0;
	s25 =	sadd.s32 s4, s24  }
0x19: {  	[tilespmem:s26], [sflag:$0x3] =	stream.linear.gather [hbm4b:s25+s26], $0x1400, $0x38;
	[tilespmem:$0x1E800] =	vst v63  }
0x1a: {  	_ =	swait.ge [sflag:s13], $0x1400  }
0x1b: {  	[sflag:s13] =	ssyncset.done $0x0  }
0x1c: {  	s24 =	sadd.s32 s5, s24;
	[sflag:s13] =	ssyncadd.s32 $0xFFFFEC00  }
0x1d: {  	[tilespmem:s14], [sflag:$0x3] =	stream.linear.gather [hbm4b:s24+s26], $0x1400, $0x38;
	[tilespmem:$0x1E800] =	vst v63  }
0x1e: {  	_ =	swait.ge [sflag:s13], $0x1400  }
0x1f: {  	[sflag:s13] =	ssyncset.done $0x0  }
0x20: {  	[sflag:s13] =	ssyncadd.s32 $0xFFFFEC00  }
0x21: {  	[tilespmem:s16], [sflag:$0x1] =	stream.indirect.gather [hbm4b:s9+s15], $0x80, s26, s15, $0xb8;
	[tilespmem:$0x1E800] =	vst v63  }
0x22: {  	_ =	swait.ge [sflag:s17], $0x4000  }
0x23: {  	[sflag:s17] =	ssyncset.done $0x0  }
0x24: {  	s28 =	simm.s32 $0x80;
	[sflag:s17] =	ssyncadd.s32 $0xFFFFC000  }
0x25: {  	[tilespmem:s18], [sflag:$0x2] =	stream.indirect.gather [hbm4b:s9+s15], $0x80, s28, s15, $0xb8;
	[tilespmem:$0x1E800] =	vst v63  }
0x26: {  	s29 =	simm.s32 $0x1400  }
0x27: {  	[spmem:s1] =	stream.indirect.scatter.add.f32 [tilespmem:s16], [sflag:$0x3], $0x80, s29, s15, $0xb8;
	[tilespmem:$0x1E800] =	vst v63  }
0x28: {  	_ =	swait.ge [sflag:s13], $0x4000  }
0x29: {  	[sflag:s13] =	ssyncset.done $0x0  }
0x2a: {  	[sflag:s13] =	ssyncadd.s32 $0xFFFFC000  }
0x2b: {  	_ =	swait.ge [sflag:s19], $0x4000  }
0x2c: {  	[sflag:s19] =	ssyncset.done $0x0  }
0x2d: {  	s30 =	simm.s32 $0x100;
	[sflag:s19] =	ssyncadd.s32 $0xFFFFC000  }
0x2e: {  	[tilespmem:s16], [sflag:$0x1] =	stream.indirect.gather [hbm4b:s9+s15], $0x80, s30, s15, $0xb8;
	[tilespmem:$0x1E800] =	vst v63  }
0x2f: {  	s31 =	simm.s32 $0x1480  }
0x30: {  	[spmem:s1] =	stream.indirect.scatter.add.f32 [tilespmem:s18], [sflag:$0x3], $0x80, s31, s15, $0xb8;
	[tilespmem:$0x1E800] =	vst v63  }
0x31: {  	_ =	swait.ge [sflag:s13], $0x4000  }
0x32: {  	s24 =	simm.s32 $0x400;
	[sflag:s13] =	ssyncset.done $0x0  }
.LBB2_3:
0x33: {  	p0 =	sne.s32 s24, $0x4800  }
0x34: {  	[sflag:s13] =	ssyncadd.s32 $0xFFFFC000;
	s25 =	smov.u32 s24;
	s24 =	sadd.s32 $0x400, s24  }
0x35: {  	_ = 	snop  }
0x36: {  	_ =	swait.ge [sflag:s17], $0x4000  }
0x37: {  	s25 =	sshra.s32 s25, $0x2;
	[sflag:s17] =	ssyncset.done $0x0  }
0x38: {  	s26 =	sadd.s32 $0x80, s25;
	[sflag:s17] =	ssyncadd.s32 $0xFFFFC000  }
0x39: {  	[tilespmem:s18], [sflag:$0x2] =	stream.indirect.gather [hbm4b:s9+s15], $0x80, s26, s15, $0xb8;
	[tilespmem:$0x1E800] =	vst v63  }
0x3a: {  	s26 =	sadd.s32 $0x1400, s25  }
0x3b: {  	[spmem:s1] =	stream.indirect.scatter.add.f32 [tilespmem:s16], [sflag:$0x3], $0x80, s26, s15, $0xb8;
	[tilespmem:$0x1E800] =	vst v63  }
0x3c: {  	_ =	swait.ge [sflag:s13], $0x4000  }
0x3d: {  	[sflag:s13] =	ssyncset.done $0x0  }
0x3e: {  	[sflag:s13] =	ssyncadd.s32 $0xFFFFC000  }
0x3f: {  	_ =	swait.ge [sflag:s19], $0x4000  }
0x40: {  	[sflag:s19] =	ssyncset.done $0x0  }
0x41: {  	s26 =	sadd.s32 $0x100, s25;
	[sflag:s19] =	ssyncadd.s32 $0xFFFFC000  }
0x42: {  	[tilespmem:s16], [sflag:$0x1] =	stream.indirect.gather [hbm4b:s9+s15], $0x80, s26, s15, $0xb8;
	[tilespmem:$0x1E800] =	vst v63  }
.Ltmp0:
0x43: {  	_ = 	snop;
	(pc) =	sbr.rel @p0 .LBB2_3-.Ltmp0, $4  }
0x44: {  	s25 =	sadd.s32 $0x1480, s25  }
0x45: {  	[spmem:s1] =	stream.indirect.scatter.add.f32 [tilespmem:s18], [sflag:$0x3], $0x80, s25, s15, $0xb8;
	[tilespmem:$0x1E800] =	vst v63  }
0x46: {  	_ =	swait.ge [sflag:s13], $0x4000  }
0x47: {  	[sflag:s13] =	ssyncset.done $0x0  }
0x48: {  	[sflag:s13] =	ssyncadd.s32 $0xFFFFC000  }
0x49: {  	_ =	swait.ge [sflag:s17], $0x4000  }
0x4a: {  	[sflag:s17] =	ssyncset.done $0x0  }
0x4b: {  	[sflag:s17] =	ssyncadd.s32 $0xFFFFC000  }
0x4c: {  	[tilespmem:s18], [sflag:$0x2] =	stream.indirect.gather [hbm4b:s9+s15], $0x80, s20, s15, $0xb8;
	[tilespmem:$0x1E800] =	vst v63  }
0x4d: {  	_ = 	snop  }
0x4e: {  	[spmem:s1] =	stream.indirect.scatter.add.f32 [tilespmem:s16], [sflag:$0x3], $0x80, s21, s15, $0xb8;
	[tilespmem:$0x1E800] =	vst v63  }
0x4f: {  	_ =	swait.ge [sflag:s13], $0x4000  }
0x50: {  	[sflag:s13] =	ssyncset.done $0x0  }
0x51: {  	[sflag:s13] =	ssyncadd.s32 $0xFFFFC000  }
0x52: {  	s23 =	sadd.s32 $0x1, s23;
	_ =	swait.ge [sflag:s19], $0x4000  }
0x53: {  	p0 =	sne.s32 s23, $0x4;
	[sflag:s19] =	ssyncset.done $0x0  }
.Ltmp1:
0x54: {  	[sflag:s19] =	ssyncadd.s32 $0xFFFFC000;
	(pc) =	sbr.rel @p0 .LBB2_2-.Ltmp1, $4  }
0x55: {  	[spmem:s1] =	stream.indirect.scatter.add.f32 [tilespmem:s18], [sflag:$0x3], $0x80, s22, s15, $0xb8;
	[tilespmem:$0x1E800] =	vst v63  }
0x56: {  	_ =	swait.ge [sflag:s13], $0x4000  }
0x57: {  	[sflag:s13] =	ssyncset.done $0x0  }
0x58: {  	[sflag:s13] =	ssyncadd.s32 $0xFFFFC000  }
0x59: {  	s3 =	sadd.s32 $0x1, s3  }
0x5a: {  	p0 =	sne.s32 s3, s11  }
.Ltmp2:
0x5b: {  	[bflag:$0x0] =	sbarrier.arrive $0xFFFF;
	(pc) =	sbr.rel @p0 .LBB2_1-.Ltmp2, $4  }
0x5c: {  	[hbm:s10], [sflag:s7] =	dma.local [spmem:s12], $0x2800  }
0x5d: {  	_ =	swait.ge [sflag:s13], $0x2800  }
0x5e: {  	[sflag:s13] =	ssyncset.done $0x0  }
0x5f: {  	[sflag:s13] =	ssyncadd.s32 $0xFFFFD800  }
0x60: {  	_ =	sfence.sel $0x180000  }
0x61: {  	[bflag:$0x0] =	sbarrier.arrive $0xFFFF  }
0x62: {  	p0 =	sne.s32 s2, $0x0;
	_ =	strace $0x9000004A  }
0x63: {  	s0 =	sadd.s32 @!p0 $0x100000, s0;
	[bflag:$0x2] =	sbarrier.arrive $0xFFFF  }
0x64: {  	[sflag:s0] =	ssyncadd.tile.s32 @!p0 $0x1;
	_ =	shalt  }
.Lfunc_end2:
_tile_overlayer_lowered:
.L_overlay_start_2:
0x65: {  	(tag) =	ssettag $0x2  }
0x66: {  	s0 =	rddreg [dreg:$0x0];
	s2 =	stileid.u32  }
0x67: {  	s1 =	rddreg [dreg:$0x1];
	p0 =	sne.s32 s2, $0x0  }
0x68: {  	s3 =	rddreg [dreg:$0x2];
	[bflag:$0x3] =	sbarrier.arrive $0xFFFF;
	s2 =	simm.s32 @!p0 $0x1C03  }
0x69: {  	[timem:s3], [sflag:s2] =	dma.local @!p0 [hbm:s0], s1  }
0x6a: {  	s0 =	simm.s32 @!p0 $0x3  }
0x6b: {  	_ =	swait.ge @!p0 [sflag:s0], s1  }
0x6c: {  	s1 =	ssub.s32 @!p0 $0x0, s1;
	[sflag:s0] =	ssyncset.done @!p0 $0x0  }
0x6d: {  	[sflag:s0] =	ssyncadd.s32 @!p0 s1  }
0x6e: {  	[bflag:$0x3] =	sbarrier.arrive $0xFFFF  }
0x6f: {  	_ =	shalt  }

// kernel: kernel.20.cloned.1.call-start
scs
__scs_entry_jumppad:
0x0: {  	(pc) =	sbr.rel $0x88, $3  }
0x1: {  	(tag) =	ssettag $0x0;
	lr =	simm.s32 $0x1  }
0x2: {  	[smem:$0x3F93] =	sst lr;
	_ =	strace $0xD0000000  }
0x3: {  	_ = 	snop  }
0x4: {  	_ = 	snop  }
0x5: {  	_ = 	snop  }
0x6: {  	_ = 	snop  }
0x7: {  	_ = 	snop  }
__scs_overlays_trampoline_lowered:
0x8: {  	[smem:$0x3FA2] =	sst s0  }
0x9: {  	[smem:$0x3FA3] =	sst s1  }
0xa: {  	[smem:$0x3FA4] =	sst s2  }
0xb: {  	[smem:$0x3FA5] =	sst s3  }
0xc: {  	[smem:$0x3FA6] =	sst s4  }
0xd: {  	[smem:$0x3FA7] =	sst s5  }
0xe: {  	[smem:$0x3FA8] =	sst s6  }
0xf: {  	[smem:$0x3FA9] =	sst s7  }
0x10: {  	[smem:$0x3FAA] =	sst s8  }
0x11: {  	[smem:$0x3FAB] =	sst s9;
	s0 =	simm.s32 @!p0 $0x0  }
0x12: {  	s1 =	sld [smem:$0x3F91];
	s0 =	simm.s32 @p0 $0x1  }
0x13: {  	[smem:$0x3FAC] =	sst s0;
	s0 =	simm.s32 @!p1 $0x0  }
0x14: {  	s2 =	sld [smem:$0x3F90];
	s0 =	simm.s32 @p1 $0x1  }
0x15: {  	[smem:$0x3FAD] =	sst s0;
	s0 =	simm.s32 @!p2 $0x0  }
0x16: {  	s3 =	sld [smem:$0x3FDB];
	s0 =	simm.s32 @p2 $0x1  }
0x17: {  	s4 =	simm.s32 $0x1BF5;
	[smem:$0x3FAF] =	sst s0  }
0x18: {  	s0 =	sld [smem:$0x3F92];
	_ =	swait.ge [sflag:s4], $0x0  }
0x19: {  	s7 =	sld [smem:$0x3F93]  }
0x1a: {  	s8 =	sadd.s32 $0xFFFFE003, lr  }
0x1b: {  	s9 =	sadd.s32 $0xFFFFFEF7, lr;
	s5 =	simm.s32 $0xFFFFFFFF;
	p2 =	slt.u32 s8, $0xFFFFF086  }
0x1c: {  	p1 =	slt.u32 s9, $0xF7A;
	s5 =	simm.s32 @!p2 $0x0  }
0x1d: {  	s5 =	simm.s32 @p1 $0x1;
	p0 =	seq.s32 s7, s2  }
0x1e: {  	s7 =	smul.u32 @!p0 $0xF7A, s2;
	p2 =	seq.s32 @!p0 s5, $0x0  }
0x1f: {  	s9 =	smul.u32 $0xF7A, s1;
	s8 =	simm.s32 @!p0 $0x1BF5;
	p2 =	por !p2, p0  }
0x20: {  	[sflag:s8] =	ssyncset.s32 @!p0 $0xFFFFF086;
	s6 =	sadd.s32 @!p0 s3, s7;
	s7 =	simm.s32 @!p0 $0x108  }
0x21: {  	s3 =	sadd.s32 s3, s9;
	s6 =	sadd.s32 @!p0 $0x88, s6;
	s7 =	simm.s32 @p2 $0x1082  }
0x22: {  	[simem:s7], [sflag:s8] =	dma.local @!p0 [hbm:s6], $0xF7A  }
0x23: {  	s9 =	sor.u32 $0xD0000000, s2;
	s6 =	simm.s32 $0x108;
	_ =	swait.ge @!p0 [sflag:s8], $0x0  }
0x24: {  	s3 =	sadd.s32 $0x88, s3;
	s6 =	simm.s32 @!p1 $0x1082;
	[sflag:s4] =	ssyncset.s32 $0xFFFFF086  }
0x25: {  	[simem:s6], [sflag:s4] =	dma.local [hbm:s3], $0xF7A  }
0x26: {  	[smem:$0x3F93] =	sst s1;
	(tag) =	ssettag s2;
	_ =	strace s9  }
0x27: {  	s1 =	sld [smem:$0x3FA3]  }
0x28: {  	s2 =	sld [smem:$0x3FA4]  }
0x29: {  	s4 =	sld [smem:$0x3FA6]  }
0x2a: {  	p0 =	seq.s32 s5, $0x0;
	s5 =	sld [smem:$0x3FA7]  }
0x2b: {  	s6 =	sld [smem:$0x3FA8]  }
0x2c: {  	s7 =	sld [smem:$0x3FA9]  }
0x2d: {  	s3 =	simm.s32 $0x108;
	s8 =	sld [smem:$0x3FAA]  }
0x2e: {  	s3 =	simm.s32 @!p0 $0x1082;
	s9 =	sld [smem:$0x3FAB]  }
0x2f: {  	lr =	sadd.s32 s0, s3;
	s0 =	sld [smem:$0x3FA2]  }
0x30: {  	s3 =	sld [smem:$0x3FA5]  }
0x31: {  	[smem:$0x3FAE] =	sst s10  }
0x32: {  	s10 =	sld [smem:$0x3FAC];
	_ =	sdelay $0x3  }
0x33: {  	p0 =	seq.s32 s10, $0x1;
	s10 =	sld [smem:$0x3FAE];
	_ =	sdelay $0x3  }
0x34: {  	[smem:$0x3FAE] =	sst s10  }
0x35: {  	s10 =	sld [smem:$0x3FAD];
	_ =	sdelay $0x3  }
0x36: {  	p1 =	seq.s32 s10, $0x1;
	s10 =	sld [smem:$0x3FAE];
	_ =	sdelay $0x3  }
0x37: {  	[smem:$0x3FAE] =	sst s10  }
0x38: {  	s10 =	sld [smem:$0x3FAF]  }
0x39: {  	_ = 	snop;
	(pc) =	sbr.ind lr, $3  }
0x3a: {  	_ = 	snop  }
0x3b: {  	_ = 	snop  }
0x3c: {  	p2 =	seq.s32 s10, $0x1;
	s10 =	sld [smem:$0x3FAE]  }
0x3d: {  	_ =	shalt  }
0x3e: {  	_ =	shalt  }
0x3f: {  	_ =	shalt  }
0x40: {  	_ =	shalt  }
0x41: {  	_ =	shalt  }
0x42: {  	_ =	shalt  }
0x43: {  	_ =	shalt  }
0x44: {  	_ =	shalt  }
0x45: {  	_ =	shalt  }
0x46: {  	_ =	shalt  }
0x47: {  	_ =	shalt  }
0x48: {  	_ =	shalt  }
0x49: {  	_ =	shalt  }
0x4a: {  	_ =	shalt  }
0x4b: {  	_ =	shalt  }
0x4c: {  	_ =	shalt  }
0x4d: {  	_ =	shalt  }
0x4e: {  	_ =	shalt  }
0x4f: {  	_ =	shalt  }
0x50: {  	_ =	shalt  }
0x51: {  	_ =	shalt  }
0x52: {  	_ =	shalt  }
0x53: {  	_ =	shalt  }
0x54: {  	_ =	shalt  }
0x55: {  	_ =	shalt  }
0x56: {  	_ =	shalt  }
0x57: {  	_ =	shalt  }
0x58: {  	_ =	shalt  }
0x59: {  	_ =	shalt  }
0x5a: {  	_ =	shalt  }
0x5b: {  	_ =	shalt  }
0x5c: {  	_ =	shalt  }
0x5d: {  	_ =	shalt  }
0x5e: {  	_ =	shalt  }
0x5f: {  	_ =	shalt  }
0x60: {  	_ =	shalt  }
0x61: {  	_ =	shalt  }
0x62: {  	_ =	shalt  }
0x63: {  	_ =	shalt  }
0x64: {  	_ =	shalt  }
0x65: {  	_ =	shalt  }
0x66: {  	_ =	shalt  }
0x67: {  	_ =	shalt  }
0x68: {  	_ =	shalt  }
0x69: {  	_ =	shalt  }
0x6a: {  	_ =	shalt  }
0x6b: {  	_ =	shalt  }
0x6c: {  	_ =	shalt  }
0x6d: {  	_ =	shalt  }
0x6e: {  	_ =	shalt  }
0x6f: {  	_ =	shalt  }
0x70: {  	_ =	shalt  }
0x71: {  	_ =	shalt  }
0x72: {  	_ =	shalt  }
0x73: {  	_ =	shalt  }
0x74: {  	_ =	shalt  }
0x75: {  	_ =	shalt  }
0x76: {  	_ =	shalt  }
0x77: {  	_ =	shalt  }
0x78: {  	_ =	shalt  }
0x79: {  	_ =	shalt  }
0x7a: {  	_ =	shalt  }
0x7b: {  	_ =	shalt  }
0x7c: {  	_ =	shalt  }
0x7d: {  	_ =	shalt  }
0x7e: {  	_ =	shalt  }
0x7f: {  	_ =	shalt  }
0x80: {  	_ =	shalt  }
0x81: {  	_ =	shalt  }
0x82: {  	_ =	shalt  }
0x83: {  	_ =	shalt  }
0x84: {  	_ =	shalt  }
0x85: {  	_ =	shalt  }
0x86: {  	_ =	shalt  }
0x87: {  	_ =	shalt  }
.Lfunc_end0:
.L_simem_size_0:
called_computation.2_lowered:
.L_overlay_start_0:
0x88: {  	s2 =	sld [smem:$0x3FD9]  }
0x89: {  	s3 =	sld [smem:$0x3FFE];
	_ =	sdelay $0x1  }
0x8a: {  	s1 =	srdreg.scid  }
0x8b: {  	s0 =	sand.u32 $0x1, s1  }
0x8c: {  	s16 =	sshll.u32 s0, $0xA;
	s2 =	sadd.s32 s3, s2  }
0x8d: {  	s2 =	sadd.s32 s2, s16  }
0x8e: {  	[smem:$0x3FBA] =	sst s2  }
0x8f: {  	_ = 	snop  }
0x90: {  	(tm) =	ssettm $0x1  }
0x91: {  	s17 =	sld [smem:$0x3FFB];
	_ =	sdelay $0x3  }
0x92: {  	_ =	strace s17  }
0x93: {  	s2 =	sld [smem:$0x3FFC];
	_ =	sdelay $0x3  }
0x94: {  	_ =	strace s2  }
0x95: {  	s2 =	sld [smem:$0x3FFD];
	_ =	sdelay $0x3  }
0x96: {  	_ =	strace s2  }
0x97: {  	_ =	strace $0x8FFFFFFF  }
0x98: {  	s18 =	sld [smem:$0x3FDB];
	_ =	sdelay $0x1  }
0x99: {  	s19 =	simm.s32 $_scs_section_size  }
0x9a: {  	s4 =	simm.s32 $_size__tile_overlayer_lowered;
	s5 =	simm.s32 $_tile_overlayer_lowered  }
0x9b: {  	s22 =	simm.s32 $0x1BFF;
	s21 =	sshll.u32 s5, $0x1;
	s2 =	sadd.s32 s19, s18  }
0x9c: {  	s6 =	simm.s32 $0x0;
	s20 =	sshll.u32 s4, $0x1;
	s4 =	sadd.s32 s21, s2  }
0x9d: {  	[timem:s6], [sflag:s22] =	dma.local [hbm:s4], s20  }
0x9e: {  	_ =	swait.ge [sflag:s22], s20  }
0x9f: {  	s3 =	ssub.s32 $0x0, s20;
	[sflag:s22] =	ssyncset.done $0x0  }
0xa0: {  	[sflag:s22] =	ssyncadd.s32 s3;
	_ =	sdelay $0x1  }
0xa1: {  	s23 =	simm.s32 $0x1B8B  }
0xa2: {  	_ =	swait.ge [sflag:s23], $0x1  }
0xa3: {  	[sflag:s23] =	ssyncset.done $0x0  }
0xa4: {  	s25 =	simm.s32 $0x1B8E;
	s24 =	sld [smem:$0x3FFE];
	[sflag:s23] =	ssyncadd.s32 $0xFFFFFFFF  }
0xa5: {  	s26 =	simm.s32 $execute0_lowered;
	[smem:$0x3FD2] =	sst s25  }
0xa6: {  	s4 =	sshll.u32 s26, $0x1;
	_ =	strace $0x8000004C;
	[dreg:$0x1] =	wrdreg $0xFFFFFFFF  }
0xa7: {  	s28 =	simm.s32 $_size_execute0_lowered;
	s2 =	sadd.s32 s2, s4;
	[dreg:$0x0] =	wrdreg $0x0  }
0xa8: {  	s4 =	sshll.u32 s28, $0x1;
	[dreg:$0x2] =	wrdreg s2  }
0xa9: {  	[dreg:$0x3] =	wrdreg s4  }
0xaa: {  	[dreg:$0x4] =	wrdreg $0xC0  }
0xab: {  	_ =	task [dreg:s6], $0x5FFFF  }
0xac: {  	[dreg:$0x1] =	wrdreg $0xFFFFFFFF  }
0xad: {  	[dreg:$0x0] =	wrdreg $0x60  }
0xae: {  	[dreg:$0x2] =	wrdreg s24  }
0xaf: {  	[dreg:$0x3] =	wrdreg $0xA8000  }
0xb0: {  	[dreg:$0x4] =	wrdreg $0x9  }
0xb1: {  	_ =	task.clear_ibuf [dreg:s6], $0x5FFFF;
	_ =	strace $0x9000004C  }
0xb2: {  	s29 =	simm.s32 $0x9;
	_ =	strace $0x8000004E  }
0xb3: {  	_ =	swait.ge [sflag:s29], $0x1  }
0xb4: {  	[sflag:s29] =	ssyncadd.s32 $0xFFFFFFFF  }
0xb5: {  	_ =	strace $0x9000004E  }
0xb6: {  	_ =	sfence  }
0xb7: {  	s30 =	sld [smem:$0x0];
	_ =	sdelay $0x2  }
0xb8: {  	s31 =	sshll.u32 s1, $0xD;
	s1 =	sshrl.u32 s1, $0x2  }
0xb9: {  	s3 =	sand.u32 $0x4000, s31;
	s1 =	sadd.s32 s1, s30  }
0xba: {  	s0 =	sor.u32 s3, s0;
	s1 =	sshll.u32 s1, $0x11  }
0xbb: {  	s0 =	sor.u32 s1, s0  }
0xbc: {  	s0 =	sadd.s32 $0x8F2B, s0  }
0xbd: {  	[sflag:s0] =	ssyncadd.remote.s32 $0x1  }
0xbe: {  	_ =	sfence.sel $0xFFFF  }
0xbf: {  	[dreg:$0x0] =	wrdreg $0xFFFFFFFF;
	(pc) =	sbr.abs _section_cstart, $3  }
0xc0: {  	[dreg:$0x1] =	wrdreg $0xFFFFFFFF  }
0xc1: {  	_ =	task.clear_ibuf [dreg:s6], $0x2FFFF;
	_ =	strace $0x9FFFFFFF  }
0xc2: {  	(tm) =	ssettm $0x7FFFFFFF  }
0xc3: {  	_ =	shalt  }
tec
execute0_lowered:
.L_overlay_start_1:
0x0: {  	(tag) =	ssettag $0x1  }
0x1: {  	s7 =	rddreg [dreg:$0x0]  }
0x2: {  	s0 =	srdreg.scid;
	s1 =	rddreg [dreg:$0x1]  }
0x3: {  	s3 =	simm.s32 $0x0;
	s2 =	stileid.u32;
	s15 =	simm.s32 $0x80  }
0x4: {  	s16 =	simm.s32 $0x2800;
	s17 =	simm.s32 $0x1;
	s18 =	simm.s32 $0x6800  }
0x5: {  	s19 =	simm.s32 $0x2;
	s20 =	simm.s32 $0x1380;
	s21 =	simm.s32 $0x2700  }
0x6: {  	s8 =	sand.u32 $0x1, s0;
	s0 =	rddreg [dreg:$0x2];
	s6 =	smul.u32 $0x14000, s2  }
0x7: {  	s22 =	simm.s32 $0x2780;
	[smem:$0x7FF] =	sst s3;
	s11 =	smul.u32 $0x50000, s2  }
0x8: {  	s12 =	sshll.u32 s2, $0x6;
	s4 =	smul.u32 $0x27100, s8;
	s31 =	ssub.s32 $0x2, s8  }
0x9: {  	s5 =	smul.u32 $0x140000, s8;
	_ =	strace $0x8000004D;
	s8 =	sshrl.u32 s31, $0x1  }
0xa: {  	s11 =	sshrl.u32 s11, $0x2;
	s9 =	sadd.s32 s4, s7;
	s4 =	sadd.s32 $0x61C00, s7  }
0xb: {  	s6 =	sadd.s32 s6, s5;
	s5 =	sadd.s32 $0x4C00, s7;
	s13 =	ssub.s32 s31, s8  }
0xc: {  	s14 =	sadd.s32 s11, s1;
	s8 =	smul.u32 $0x5000, s2;
	s10 =	sshrl.u32 s6, $0x3  }
0xd: {  	s6 =	sadd.s32 $0xEC00, s7;
	s9 =	sadd.s32 $0x6BC00, s9;
	s11 =	smax.u32 s13, $0x1  }
0xe: {  	s13 =	simm.s32 $0x3;
	s10 =	sadd.s32 s10, s7;
	s7 =	sor.u32 $0x1C03, s12  }
0xf: {  	s12 =	sshrl.u32 s14, $0x3;
	s14 =	simm.s32 $0x1400;
	s10 =	sadd.s32 $0xB9E00, s10  }
.LBB2_1:
0x10: {  	[spmem:s12], [sflag:s7] =	dma.local [hbm:s6], $0x2800  }
0x11: {  	_ =	swait.ge [sflag:s13], $0x2800  }
0x12: {  	[sflag:s13] =	ssyncset.done $0x0  }
0x13: {  	[sflag:s13] =	ssyncadd.s32 $0xFFFFD800  }
0x14: {  	s23 =	simm.s32 $0x0;
	[bflag:$0x0] =	sbarrier.arrive $0xFFFF  }
.LBB2_2:
0x15: {  	s24 =	smul.u32 $0x1400, s23;
	_ =	sdelay $0x1  }
0x16: {  	s24 =	sadd.s32 s8, s24  }
0x17: {  	s24 =	sshrl.u32 s24, $0x3  }
0x18: {  	s26 =	simm.s32 $0x0;
	s25 =	sadd.s32 s4, s24  }
0x19: {  	[tilespmem:s26], [sflag:$0x3] =	stream.linear.gather [hbm4b:s25+s26], $0x1400, $0x38;
	[tilespmem:$0x1E800] =	vst v63  }
0x1a: {  	_ =	swait.ge [sflag:s13], $0x1400  }
0x1b: {  	[sflag:s13] =	ssyncset.done $0x0  }
0x1c: {  	s24 =	sadd.s32 s5, s24;
	[sflag:s13] =	ssyncadd.s32 $0xFFFFEC00  }
0x1d: {  	[tilespmem:s14], [sflag:$0x3] =	stream.linear.gather [hbm4b:s24+s26], $0x1400, $0x38;
	[tilespmem:$0x1E800] =	vst v63  }
0x1e: {  	_ =	swait.ge [sflag:s13], $0x1400  }
0x1f: {  	[sflag:s13] =	ssyncset.done $0x0  }
0x20: {  	[sflag:s13] =	ssyncadd.s32 $0xFFFFEC00  }
0x21: {  	[tilespmem:s16], [sflag:$0x1] =	stream.indirect.gather [hbm4b:s9+s15], $0x80, s26, s15, $0xb8;
	[tilespmem:$0x1E800] =	vst v63  }
0x22: {  	_ =	swait.ge [sflag:s17], $0x4000  }
0x23: {  	[sflag:s17] =	ssyncset.done $0x0  }
0x24: {  	s28 =	simm.s32 $0x80;
	[sflag:s17] =	ssyncadd.s32 $0xFFFFC000  }
0x25: {  	[tilespmem:s18], [sflag:$0x2] =	stream.indirect.gather [hbm4b:s9+s15], $0x80, s28, s15, $0xb8;
	[tilespmem:$0x1E800] =	vst v63  }
0x26: {  	s29 =	simm.s32 $0x1400  }
0x27: {  	[spmem:s1] =	stream.indirect.scatter.add.f32 [tilespmem:s16], [sflag:$0x3], $0x80, s29, s15, $0xb8;
	[tilespmem:$0x1E800] =	vst v63  }
0x28: {  	_ =	swait.ge [sflag:s13], $0x4000  }
0x29: {  	[sflag:s13] =	ssyncset.done $0x0  }
0x2a: {  	[sflag:s13] =	ssyncadd.s32 $0xFFFFC000  }
0x2b: {  	_ =	swait.ge [sflag:s19], $0x4000  }
0x2c: {  	[sflag:s19] =	ssyncset.done $0x0  }
0x2d: {  	s30 =	simm.s32 $0x100;
	[sflag:s19] =	ssyncadd.s32 $0xFFFFC000  }
0x2e: {  	[tilespmem:s16], [sflag:$0x1] =	stream.indirect.gather [hbm4b:s9+s15], $0x80, s30, s15, $0xb8;
	[tilespmem:$0x1E800] =	vst v63  }
0x2f: {  	s31 =	simm.s32 $0x1480  }
0x30: {  	[spmem:s1] =	stream.indirect.scatter.add.f32 [tilespmem:s18], [sflag:$0x3], $0x80, s31, s15, $0xb8;
	[tilespmem:$0x1E800] =	vst v63  }
0x31: {  	_ =	swait.ge [sflag:s13], $0x4000  }
0x32: {  	s24 =	simm.s32 $0x400;
	[sflag:s13] =	ssyncset.done $0x0  }
.LBB2_3:
0x33: {  	p0 =	sne.s32 s24, $0x4800  }
0x34: {  	[sflag:s13] =	ssyncadd.s32 $0xFFFFC000;
	s25 =	smov.u32 s24;
	s24 =	sadd.s32 $0x400, s24  }
0x35: {  	_ = 	snop  }
0x36: {  	_ =	swait.ge [sflag:s17], $0x4000  }
0x37: {  	s25 =	sshra.s32 s25, $0x2;
	[sflag:s17] =	ssyncset.done $0x0  }
0x38: {  	s26 =	sadd.s32 $0x80, s25;
	[sflag:s17] =	ssyncadd.s32 $0xFFFFC000  }
0x39: {  	[tilespmem:s18], [sflag:$0x2] =	stream.indirect.gather [hbm4b:s9+s15], $0x80, s26, s15, $0xb8;
	[tilespmem:$0x1E800] =	vst v63  }
0x3a: {  	s26 =	sadd.s32 $0x1400, s25  }
0x3b: {  	[spmem:s1] =	stream.indirect.scatter.add.f32 [tilespmem:s16], [sflag:$0x3], $0x80, s26, s15, $0xb8;
	[tilespmem:$0x1E800] =	vst v63  }
0x3c: {  	_ =	swait.ge [sflag:s13], $0x4000  }
0x3d: {  	[sflag:s13] =	ssyncset.done $0x0  }
0x3e: {  	[sflag:s13] =	ssyncadd.s32 $0xFFFFC000  }
0x3f: {  	_ =	swait.ge [sflag:s19], $0x4000  }
0x40: {  	[sflag:s19] =	ssyncset.done $0x0  }
0x41: {  	s26 =	sadd.s32 $0x100, s25;
	[sflag:s19] =	ssyncadd.s32 $0xFFFFC000  }
0x42: {  	[tilespmem:s16], [sflag:$0x1] =	stream.indirect.gather [hbm4b:s9+s15], $0x80, s26, s15, $0xb8;
	[tilespmem:$0x1E800] =	vst v63  }
.Ltmp0:
0x43: {  	_ = 	snop;
	(pc) =	sbr.rel @p0 .LBB2_3-.Ltmp0, $4  }
0x44: {  	s25 =	sadd.s32 $0x1480, s25  }
0x45: {  	[spmem:s1] =	stream.indirect.scatter.add.f32 [tilespmem:s18], [sflag:$0x3], $0x80, s25, s15, $0xb8;
	[tilespmem:$0x1E800] =	vst v63  }
0x46: {  	_ =	swait.ge [sflag:s13], $0x4000  }
0x47: {  	[sflag:s13] =	ssyncset.done $0x0  }
0x48: {  	[sflag:s13] =	ssyncadd.s32 $0xFFFFC000  }
0x49: {  	_ =	swait.ge [sflag:s17], $0x4000  }
0x4a: {  	[sflag:s17] =	ssyncset.done $0x0  }
0x4b: {  	[sflag:s17] =	ssyncadd.s32 $0xFFFFC000  }
0x4c: {  	[tilespmem:s18], [sflag:$0x2] =	stream.indirect.gather [hbm4b:s9+s15], $0x80, s20, s15, $0xb8;
	[tilespmem:$0x1E800] =	vst v63  }
0x4d: {  	_ = 	snop  }
0x4e: {  	[spmem:s1] =	stream.indirect.scatter.add.f32 [tilespmem:s16], [sflag:$0x3], $0x80, s21, s15, $0xb8;
	[tilespmem:$0x1E800] =	vst v63  }
0x4f: {  	_ =	swait.ge [sflag:s13], $0x4000  }
0x50: {  	[sflag:s13] =	ssyncset.done $0x0  }
0x51: {  	[sflag:s13] =	ssyncadd.s32 $0xFFFFC000  }
0x52: {  	s23 =	sadd.s32 $0x1, s23;
	_ =	swait.ge [sflag:s19], $0x4000  }
0x53: {  	p0 =	sne.s32 s23, $0x4;
	[sflag:s19] =	ssyncset.done $0x0  }
.Ltmp1:
0x54: {  	[sflag:s19] =	ssyncadd.s32 $0xFFFFC000;
	(pc) =	sbr.rel @p0 .LBB2_2-.Ltmp1, $4  }
0x55: {  	[spmem:s1] =	stream.indirect.scatter.add.f32 [tilespmem:s18], [sflag:$0x3], $0x80, s22, s15, $0xb8;
	[tilespmem:$0x1E800] =	vst v63  }
0x56: {  	_ =	swait.ge [sflag:s13], $0x4000  }
0x57: {  	[sflag:s13] =	ssyncset.done $0x0  }
0x58: {  	[sflag:s13] =	ssyncadd.s32 $0xFFFFC000  }
0x59: {  	s3 =	sadd.s32 $0x1, s3  }
0x5a: {  	p0 =	sne.s32 s3, s11  }
.Ltmp2:
0x5b: {  	[bflag:$0x0] =	sbarrier.arrive $0xFFFF;
	(pc) =	sbr.rel @p0 .LBB2_1-.Ltmp2, $4  }
0x5c: {  	[hbm:s10], [sflag:s7] =	dma.local [spmem:s12], $0x2800  }
0x5d: {  	_ =	swait.ge [sflag:s13], $0x2800  }
0x5e: {  	[sflag:s13] =	ssyncset.done $0x0  }
0x5f: {  	[sflag:s13] =	ssyncadd.s32 $0xFFFFD800  }
0x60: {  	_ =	sfence.sel $0x180000  }
0x61: {  	[bflag:$0x0] =	sbarrier.arrive $0xFFFF  }
0x62: {  	p0 =	sne.s32 s2, $0x0;
	_ =	strace $0x9000004D  }
0x63: {  	s0 =	sadd.s32 @!p0 $0x100000, s0;
	[bflag:$0x2] =	sbarrier.arrive $0xFFFF  }
0x64: {  	[sflag:s0] =	ssyncadd.tile.s32 @!p0 $0x1;
	_ =	shalt  }
.Lfunc_end2:
_tile_overlayer_lowered:
.L_overlay_start_2:
0x65: {  	(tag) =	ssettag $0x2  }
0x66: {  	s0 =	rddreg [dreg:$0x0];
	s2 =	stileid.u32  }
0x67: {  	s1 =	rddreg [dreg:$0x1];
	p0 =	sne.s32 s2, $0x0  }
0x68: {  	s3 =	rddreg [dreg:$0x2];
	[bflag:$0x3] =	sbarrier.arrive $0xFFFF;
	s2 =	simm.s32 @!p0 $0x1C03  }
0x69: {  	[timem:s3], [sflag:s2] =	dma.local @!p0 [hbm:s0], s1  }
0x6a: {  	s0 =	simm.s32 @!p0 $0x3  }
0x6b: {  	_ =	swait.ge @!p0 [sflag:s0], s1  }
0x6c: {  	s1 =	ssub.s32 @!p0 $0x0, s1;
	[sflag:s0] =	ssyncset.done @!p0 $0x0  }
0x6d: {  	[sflag:s0] =	ssyncadd.s32 @!p0 s1  }
0x6e: {  	[bflag:$0x3] =	sbarrier.arrive $0xFFFF  }
0x6f: {  	_ =	shalt  }

// kernel: kernel.23.cloned.1.call-start
scs
__scs_entry_jumppad:
0x0: {  	(pc) =	sbr.rel $0x88, $3  }
0x1: {  	(tag) =	ssettag $0x0;
	lr =	simm.s32 $0x1  }
0x2: {  	[smem:$0x3F93] =	sst lr;
	_ =	strace $0xD0000000  }
0x3: {  	_ = 	snop  }
0x4: {  	_ = 	snop  }
0x5: {  	_ = 	snop  }
0x6: {  	_ = 	snop  }
0x7: {  	_ = 	snop  }
__scs_overlays_trampoline_lowered:
0x8: {  	[smem:$0x3FA2] =	sst s0  }
0x9: {  	[smem:$0x3FA3] =	sst s1  }
0xa: {  	[smem:$0x3FA4] =	sst s2  }
0xb: {  	[smem:$0x3FA5] =	sst s3  }
0xc: {  	[smem:$0x3FA6] =	sst s4  }
0xd: {  	[smem:$0x3FA7] =	sst s5  }
0xe: {  	[smem:$0x3FA8] =	sst s6  }
0xf: {  	[smem:$0x3FA9] =	sst s7  }
0x10: {  	[smem:$0x3FAA] =	sst s8  }
0x11: {  	[smem:$0x3FAB] =	sst s9;
	s0 =	simm.s32 @!p0 $0x0  }
0x12: {  	s1 =	sld [smem:$0x3F91];
	s0 =	simm.s32 @p0 $0x1  }
0x13: {  	[smem:$0x3FAC] =	sst s0;
	s0 =	simm.s32 @!p1 $0x0  }
0x14: {  	s2 =	sld [smem:$0x3F90];
	s0 =	simm.s32 @p1 $0x1  }
0x15: {  	[smem:$0x3FAD] =	sst s0;
	s0 =	simm.s32 @!p2 $0x0  }
0x16: {  	s3 =	sld [smem:$0x3FDB];
	s0 =	simm.s32 @p2 $0x1  }
0x17: {  	s4 =	simm.s32 $0x1BF5;
	[smem:$0x3FAF] =	sst s0  }
0x18: {  	s0 =	sld [smem:$0x3F92];
	_ =	swait.ge [sflag:s4], $0x0  }
0x19: {  	s7 =	sld [smem:$0x3F93]  }
0x1a: {  	s8 =	sadd.s32 $0xFFFFE003, lr  }
0x1b: {  	s9 =	sadd.s32 $0xFFFFFEF7, lr;
	s5 =	simm.s32 $0xFFFFFFFF;
	p2 =	slt.u32 s8, $0xFFFFF086  }
0x1c: {  	p1 =	slt.u32 s9, $0xF7A;
	s5 =	simm.s32 @!p2 $0x0  }
0x1d: {  	s5 =	simm.s32 @p1 $0x1;
	p0 =	seq.s32 s7, s2  }
0x1e: {  	s7 =	smul.u32 @!p0 $0xF7A, s2;
	p2 =	seq.s32 @!p0 s5, $0x0  }
0x1f: {  	s9 =	smul.u32 $0xF7A, s1;
	s8 =	simm.s32 @!p0 $0x1BF5;
	p2 =	por !p2, p0  }
0x20: {  	[sflag:s8] =	ssyncset.s32 @!p0 $0xFFFFF086;
	s6 =	sadd.s32 @!p0 s3, s7;
	s7 =	simm.s32 @!p0 $0x108  }
0x21: {  	s3 =	sadd.s32 s3, s9;
	s6 =	sadd.s32 @!p0 $0x88, s6;
	s7 =	simm.s32 @p2 $0x1082  }
0x22: {  	[simem:s7], [sflag:s8] =	dma.local @!p0 [hbm:s6], $0xF7A  }
0x23: {  	s9 =	sor.u32 $0xD0000000, s2;
	s6 =	simm.s32 $0x108;
	_ =	swait.ge @!p0 [sflag:s8], $0x0  }
0x24: {  	s3 =	sadd.s32 $0x88, s3;
	s6 =	simm.s32 @!p1 $0x1082;
	[sflag:s4] =	ssyncset.s32 $0xFFFFF086  }
0x25: {  	[simem:s6], [sflag:s4] =	dma.local [hbm:s3], $0xF7A  }
0x26: {  	[smem:$0x3F93] =	sst s1;
	(tag) =	ssettag s2;
	_ =	strace s9  }
0x27: {  	s1 =	sld [smem:$0x3FA3]  }
0x28: {  	s2 =	sld [smem:$0x3FA4]  }
0x29: {  	s4 =	sld [smem:$0x3FA6]  }
0x2a: {  	p0 =	seq.s32 s5, $0x0;
	s5 =	sld [smem:$0x3FA7]  }
0x2b: {  	s6 =	sld [smem:$0x3FA8]  }
0x2c: {  	s7 =	sld [smem:$0x3FA9]  }
0x2d: {  	s3 =	simm.s32 $0x108;
	s8 =	sld [smem:$0x3FAA]  }
0x2e: {  	s3 =	simm.s32 @!p0 $0x1082;
	s9 =	sld [smem:$0x3FAB]  }
0x2f: {  	lr =	sadd.s32 s0, s3;
	s0 =	sld [smem:$0x3FA2]  }
0x30: {  	s3 =	sld [smem:$0x3FA5]  }
0x31: {  	[smem:$0x3FAE] =	sst s10  }
0x32: {  	s10 =	sld [smem:$0x3FAC];
	_ =	sdelay $0x3  }
0x33: {  	p0 =	seq.s32 s10, $0x1;
	s10 =	sld [smem:$0x3FAE];
	_ =	sdelay $0x3  }
0x34: {  	[smem:$0x3FAE] =	sst s10  }
0x35: {  	s10 =	sld [smem:$0x3FAD];
	_ =	sdelay $0x3  }
0x36: {  	p1 =	seq.s32 s10, $0x1;
	s10 =	sld [smem:$0x3FAE];
	_ =	sdelay $0x3  }
0x37: {  	[smem:$0x3FAE] =	sst s10  }
0x38: {  	s10 =	sld [smem:$0x3FAF]  }
0x39: {  	_ = 	snop;
	(pc) =	sbr.ind lr, $3  }
0x3a: {  	_ = 	snop  }
0x3b: {  	_ = 	snop  }
0x3c: {  	p2 =	seq.s32 s10, $0x1;
	s10 =	sld [smem:$0x3FAE]  }
0x3d: {  	_ =	shalt  }
0x3e: {  	_ =	shalt  }
0x3f: {  	_ =	shalt  }
0x40: {  	_ =	shalt  }
0x41: {  	_ =	shalt  }
0x42: {  	_ =	shalt  }
0x43: {  	_ =	shalt  }
0x44: {  	_ =	shalt  }
0x45: {  	_ =	shalt  }
0x46: {  	_ =	shalt  }
0x47: {  	_ =	shalt  }
0x48: {  	_ =	shalt  }
0x49: {  	_ =	shalt  }
0x4a: {  	_ =	shalt  }
0x4b: {  	_ =	shalt  }
0x4c: {  	_ =	shalt  }
0x4d: {  	_ =	shalt  }
0x4e: {  	_ =	shalt  }
0x4f: {  	_ =	shalt  }
0x50: {  	_ =	shalt  }
0x51: {  	_ =	shalt  }
0x52: {  	_ =	shalt  }
0x53: {  	_ =	shalt  }
0x54: {  	_ =	shalt  }
0x55: {  	_ =	shalt  }
0x56: {  	_ =	shalt  }
0x57: {  	_ =	shalt  }
0x58: {  	_ =	shalt  }
0x59: {  	_ =	shalt  }
0x5a: {  	_ =	shalt  }
0x5b: {  	_ =	shalt  }
0x5c: {  	_ =	shalt  }
0x5d: {  	_ =	shalt  }
0x5e: {  	_ =	shalt  }
0x5f: {  	_ =	shalt  }
0x60: {  	_ =	shalt  }
0x61: {  	_ =	shalt  }
0x62: {  	_ =	shalt  }
0x63: {  	_ =	shalt  }
0x64: {  	_ =	shalt  }
0x65: {  	_ =	shalt  }
0x66: {  	_ =	shalt  }
0x67: {  	_ =	shalt  }
0x68: {  	_ =	shalt  }
0x69: {  	_ =	shalt  }
0x6a: {  	_ =	shalt  }
0x6b: {  	_ =	shalt  }
0x6c: {  	_ =	shalt  }
0x6d: {  	_ =	shalt  }
0x6e: {  	_ =	shalt  }
0x6f: {  	_ =	shalt  }
0x70: {  	_ =	shalt  }
0x71: {  	_ =	shalt  }
0x72: {  	_ =	shalt  }
0x73: {  	_ =	shalt  }
0x74: {  	_ =	shalt  }
0x75: {  	_ =	shalt  }
0x76: {  	_ =	shalt  }
0x77: {  	_ =	shalt  }
0x78: {  	_ =	shalt  }
0x79: {  	_ =	shalt  }
0x7a: {  	_ =	shalt  }
0x7b: {  	_ =	shalt  }
0x7c: {  	_ =	shalt  }
0x7d: {  	_ =	shalt  }
0x7e: {  	_ =	shalt  }
0x7f: {  	_ =	shalt  }
0x80: {  	_ =	shalt  }
0x81: {  	_ =	shalt  }
0x82: {  	_ =	shalt  }
0x83: {  	_ =	shalt  }
0x84: {  	_ =	shalt  }
0x85: {  	_ =	shalt  }
0x86: {  	_ =	shalt  }
0x87: {  	_ =	shalt  }
.Lfunc_end0:
.L_simem_size_0:
called_computation.3_lowered:
.L_overlay_start_0:
0x88: {  	s2 =	sld [smem:$0x3FD9]  }
0x89: {  	s3 =	sld [smem:$0x3FFE];
	_ =	sdelay $0x1  }
0x8a: {  	s1 =	srdreg.scid  }
0x8b: {  	s0 =	sand.u32 $0x1, s1  }
0x8c: {  	s16 =	sshll.u32 s0, $0xA;
	s2 =	sadd.s32 s3, s2  }
0x8d: {  	s2 =	sadd.s32 s2, s16  }
0x8e: {  	[smem:$0x3FBA] =	sst s2  }
0x8f: {  	_ = 	snop  }
0x90: {  	(tm) =	ssettm $0x1  }
0x91: {  	s17 =	sld [smem:$0x3FFB];
	_ =	sdelay $0x3  }
0x92: {  	_ =	strace s17  }
0x93: {  	s2 =	sld [smem:$0x3FFC];
	_ =	sdelay $0x3  }
0x94: {  	_ =	strace s2  }
0x95: {  	s2 =	sld [smem:$0x3FFD];
	_ =	sdelay $0x3  }
0x96: {  	_ =	strace s2  }
0x97: {  	_ =	strace $0x8FFFFFFF  }
0x98: {  	s18 =	sld [smem:$0x3FDB];
	_ =	sdelay $0x1  }
0x99: {  	s19 =	simm.s32 $_scs_section_size  }
0x9a: {  	s4 =	simm.s32 $_size__tile_overlayer_lowered;
	s5 =	simm.s32 $_tile_overlayer_lowered  }
0x9b: {  	s22 =	simm.s32 $0x1BFF;
	s21 =	sshll.u32 s5, $0x1;
	s2 =	sadd.s32 s19, s18  }
0x9c: {  	s6 =	simm.s32 $0x0;
	s20 =	sshll.u32 s4, $0x1;
	s4 =	sadd.s32 s21, s2  }
0x9d: {  	[timem:s6], [sflag:s22] =	dma.local [hbm:s4], s20  }
0x9e: {  	_ =	swait.ge [sflag:s22], s20  }
0x9f: {  	s3 =	ssub.s32 $0x0, s20;
	[sflag:s22] =	ssyncset.done $0x0  }
0xa0: {  	[sflag:s22] =	ssyncadd.s32 s3;
	_ =	sdelay $0x1  }
0xa1: {  	s23 =	simm.s32 $0x1B8B  }
0xa2: {  	_ =	swait.ge [sflag:s23], $0x1  }
0xa3: {  	[sflag:s23] =	ssyncset.done $0x0  }
0xa4: {  	s25 =	simm.s32 $0x1B8E;
	s24 =	sld [smem:$0x3FFE];
	[sflag:s23] =	ssyncadd.s32 $0xFFFFFFFF  }
0xa5: {  	s26 =	simm.s32 $execute0_lowered;
	[smem:$0x3FD2] =	sst s25  }
0xa6: {  	s4 =	sshll.u32 s26, $0x1;
	_ =	strace $0x8000004F;
	[dreg:$0x1] =	wrdreg $0xFFFFFFFF  }
0xa7: {  	s28 =	simm.s32 $_size_execute0_lowered;
	s2 =	sadd.s32 s2, s4;
	[dreg:$0x0] =	wrdreg $0x0  }
0xa8: {  	s4 =	sshll.u32 s28, $0x1;
	[dreg:$0x2] =	wrdreg s2  }
0xa9: {  	[dreg:$0x3] =	wrdreg s4  }
0xaa: {  	[dreg:$0x4] =	wrdreg $0xC0  }
0xab: {  	_ =	task [dreg:s6], $0x5FFFF  }
0xac: {  	[dreg:$0x1] =	wrdreg $0xFFFFFFFF  }
0xad: {  	[dreg:$0x0] =	wrdreg $0x60  }
0xae: {  	[dreg:$0x2] =	wrdreg s24  }
0xaf: {  	[dreg:$0x3] =	wrdreg $0xA8000  }
0xb0: {  	[dreg:$0x4] =	wrdreg $0x9  }
0xb1: {  	_ =	task.clear_ibuf [dreg:s6], $0x5FFFF;
	_ =	strace $0x9000004F  }
0xb2: {  	s29 =	simm.s32 $0x9;
	_ =	strace $0x80000051  }
0xb3: {  	_ =	swait.ge [sflag:s29], $0x1  }
0xb4: {  	[sflag:s29] =	ssyncadd.s32 $0xFFFFFFFF  }
0xb5: {  	_ =	strace $0x90000051  }
0xb6: {  	_ =	sfence  }
0xb7: {  	s30 =	sld [smem:$0x0];
	_ =	sdelay $0x2  }
0xb8: {  	s31 =	sshll.u32 s1, $0xD;
	s1 =	sshrl.u32 s1, $0x2  }
0xb9: {  	s3 =	sand.u32 $0x4000, s31;
	s1 =	sadd.s32 s1, s30  }
0xba: {  	s0 =	sor.u32 s3, s0;
	s1 =	sshll.u32 s1, $0x11  }
0xbb: {  	s0 =	sor.u32 s1, s0  }
0xbc: {  	s0 =	sadd.s32 $0x8F2B, s0  }
0xbd: {  	[sflag:s0] =	ssyncadd.remote.s32 $0x1  }
0xbe: {  	_ =	sfence.sel $0xFFFF  }
0xbf: {  	[dreg:$0x0] =	wrdreg $0xFFFFFFFF;
	(pc) =	sbr.abs _section_cstart, $3  }
0xc0: {  	[dreg:$0x1] =	wrdreg $0xFFFFFFFF  }
0xc1: {  	_ =	task.clear_ibuf [dreg:s6], $0x2FFFF;
	_ =	strace $0x9FFFFFFF  }
0xc2: {  	(tm) =	ssettm $0x7FFFFFFF  }
0xc3: {  	_ =	shalt  }
tec
execute0_lowered:
.L_overlay_start_1:
0x0: {  	(tag) =	ssettag $0x1  }
0x1: {  	s7 =	rddreg [dreg:$0x0]  }
0x2: {  	s0 =	srdreg.scid;
	s1 =	rddreg [dreg:$0x1]  }
0x3: {  	s3 =	simm.s32 $0x0;
	s2 =	stileid.u32;
	s15 =	simm.s32 $0x80  }
0x4: {  	s16 =	simm.s32 $0x2800;
	s17 =	simm.s32 $0x1;
	s18 =	simm.s32 $0x6800  }
0x5: {  	s19 =	simm.s32 $0x2;
	s20 =	simm.s32 $0x1380;
	s21 =	simm.s32 $0x2700  }
0x6: {  	s8 =	sand.u32 $0x1, s0;
	s0 =	rddreg [dreg:$0x2];
	s6 =	smul.u32 $0x14000, s2  }
0x7: {  	s22 =	simm.s32 $0x2780;
	[smem:$0x7FF] =	sst s3;
	s11 =	smul.u32 $0x50000, s2  }
0x8: {  	s12 =	sshll.u32 s2, $0x6;
	s4 =	smul.u32 $0x27100, s8;
	s31 =	ssub.s32 $0x2, s8  }
0x9: {  	s5 =	smul.u32 $0x140000, s8;
	_ =	strace $0x80000050;
	s8 =	sshrl.u32 s31, $0x1  }
0xa: {  	s11 =	sshrl.u32 s11, $0x2;
	s9 =	sadd.s32 s4, s7;
	s4 =	sadd.s32 $0x61C00, s7  }
0xb: {  	s6 =	sadd.s32 s6, s5;
	s5 =	sadd.s32 $0x4C00, s7;
	s13 =	ssub.s32 s31, s8  }
0xc: {  	s14 =	sadd.s32 s11, s1;
	s8 =	smul.u32 $0x5000, s2;
	s10 =	sshrl.u32 s6, $0x3  }
0xd: {  	s6 =	sadd.s32 $0xEC00, s7;
	s9 =	sadd.s32 $0x6BC00, s9;
	s11 =	smax.u32 s13, $0x1  }
0xe: {  	s13 =	simm.s32 $0x3;
	s10 =	sadd.s32 s10, s7;
	s7 =	sor.u32 $0x1C03, s12  }
0xf: {  	s12 =	sshrl.u32 s14, $0x3;
	s14 =	simm.s32 $0x1400;
	s10 =	sadd.s32 $0xB9E00, s10  }
.LBB2_1:
0x10: {  	[spmem:s12], [sflag:s7] =	dma.local [hbm:s6], $0x2800  }
0x11: {  	_ =	swait.ge [sflag:s13], $0x2800  }
0x12: {  	[sflag:s13] =	ssyncset.done $0x0  }
0x13: {  	[sflag:s13] =	ssyncadd.s32 $0xFFFFD800  }
0x14: {  	s23 =	simm.s32 $0x0;
	[bflag:$0x0] =	sbarrier.arrive $0xFFFF  }
.LBB2_2:
0x15: {  	s24 =	smul.u32 $0x1400, s23;
	_ =	sdelay $0x1  }
0x16: {  	s24 =	sadd.s32 s8, s24  }
0x17: {  	s24 =	sshrl.u32 s24, $0x3  }
0x18: {  	s26 =	simm.s32 $0x0;
	s25 =	sadd.s32 s4, s24  }
0x19: {  	[tilespmem:s26], [sflag:$0x3] =	stream.linear.gather [hbm4b:s25+s26], $0x1400, $0x38;
	[tilespmem:$0x1E800] =	vst v63  }
0x1a: {  	_ =	swait.ge [sflag:s13], $0x1400  }
0x1b: {  	[sflag:s13] =	ssyncset.done $0x0  }
0x1c: {  	s24 =	sadd.s32 s5, s24;
	[sflag:s13] =	ssyncadd.s32 $0xFFFFEC00  }
0x1d: {  	[tilespmem:s14], [sflag:$0x3] =	stream.linear.gather [hbm4b:s24+s26], $0x1400, $0x38;
	[tilespmem:$0x1E800] =	vst v63  }
0x1e: {  	_ =	swait.ge [sflag:s13], $0x1400  }
0x1f: {  	[sflag:s13] =	ssyncset.done $0x0  }
0x20: {  	[sflag:s13] =	ssyncadd.s32 $0xFFFFEC00  }
0x21: {  	[tilespmem:s16], [sflag:$0x1] =	stream.indirect.gather [hbm4b:s9+s15], $0x80, s26, s15, $0xb8;
	[tilespmem:$0x1E800] =	vst v63  }
0x22: {  	_ =	swait.ge [sflag:s17], $0x4000  }
0x23: {  	[sflag:s17] =	ssyncset.done $0x0  }
0x24: {  	s28 =	simm.s32 $0x80;
	[sflag:s17] =	ssyncadd.s32 $0xFFFFC000  }
0x25: {  	[tilespmem:s18], [sflag:$0x2] =	stream.indirect.gather [hbm4b:s9+s15], $0x80, s28, s15, $0xb8;
	[tilespmem:$0x1E800] =	vst v63  }
0x26: {  	s29 =	simm.s32 $0x1400  }
0x27: {  	[spmem:s1] =	stream.indirect.scatter.add.f32 [tilespmem:s16], [sflag:$0x3], $0x80, s29, s15, $0xb8;
	[tilespmem:$0x1E800] =	vst v63  }
0x28: {  	_ =	swait.ge [sflag:s13], $0x4000  }
0x29: {  	[sflag:s13] =	ssyncset.done $0x0  }
0x2a: {  	[sflag:s13] =	ssyncadd.s32 $0xFFFFC000  }
0x2b: {  	_ =	swait.ge [sflag:s19], $0x4000  }
0x2c: {  	[sflag:s19] =	ssyncset.done $0x0  }
0x2d: {  	s30 =	simm.s32 $0x100;
	[sflag:s19] =	ssyncadd.s32 $0xFFFFC000  }
0x2e: {  	[tilespmem:s16], [sflag:$0x1] =	stream.indirect.gather [hbm4b:s9+s15], $0x80, s30, s15, $0xb8;
	[tilespmem:$0x1E800] =	vst v63  }
0x2f: {  	s31 =	simm.s32 $0x1480  }
0x30: {  	[spmem:s1] =	stream.indirect.scatter.add.f32 [tilespmem:s18], [sflag:$0x3], $0x80, s31, s15, $0xb8;
	[tilespmem:$0x1E800] =	vst v63  }
0x31: {  	_ =	swait.ge [sflag:s13], $0x4000  }
0x32: {  	s24 =	simm.s32 $0x400;
	[sflag:s13] =	ssyncset.done $0x0  }
.LBB2_3:
0x33: {  	p0 =	sne.s32 s24, $0x4800  }
0x34: {  	[sflag:s13] =	ssyncadd.s32 $0xFFFFC000;
	s25 =	smov.u32 s24;
	s24 =	sadd.s32 $0x400, s24  }
0x35: {  	_ = 	snop  }
0x36: {  	_ =	swait.ge [sflag:s17], $0x4000  }
0x37: {  	s25 =	sshra.s32 s25, $0x2;
	[sflag:s17] =	ssyncset.done $0x0  }
0x38: {  	s26 =	sadd.s32 $0x80, s25;
	[sflag:s17] =	ssyncadd.s32 $0xFFFFC000  }
0x39: {  	[tilespmem:s18], [sflag:$0x2] =	stream.indirect.gather [hbm4b:s9+s15], $0x80, s26, s15, $0xb8;
	[tilespmem:$0x1E800] =	vst v63  }
0x3a: {  	s26 =	sadd.s32 $0x1400, s25  }
0x3b: {  	[spmem:s1] =	stream.indirect.scatter.add.f32 [tilespmem:s16], [sflag:$0x3], $0x80, s26, s15, $0xb8;
	[tilespmem:$0x1E800] =	vst v63  }
0x3c: {  	_ =	swait.ge [sflag:s13], $0x4000  }
0x3d: {  	[sflag:s13] =	ssyncset.done $0x0  }
0x3e: {  	[sflag:s13] =	ssyncadd.s32 $0xFFFFC000  }
0x3f: {  	_ =	swait.ge [sflag:s19], $0x4000  }
0x40: {  	[sflag:s19] =	ssyncset.done $0x0  }
0x41: {  	s26 =	sadd.s32 $0x100, s25;
	[sflag:s19] =	ssyncadd.s32 $0xFFFFC000  }
0x42: {  	[tilespmem:s16], [sflag:$0x1] =	stream.indirect.gather [hbm4b:s9+s15], $0x80, s26, s15, $0xb8;
	[tilespmem:$0x1E800] =	vst v63  }
.Ltmp0:
0x43: {  	_ = 	snop;
	(pc) =	sbr.rel @p0 .LBB2_3-.Ltmp0, $4  }
0x44: {  	s25 =	sadd.s32 $0x1480, s25  }
0x45: {  	[spmem:s1] =	stream.indirect.scatter.add.f32 [tilespmem:s18], [sflag:$0x3], $0x80, s25, s15, $0xb8;
	[tilespmem:$0x1E800] =	vst v63  }
0x46: {  	_ =	swait.ge [sflag:s13], $0x4000  }
0x47: {  	[sflag:s13] =	ssyncset.done $0x0  }
0x48: {  	[sflag:s13] =	ssyncadd.s32 $0xFFFFC000  }
0x49: {  	_ =	swait.ge [sflag:s17], $0x4000  }
0x4a: {  	[sflag:s17] =	ssyncset.done $0x0  }
0x4b: {  	[sflag:s17] =	ssyncadd.s32 $0xFFFFC000  }
0x4c: {  	[tilespmem:s18], [sflag:$0x2] =	stream.indirect.gather [hbm4b:s9+s15], $0x80, s20, s15, $0xb8;
	[tilespmem:$0x1E800] =	vst v63  }
0x4d: {  	_ = 	snop  }
0x4e: {  	[spmem:s1] =	stream.indirect.scatter.add.f32 [tilespmem:s16], [sflag:$0x3], $0x80, s21, s15, $0xb8;
	[tilespmem:$0x1E800] =	vst v63  }
0x4f: {  	_ =	swait.ge [sflag:s13], $0x4000  }
0x50: {  	[sflag:s13] =	ssyncset.done $0x0  }
0x51: {  	[sflag:s13] =	ssyncadd.s32 $0xFFFFC000  }
0x52: {  	s23 =	sadd.s32 $0x1, s23;
	_ =	swait.ge [sflag:s19], $0x4000  }
0x53: {  	p0 =	sne.s32 s23, $0x4;
	[sflag:s19] =	ssyncset.done $0x0  }
.Ltmp1:
0x54: {  	[sflag:s19] =	ssyncadd.s32 $0xFFFFC000;
	(pc) =	sbr.rel @p0 .LBB2_2-.Ltmp1, $4  }
0x55: {  	[spmem:s1] =	stream.indirect.scatter.add.f32 [tilespmem:s18], [sflag:$0x3], $0x80, s22, s15, $0xb8;
	[tilespmem:$0x1E800] =	vst v63  }
0x56: {  	_ =	swait.ge [sflag:s13], $0x4000  }
0x57: {  	[sflag:s13] =	ssyncset.done $0x0  }
0x58: {  	[sflag:s13] =	ssyncadd.s32 $0xFFFFC000  }
0x59: {  	s3 =	sadd.s32 $0x1, s3  }
0x5a: {  	p0 =	sne.s32 s3, s11  }
.Ltmp2:
0x5b: {  	[bflag:$0x0] =	sbarrier.arrive $0xFFFF;
	(pc) =	sbr.rel @p0 .LBB2_1-.Ltmp2, $4  }
0x5c: {  	[hbm:s10], [sflag:s7] =	dma.local [spmem:s12], $0x2800  }
0x5d: {  	_ =	swait.ge [sflag:s13], $0x2800  }
0x5e: {  	[sflag:s13] =	ssyncset.done $0x0  }
0x5f: {  	[sflag:s13] =	ssyncadd.s32 $0xFFFFD800  }
0x60: {  	_ =	sfence.sel $0x180000  }
0x61: {  	[bflag:$0x0] =	sbarrier.arrive $0xFFFF  }
0x62: {  	p0 =	sne.s32 s2, $0x0;
	_ =	strace $0x90000050  }
0x63: {  	s0 =	sadd.s32 @!p0 $0x100000, s0;
	[bflag:$0x2] =	sbarrier.arrive $0xFFFF  }
0x64: {  	[sflag:s0] =	ssyncadd.tile.s32 @!p0 $0x1;
	_ =	shalt  }
.Lfunc_end2:
_tile_overlayer_lowered:
.L_overlay_start_2:
0x65: {  	(tag) =	ssettag $0x2  }
0x66: {  	s0 =	rddreg [dreg:$0x0];
	s2 =	stileid.u32  }
0x67: {  	s1 =	rddreg [dreg:$0x1];
	p0 =	sne.s32 s2, $0x0  }
0x68: {  	s3 =	rddreg [dreg:$0x2];
	[bflag:$0x3] =	sbarrier.arrive $0xFFFF;
	s2 =	simm.s32 @!p0 $0x1C03  }
0x69: {  	[timem:s3], [sflag:s2] =	dma.local @!p0 [hbm:s0], s1  }
0x6a: {  	s0 =	simm.s32 @!p0 $0x3  }
0x6b: {  	_ =	swait.ge @!p0 [sflag:s0], s1  }
0x6c: {  	s1 =	ssub.s32 @!p0 $0x0, s1;
	[sflag:s0] =	ssyncset.done @!p0 $0x0  }
0x6d: {  	[sflag:s0] =	ssyncadd.s32 @!p0 s1  }
0x6e: {  	[bflag:$0x3] =	sbarrier.arrive $0xFFFF  }
0x6f: {  	_ =	shalt  }

</sc_bundles>
